<compile_context>
chip_gen: v7x
topology: tpu7x:2x2x1
jax: 0.10.2.dev20260603
libtpu: 0.0.44.dev20260713+nightly
codegen_flags: <defaults>
</compile_context>

<pallas_src>
import functools

import jax
import jax.numpy as jnp
from jax import lax
from jax.experimental import pallas as pl
from jax.experimental.pallas import tpu as pltpu
from jax.experimental.pallas import tpu_sc as plsc

_NC, _NS = 2, 16
_NW = _NC * _NS
_CHUNK = 128
_G = 512
_RS = float((1.0 + 1e-5) ** -0.5)
_f32 = jnp.float32


def _whole(shape):
  return pl.BlockSpec(shape, lambda i: (0,) * len(shape))


def _prep(node, W_nemb, b_nemb, W_eemb, b_eemb, e1W2, p1We, p1b):
  n, d = node.shape
  de = W_eemb.shape[0]
  h1 = p1We.shape[1]
  bn = 1000
  grid = n // bn

  def body(node_ref, wn_ref, bnemb_ref, we_ref, beemb_ref, e1w2_ref, p1we_ref,
           p1b_ref, nh0_ref, wfaug_ref, weh_ref, b1eff_ref):
    x = node_ref[...]
    nh0_ref[...] = (jnp.dot(x, wn_ref[...], preferred_element_type=_f32, precision=lax.Precision.HIGHEST)
                    + bnemb_ref[...][None, :])

    @pl.when(pl.program_id(0) == 0)
    def _():
      we = we_ref[...]
      e1w2 = e1w2_ref[...]
      p1we = p1we_ref[...]
      be = beemb_ref[...]
      wfaug_ref[...] = jnp.zeros((d, d), _f32)
      wfaug_ref[0:de, :] = jnp.dot(we, e1w2, preferred_element_type=_f32, precision=lax.Precision.HIGHEST)
      bf = jnp.sum(be[:, None] * e1w2, axis=0)
      wfaug_ref[de:de + 1, :] = bf[None, :]
      weh_ref[...] = jnp.dot(we, p1we, preferred_element_type=_f32, precision=lax.Precision.HIGHEST)
      b1 = p1b_ref[...] + jnp.sum(be[:, None] * p1we, axis=0)
      b1eff_ref[...] = jnp.broadcast_to(b1[None, :], (8, h1))

  return pl.pallas_call(
      body,
      grid=(grid,),
      in_specs=[
          pl.BlockSpec((bn, d), lambda i: (i, 0)),
          _whole((d, d)), _whole((d,)), _whole((de, d)), _whole((d,)),
          _whole((d, d)), _whole((d, h1)), _whole((h1,)),
      ],
      out_specs=(
          pl.BlockSpec((bn, d), lambda i: (i, 0)),
          _whole((d, d)), _whole((de, h1)), _whole((8, h1)),
      ),
      out_shape=(
          jax.ShapeDtypeStruct((n, d), _f32),
          jax.ShapeDtypeStruct((d, d), _f32),
          jax.ShapeDtypeStruct((de, h1), _f32),
          jax.ShapeDtypeStruct((8, h1), _f32),
      ),
  )(node, W_nemb, b_nemb, W_eemb, b_eemb, e1W2, p1We, p1b)


def _sc_mesh():
  return plsc.VectorSubcoreMesh(core_axis_name="c", subcore_axis_name="s",
                                num_cores=_NC, num_subcores=_NS)


def _rows_split(n):
  rps = (-(-n // _NS) + 7) // 8 * 8
  last = n - (_NS - 1) * rps
  return rps, last


def _sc_edge_prep(sd, edge_aug, z128, n):
  d = edge_aug.shape[1]
  nchunks = sd.shape[0]
  rps, rlast = _rows_split(n)

  @functools.partial(
      pl.kernel, mesh=_sc_mesh(),
      out_type=jax.ShapeDtypeStruct((_NC, n, d), _f32),
      scratch_types=[
          pltpu.VMEM((2, _CHUNK), jnp.int32),
          pltpu.VMEM((_CHUNK, d), _f32),
          pltpu.VMEM_SHARED((n, d), _f32),
      ],
  )
  def k(sd_hbm, ea_hbm, z128_hbm, out_hbm, idxb, erows, acc):
    c = lax.axis_index("c")
    s = lax.axis_index("s")
    w = s * _NC + c
    r0 = pl.multiple_of(s * rps, 8)
    pl.when(s < _NS - 1)(lambda: pltpu.sync_copy(
        z128_hbm.at[pl.ds(r0, rps)], acc.at[pl.ds(r0, rps)]))
    pl.when(s == _NS - 1)(lambda: pltpu.sync_copy(
        z128_hbm.at[pl.ds(r0, rlast)], acc.at[pl.ds(r0, rlast)]))
    plsc.subcore_barrier()
    lo = nchunks * w // _NW
    hi = nchunks * (w + 1) // _NW

    def step(i, carry):
      pltpu.sync_copy(sd_hbm.at[i], idxb)
      pltpu.sync_copy(ea_hbm.at[pl.ds(i * _CHUNK, _CHUNK)], erows)
      pltpu.sync_copy(erows, acc.at[idxb.at[1]], add=True)
      return carry

    lax.fori_loop(lo, hi, step, 0)
    plsc.subcore_barrier()
    pl.when(s < _NS - 1)(lambda: pltpu.sync_copy(
        acc.at[pl.ds(r0, rps)], out_hbm.at[c, pl.ds(r0, rps)]))
    pl.when(s == _NS - 1)(lambda: pltpu.sync_copy(
        acc.at[pl.ds(r0, rlast)], out_hbm.at[c, pl.ds(r0, rlast)]))

  return k(sd, edge_aug, z128)


def _sc_scatter(nh, sd, z128):
  n, d = nh.shape
  nchunks = sd.shape[0]
  rps, rlast = _rows_split(n)

  @functools.partial(
      pl.kernel, mesh=_sc_mesh(),
      out_type=jax.ShapeDtypeStruct((_NC, n, d), _f32),
      scratch_types=[
          pltpu.VMEM((2, _CHUNK), jnp.int32),
          pltpu.VMEM((_CHUNK, d), _f32),
          pltpu.VMEM_SHARED((n, d), _f32),
          pltpu.SemaphoreType.DMA,
      ],
  )
  def k(nh_hbm, sd_hbm, z128_hbm, outN_hbm, idxb, rows, accN, sem):
    c = lax.axis_index("c")
    s = lax.axis_index("s")
    w = s * _NC + c
    r0 = pl.multiple_of(s * rps, 8)
    pl.when(s < _NS - 1)(lambda: pltpu.sync_copy(
        z128_hbm.at[pl.ds(r0, rps)], accN.at[pl.ds(r0, rps)]))
    pl.when(s == _NS - 1)(lambda: pltpu.sync_copy(
        z128_hbm.at[pl.ds(r0, rlast)], accN.at[pl.ds(r0, rlast)]))
    plsc.subcore_barrier()
    lo = nchunks * w // _NW
    hi = nchunks * (w + 1) // _NW

    def step(i, carry):
      pltpu.sync_copy(sd_hbm.at[i], idxb)
      pltpu.async_copy(nh_hbm.at[idxb.at[0]], rows, sem).wait()
      pltpu.sync_copy(rows, accN.at[idxb.at[1]], add=True)
      return carry

    lax.fori_loop(lo, hi, step, 0)
    plsc.subcore_barrier()
    pl.when(s < _NS - 1)(lambda: pltpu.sync_copy(
        accN.at[pl.ds(r0, rps)], outN_hbm.at[c, pl.ds(r0, rps)]))
    pl.when(s == _NS - 1)(lambda: pltpu.sync_copy(
        accN.at[pl.ds(r0, rlast)], outN_hbm.at[c, pl.ds(r0, rlast)]))

  return k(nh, sd, z128)


def _layer(nh, sp, W0, W1, seaug=None, wfaug=None):
  n, d = nh.shape
  bn = 1000
  grid = n // bn
  with_edge = seaug is not None

  def body(*refs):
    if with_edge:
      nh_ref, sp_ref, w0_ref, w1_ref, se_ref, wf_ref, out_ref = refs
    else:
      nh_ref, sp_ref, w0_ref, w1_ref, out_ref = refs
    x = nh_ref[...]
    sagg = sp_ref[0] + sp_ref[1]
    acc = jnp.dot(x, w0_ref[...], preferred_element_type=_f32, precision=lax.Precision.HIGHEST)
    acc = acc + jnp.dot(sagg, w1_ref[...], preferred_element_type=_f32, precision=lax.Precision.HIGHEST)
    if with_edge:
      se = se_ref[0] + se_ref[1]
      acc = acc + jnp.dot(se, wf_ref[...], preferred_element_type=_f32, precision=lax.Precision.HIGHEST)
    out_ref[...] = jnp.maximum(acc, 0.0)

  in_specs = [
      pl.BlockSpec((bn, d), lambda i: (i, 0)),
      pl.BlockSpec((2, bn, d), lambda i: (0, i, 0)),
      _whole((d, d)), _whole((d, d)),
  ]
  args = [nh, sp, W0, W1]
  if with_edge:
    in_specs += [pl.BlockSpec((2, bn, d), lambda i: (0, i, 0)),
                 _whole((d, d))]
    args += [seaug, wfaug]

  return pl.pallas_call(
      body,
      grid=(grid,),
      in_specs=in_specs,
      out_specs=pl.BlockSpec((bn, d), lambda i: (i, 0)),
      out_shape=jax.ShapeDtypeStruct((n, d), _f32),
  )(*args)


def _pool(nh, node_index):
  n, d = nh.shape
  g = _G

  def body(idx_ref, nh_ref, out_ref, sum_scr, mx_scr, cnt_scr):
    sum_scr[...] = jnp.zeros((g, d), _f32)
    mx_scr[...] = jnp.full((g, d), -jnp.inf, _f32)
    cnt_scr[...] = jnp.zeros((g, d), _f32)

    def step(i, carry):
      gi = idx_ref[i]
      row = nh_ref[pl.ds(i, 1), :]
      sum_scr[pl.ds(gi, 1), :] = sum_scr[pl.ds(gi, 1), :] + row
      mx_scr[pl.ds(gi, 1), :] = jnp.maximum(mx_scr[pl.ds(gi, 1), :], row)
      cnt_scr[pl.ds(gi, 1), :] = cnt_scr[pl.ds(gi, 1), :] + 1.0
      return carry

    lax.fori_loop(0, n, step, 0)
    cnt = cnt_scr[:, 0:1]
    mean = sum_scr[...] / jnp.maximum(cnt, 1.0)
    mx = jnp.where(cnt > 0.0, mx_scr[...], 0.0)
    out_ref[:, :d] = mean
    out_ref[:, d:] = mx

  return pl.pallas_call(
      body,
      in_specs=[
          pl.BlockSpec(memory_space=pltpu.SMEM),
          pl.BlockSpec((n, d), lambda: (0, 0)),
      ],
      out_specs=pl.BlockSpec((g, 2 * d), lambda: (0, 0)),
      out_shape=jax.ShapeDtypeStruct((g, 2 * d), _f32),
      scratch_shapes=[
          pltpu.VMEM((g, d), _f32),
          pltpu.VMEM((g, d), _f32),
          pltpu.VMEM((g, d), _f32),
      ],
  )(node_index, nh)


def _sc_gather(pool, nh, edge8, quad):
  g, d2 = pool.shape
  n, d = nh.shape
  d8 = edge8.shape[1]
  nchunks = quad.shape[0]
  cp = nchunks * _CHUNK

  @functools.partial(
      pl.kernel, mesh=_sc_mesh(),
      out_type=(jax.ShapeDtypeStruct((cp, d2), _f32),
                jax.ShapeDtypeStruct((cp, d), _f32),
                jax.ShapeDtypeStruct((cp, d), _f32),
                jax.ShapeDtypeStruct((cp, d8), _f32)),
      scratch_types=[
          pltpu.VMEM((4, _CHUNK), jnp.int32),
          pltpu.VMEM((_CHUNK, d2), _f32),
          pltpu.VMEM((_CHUNK, d), _f32),
          pltpu.VMEM((_CHUNK, d), _f32),
          pltpu.VMEM((_CHUNK, d8), _f32),
          pltpu.SemaphoreType.DMA,
      ],
  )
  def k(pool_hbm, nh_hbm, edge_hbm, quad_hbm,
        outP_hbm, out0_hbm, out1_hbm, outE_hbm,
        idxq, pbuf, b0, b1, ebuf, sem):
    c = lax.axis_index("c")
    s = lax.axis_index("s")
    w = s * _NC + c
    lo = nchunks * w // _NW
    hi = nchunks * (w + 1) // _NW

    def step(i, carry):
      pltpu.sync_copy(quad_hbm.at[i], idxq)
      d0 = pltpu.async_copy(nh_hbm.at[idxq.at[0]], b0, sem)
      d1 = pltpu.async_copy(nh_hbm.at[idxq.at[1]], b1, sem)
      d2 = pltpu.async_copy(pool_hbm.at[idxq.at[2]], pbuf, sem)
      d3 = pltpu.async_copy(edge_hbm.at[idxq.at[3]], ebuf, sem)
      d0.wait()
      d1.wait()
      d2.wait()
      d3.wait()
      base = i * _CHUNK
      pltpu.sync_copy(pbuf, outP_hbm.at[pl.ds(base, _CHUNK)])
      pltpu.sync_copy(b0, out0_hbm.at[pl.ds(base, _CHUNK)])
      pltpu.sync_copy(b1, out1_hbm.at[pl.ds(base, _CHUNK)])
      pltpu.sync_copy(ebuf, outE_hbm.at[pl.ds(base, _CHUNK)])
      return carry

    lax.fori_loop(lo, hi, step, 0)

  return k(pool, nh, edge8, quad)


def _head(Pc, N0, N1, EC8, celo, Wp, Wn0, Wn1, Wat, WeH, b1eff,
          p1g, p1bt, p2W, p2b, p2g, p2bt, p3T, p3b, de):
  cp, d2 = Pc.shape
  d = N0.shape[1]
  h1 = Wp.shape[1]
  h2 = p2W.shape[1]
  bt = 256
  grid = cp // bt
  ngroup = EC8.shape[1] // de

  def body(pc_ref, n0_ref, n1_ref, ec_ref, celo_ref, wp_ref, wn0_ref, wn1_ref,
           wat_ref, weh_ref, b1_ref, g1_ref, bt1_ref, w2_ref, b2_ref, g2_ref,
           bt2_ref, p3_ref, p3b_ref, out_ref):
    n0 = n0_ref[...]
    n1 = n1_ref[...]
    att = n0 + n1 - n0 * n1
    ec8 = ec_ref[...]
    cem = celo_ref[...]
    ec = jnp.zeros((bt, de), _f32)
    for kk in range(ngroup):
      m = (cem == kk).astype(_f32)[:, None]
      ec = ec + m * ec8[:, kk * de:(kk + 1) * de]
    h = jnp.dot(pc_ref[...], wp_ref[...], preferred_element_type=_f32, precision=lax.Precision.DEFAULT)
    h = h + jnp.dot(n0, wn0_ref[...], preferred_element_type=_f32, precision=lax.Precision.DEFAULT)
    h = h + jnp.dot(n1, wn1_ref[...], preferred_element_type=_f32, precision=lax.Precision.DEFAULT)
    h = h + jnp.dot(att, wat_ref[...], preferred_element_type=_f32, precision=lax.Precision.DEFAULT)
    h = h + jnp.dot(ec, weh_ref[...], preferred_element_type=_f32, precision=lax.Precision.DEFAULT)
    h = h + b1_ref[0][None, :]
    h = h * (_RS * g1_ref[...])[None, :] + bt1_ref[...][None, :]
    h = jnp.maximum(h, 0.0)
    h = jnp.dot(h, w2_ref[...], preferred_element_type=_f32, precision=lax.Precision.DEFAULT) + b2_ref[...][None, :]
    h = h * (_RS * g2_ref[...])[None, :] + bt2_ref[...][None, :]
    h = jnp.maximum(h, 0.0)
    res = jnp.sum(h * p3_ref[0][None, :], axis=1) + p3b_ref[0]
    out_ref[0, 0, :] = res

  return pl.pallas_call(
      body,
      grid=(grid,),
      in_specs=[
          pl.BlockSpec((bt, d2), lambda i: (i, 0)),
          pl.BlockSpec((bt, d), lambda i: (i, 0)),
          pl.BlockSpec((bt, d), lambda i: (i, 0)),
          pl.BlockSpec((bt, EC8.shape[1]), lambda i: (i, 0)),
          pl.BlockSpec((bt,), lambda i: (i,)),
          _whole((d2, h1)), _whole((d, h1)), _whole((d, h1)), _whole((d, h1)),
          _whole((de, h1)), _whole((8, h1)), _whole((h1,)), _whole((h1,)),
          _whole((h1, h2)), _whole((h2,)), _whole((h2,)), _whole((h2,)),
          _whole((8, h2)),
          pl.BlockSpec(memory_space=pltpu.SMEM),
      ],
      out_specs=pl.BlockSpec((1, 1, bt), lambda i: (i, 0, 0)),
      out_shape=jax.ShapeDtypeStruct((grid, 1, bt), _f32),
  )(Pc, N0, N1, EC8, celo, Wp, Wn0, Wn1, Wat, WeH, b1eff,
    p1g, p1bt, p2W, p2b, p2g, p2bt, p3T, p3b)


def kernel(node, edge, edge_index, node_index, coupling_index,
           W_nemb, b_nemb, W_eemb, b_eemb,
           enc1_W0, enc1_W1, enc1_W2,
           enc2_W0, enc2_W1, enc3_W0, enc3_W1,
           p1_W, p1_b, p1_g, p1_beta,
           p2_W, p2_b, p2_g, p2_beta,
           p3_W, p3_b):
  n, d = node.shape
  e, de = edge.shape
  c = coupling_index.shape[0]

  src = edge_index[:, 0]
  dst = edge_index[:, 1]
  ne_chunks = e // _CHUNK
  sd = jnp.stack([src.reshape(ne_chunks, _CHUNK),
                  dst.reshape(ne_chunks, _CHUNK)], axis=1)
  z128 = jnp.zeros((n, d), _f32)
  edge_aug = jnp.concatenate(
      [edge, jnp.ones((e, 1), _f32), jnp.zeros((e, d - de - 1), _f32)], axis=1)
  edge8 = edge.reshape(e // 8, 8 * de)

  nh0, wfaug, weh, b1eff = _prep(
      node, W_nemb, b_nemb, W_eemb, b_eemb, enc1_W2, p1_W[5 * d:6 * d], p1_b)

  seaug = _sc_edge_prep(sd, edge_aug, z128, n)
  s1 = _sc_scatter(nh0, sd, z128)
  nh1 = _layer(nh0, s1, enc1_W0, enc1_W1, seaug, wfaug)
  s2 = _sc_scatter(nh1, sd, z128)
  nh2 = _layer(nh1, s2, enc2_W0, enc2_W1)
  s3 = _sc_scatter(nh2, sd, z128)
  nh3 = _layer(nh2, s3, enc3_W0, enc3_W1)

  pool = _pool(nh3, node_index)

  nc_chunks = -(-c // _CHUNK)
  cpad = nc_chunks * _CHUNK - c
  a0 = coupling_index[:, 0]
  a1 = coupling_index[:, 1]
  cb = coupling_index[:, 3]
  ce = coupling_index[:, 4]
  quad = jnp.stack([
      jnp.pad(a0, (0, cpad)).reshape(nc_chunks, _CHUNK),
      jnp.pad(a1, (0, cpad)).reshape(nc_chunks, _CHUNK),
      jnp.pad(cb, (0, cpad)).reshape(nc_chunks, _CHUNK),
      jnp.pad(ce // 8, (0, cpad)).reshape(nc_chunks, _CHUNK),
  ], axis=1)
  celo = jnp.pad(ce % 8, (0, cpad))
  Pc, N0, N1, EC8 = _sc_gather(pool, nh3, edge8, quad)

  out = _head(Pc, N0, N1, EC8, celo,
              p1_W[0:2 * d], p1_W[2 * d:3 * d], p1_W[3 * d:4 * d],
              p1_W[4 * d:5 * d], weh, b1eff,
              p1_g, p1_beta, p2_W, p2_b, p2_g, p2_beta,
              jnp.broadcast_to(p3_W.T, (8, p3_W.shape[0])), p3_b, de)
  return out.reshape(-1)[:c]

# --- scband reference (transcript-rebuilt; emitter-appended) ---
"""Pipeline reference for scband-type-net-2774548873470 (READ-ONLY COPY).

The authoritative reference and input builder live on the scoring server;
editing this copy changes nothing except your own understanding.
"""

import jax, jax.numpy as jnp
import numpy as np

N, E, G, C, D, DE = 10000, 320000, 512, 100000, 128, 16


def setup_inputs(seed: int = 0) -> dict:
    key = jax.random.key(seed)
    ks = jax.random.split(key, 32)
    node = jax.random.normal(ks[0], (N, D), dtype=jnp.float32)
    edge = jax.random.normal(ks[1], (E, DE), dtype=jnp.float32)
    edge_index = jax.random.randint(ks[2], (E, 2), 0, N, dtype=jnp.int32)
    node_index = jnp.sort(jax.random.randint(ks[3], (N,), 0, G, dtype=jnp.int32))
    atom0 = jax.random.randint(ks[4], (C,), 0, N, dtype=jnp.int32)
    atom1 = jax.random.randint(ks[5], (C,), 0, N, dtype=jnp.int32)
    ctype = jnp.zeros((C,), dtype=jnp.int32)  # predict head has 1 output column
    cbatch = jax.random.randint(ks[6], (C,), 0, G, dtype=jnp.int32)
    cedge = jax.random.randint(ks[7], (C,), 0, E, dtype=jnp.int32)
    coupling_index = jnp.stack([atom0, atom1, ctype, cbatch, cedge], axis=1)
    s = 0.05
    inp = dict(node=node, edge=edge, edge_index=edge_index, node_index=node_index,
               coupling_index=coupling_index)
    inp['W_nemb'] = jax.random.normal(ks[8], (D, D), dtype=jnp.float32) * s
    inp['b_nemb'] = jnp.zeros((D,), dtype=jnp.float32)
    inp['W_eemb'] = jax.random.normal(ks[9], (DE, D), dtype=jnp.float32) * s
    inp['b_eemb'] = jnp.zeros((D,), dtype=jnp.float32)
    inp['enc1_W0'] = jax.random.normal(ks[10], (D, D), dtype=jnp.float32) * s
    inp['enc1_W1'] = jax.random.normal(ks[11], (D, D), dtype=jnp.float32) * s
    inp['enc1_W2'] = jax.random.normal(ks[12], (D, D), dtype=jnp.float32) * s
    inp['enc2_W0'] = jax.random.normal(ks[13], (D, D), dtype=jnp.float32) * s
    inp['enc2_W1'] = jax.random.normal(ks[14], (D, D), dtype=jnp.float32) * s
    inp['enc3_W0'] = jax.random.normal(ks[15], (D, D), dtype=jnp.float32) * s
    inp['enc3_W1'] = jax.random.normal(ks[16], (D, D), dtype=jnp.float32) * s
    inp['p1_W'] = jax.random.normal(ks[17], (6 * D, 1024), dtype=jnp.float32) * s
    inp['p1_b'] = jnp.zeros((1024,), dtype=jnp.float32)
    inp['p1_g'] = jnp.ones((1024,), dtype=jnp.float32)
    inp['p1_beta'] = jnp.zeros((1024,), dtype=jnp.float32)
    inp['p2_W'] = jax.random.normal(ks[18], (1024, 512), dtype=jnp.float32) * s
    inp['p2_b'] = jnp.zeros((512,), dtype=jnp.float32)
    inp['p2_g'] = jnp.ones((512,), dtype=jnp.float32)
    inp['p2_beta'] = jnp.zeros((512,), dtype=jnp.float32)
    inp['p3_W'] = jax.random.normal(ks[19], (512, 1), dtype=jnp.float32) * s
    inp['p3_b'] = jnp.zeros((1,), dtype=jnp.float32)
    return inp


def reference(node, edge, edge_index, node_index, coupling_index,
              W_nemb, b_nemb, W_eemb, b_eemb,
              enc1_W0, enc1_W1, enc1_W2,
              enc2_W0, enc2_W1, enc3_W0, enc3_W1,
              p1_W, p1_b, p1_g, p1_beta,
              p2_W, p2_b, p2_g, p2_beta,
              p3_W, p3_b):
    eps = 1e-5
    ei = edge_index.T  # edge_index.t().contiguous()
    src, dst = ei[0], ei[1]
    a0 = coupling_index[:, 0]
    a1 = coupling_index[:, 1]
    ct = coupling_index[:, 2]
    cb = coupling_index[:, 3]
    ce = coupling_index[:, 4]
    # embeddings
    node_h = node @ W_nemb + b_nemb
    edge_h = edge @ W_eemb + b_eemb
    # encoder1 (uses edge features)
    msg = jnp.take(node_h, src, axis=0) @ enc1_W1 + edge_h @ enc1_W2
    agg = jax.ops.segment_sum(msg, dst, num_segments=N)
    node_h = jax.nn.relu(node_h @ enc1_W0 + agg)
    # encoder2
    agg = jax.ops.segment_sum(jnp.take(node_h, src, axis=0) @ enc2_W1, dst, num_segments=N)
    node_h = jax.nn.relu(node_h @ enc2_W0 + agg)
    # encoder3
    agg = jax.ops.segment_sum(jnp.take(node_h, src, axis=0) @ enc3_W1, dst, num_segments=N)
    node_h = jax.nn.relu(node_h @ enc3_W0 + agg)
    # decoder: per-graph pooling (mean || max) -> [G, 2*D]
    ssum = jax.ops.segment_sum(node_h, node_index, num_segments=G)
    cnt = jax.ops.segment_sum(jnp.ones((N,), jnp.float32), node_index, num_segments=G)
    cnt = jnp.maximum(cnt, 1.0)
    mean = ssum / cnt[:, None]
    smax = jax.ops.segment_max(node_h, node_index, num_segments=G)
    smax = jnp.where(jnp.isfinite(smax), smax, 0.0)
    pool = jnp.concatenate([mean, smax], axis=-1)
    # gather per coupling
    pool_c = jnp.take(pool, cb, axis=0)
    n0 = jnp.take(node_h, a0, axis=0)
    n1 = jnp.take(node_h, a1, axis=0)
    e_c = jnp.take(edge_h, ce, axis=0)
    att = n0 + n1 - n0 * n1
    x = jnp.concatenate([pool_c, n0, n1, att, e_c], axis=-1)  # [C, 6*D]
    # predict head: LinearBn -> ReLU -> LinearBn -> ReLU -> (Dropout eval) -> Linear
    x = x @ p1_W + p1_b
    x = x / jnp.sqrt(1.0 + eps) * p1_g + p1_beta
    x = jax.nn.relu(x)
    x = x @ p2_W + p2_b
    x = x / jnp.sqrt(1.0 + eps) * p2_g + p2_beta
    x = jax.nn.relu(x)
    predict = x @ p3_W + p3_b  # [C, 1]
    out = jnp.take_along_axis(predict, ct[:, None], axis=1).reshape(-1)
    return out

if __name__ == "__main__":
    import jax
    _d = setup_inputs()
    print(jax.jit(kernel)(*tuple(_d.values())))

</pallas_src>

<mosaic_0001>
#map = affine_map<(d0, d1) -> (0, 0)>
#map1 = affine_map<(d0, d1) -> (0, 0, 0)>
module attributes {stable_mosaic.version = 14 : i64} {
  func.func @k(%arg0: i32, %arg1: i32, %arg2: memref<10000x128xf32, #tpu.memory_space<hbm>>, %arg3: memref<2500x2x128xi32, #tpu.memory_space<hbm>>, %arg4: memref<10000x128xf32, #tpu.memory_space<hbm>>, %arg5: memref<2x10000x128xf32, #tpu.memory_space<hbm>>, %arg6: memref<2x128xi32, #tpu.memory_space<vmem>>, %arg7: memref<128x128xf32, #tpu.memory_space<vmem>>, %arg8: memref<10000x128xf32, #tpu.memory_space<vmem_shared>>, %arg9: memref<!tpu.dma_semaphore, #tpu.memory_space<semaphore_mem>>) attributes {dimension_semantics = [#tpu.dimension_semantics<core_parallel>, #tpu.dimension_semantics<subcore_parallel>], iteration_bounds = array<i64: 2, 16>, scalar_prefetch = 0 : i64, scratch_operands = 4 : i64, tpu.core_type = #tpu.core_type<sc_vector_subcore>, window_params = [{transform_indices = #map}, {transform_indices = #map1}, {transform_indices = #map}, {transform_indices = #map1}]} {
    %mul3A = arith.constant 2 : i32
    %mul3A_0 = arith.muli %arg1, %mul3A : i32
    %add3A = arith.addi %mul3A_0, %arg0 : i32
    %mul3A_1 = arith.constant 632 : i32
    %mul3A_2 = arith.muli %arg1, %mul3A_1 : i32
    %multiple_of3A = tpu.assume_multiple %mul3A_2, 8 : i32
    %lt3A = arith.constant 15 : i32
    %lt3A_3 = arith.cmpi slt, %arg1, %lt3A : i32
    %convert_element_type3A = arith.extui %lt3A_3 : i1 to i32
    %cond3A = arith.constant 0 : i32
    %cond3A_4 = arith.cmpi ne, %convert_element_type3A, %cond3A : i32
    scf.if %cond3A_4 {
      "tpu.region"() ({
        %run_scoped3A = tpu.sem_alloc : memref<!tpu.dma_semaphore, #tpu.memory_space<semaphore_mem>>
        %dma_start3A = arith.constant 0 : i32
        %dma_start3A_74 = tpu.memref_slice %arg8[%multiple_of3A, %dma_start3A] : memref<10000x128xf32, #tpu.memory_space<vmem_shared>> -> memref<632x128xf32, #tpu.memory_space<vmem_shared>>
        %dma_start3A_75 = arith.constant 0 : i32
        %dma_start3A_76 = tpu.memref_slice %arg4[%multiple_of3A, %dma_start3A_75] : memref<10000x128xf32, #tpu.memory_space<hbm>> -> memref<632x128xf32, #tpu.memory_space<hbm>>
        tpu.enqueue_dma source(%dma_start3A_76 : memref<632x128xf32, #tpu.memory_space<hbm>>) target(%dma_start3A_74 : memref<632x128xf32, #tpu.memory_space<vmem_shared>>) target_semaphore(%run_scoped3A : memref<!tpu.dma_semaphore, #tpu.memory_space<semaphore_mem>>)
        %dma_wait3A = arith.constant 0 : i32
        %dma_wait3A_77 = tpu.memref_slice %arg8[%multiple_of3A, %dma_wait3A] : memref<10000x128xf32, #tpu.memory_space<vmem_shared>> -> memref<632x128xf32, #tpu.memory_space<vmem_shared>>
        %dma_wait3A_78 = arith.constant 0 : i32
        %dma_wait3A_79 = tpu.memref_slice %arg4[%multiple_of3A, %dma_wait3A_78] : memref<10000x128xf32, #tpu.memory_space<hbm>> -> memref<632x128xf32, #tpu.memory_space<hbm>>
        tpu.wait_dma2 semaphore(%run_scoped3A : memref<!tpu.dma_semaphore, #tpu.memory_space<semaphore_mem>>) src(%dma_wait3A_79 : memref<632x128xf32, #tpu.memory_space<hbm>>) dst(%dma_wait3A_77 : memref<632x128xf32, #tpu.memory_space<vmem_shared>>)
        tpu.yield
      }) : () -> ()
    } else {
    }
    %eq3A = arith.constant 15 : i32
    %eq3A_5 = arith.cmpi eq, %arg1, %eq3A : i32
    %convert_element_type3A_6 = arith.extui %eq3A_5 : i1 to i32
    %cond3A_7 = arith.constant 0 : i32
    %cond3A_8 = arith.cmpi ne, %convert_element_type3A_6, %cond3A_7 : i32
    scf.if %cond3A_8 {
      "tpu.region"() ({
        %run_scoped3A = tpu.sem_alloc : memref<!tpu.dma_semaphore, #tpu.memory_space<semaphore_mem>>
        %dma_start3A = arith.constant 0 : i32
        %dma_start3A_74 = tpu.memref_slice %arg8[%multiple_of3A, %dma_start3A] : memref<10000x128xf32, #tpu.memory_space<vmem_shared>> -> memref<520x128xf32, #tpu.memory_space<vmem_shared>>
        %dma_start3A_75 = arith.constant 0 : i32
        %dma_start3A_76 = tpu.memref_slice %arg4[%multiple_of3A, %dma_start3A_75] : memref<10000x128xf32, #tpu.memory_space<hbm>> -> memref<520x128xf32, #tpu.memory_space<hbm>>
        tpu.enqueue_dma source(%dma_start3A_76 : memref<520x128xf32, #tpu.memory_space<hbm>>) target(%dma_start3A_74 : memref<520x128xf32, #tpu.memory_space<vmem_shared>>) target_semaphore(%run_scoped3A : memref<!tpu.dma_semaphore, #tpu.memory_space<semaphore_mem>>)
        %dma_wait3A = arith.constant 0 : i32
        %dma_wait3A_77 = tpu.memref_slice %arg8[%multiple_of3A, %dma_wait3A] : memref<10000x128xf32, #tpu.memory_space<vmem_shared>> -> memref<520x128xf32, #tpu.memory_space<vmem_shared>>
        %dma_wait3A_78 = arith.constant 0 : i32
        %dma_wait3A_79 = tpu.memref_slice %arg4[%multiple_of3A, %dma_wait3A_78] : memref<10000x128xf32, #tpu.memory_space<hbm>> -> memref<520x128xf32, #tpu.memory_space<hbm>>
        tpu.wait_dma2 semaphore(%run_scoped3A : memref<!tpu.dma_semaphore, #tpu.memory_space<semaphore_mem>>) src(%dma_wait3A_79 : memref<520x128xf32, #tpu.memory_space<hbm>>) dst(%dma_wait3A_77 : memref<520x128xf32, #tpu.memory_space<vmem_shared>>)
        tpu.yield
      }) : () -> ()
    } else {
    }
    %barrier3A = arith.constant 0 : index
    tpu.barrier barrier_id(%barrier3A)
    %mul3A_9 = arith.constant 2500 : i32
    %mul3A_10 = arith.muli %mul3A_9, %add3A : i32
    %jit3A = arith.constant 32 : i32
    %div3A = arith.divsi %mul3A_10, %jit3A : i32
    %sign3A = arith.constant 0 : i32
    %sign3A_11 = arith.cmpi sgt, %mul3A_10, %sign3A : i32
    %sign3A_12 = arith.extui %sign3A_11 : i1 to i32
    %sign3A_13 = arith.constant 0 : i32
    %sign3A_14 = arith.cmpi slt, %mul3A_10, %sign3A_13 : i32
    %sign3A_15 = arith.extui %sign3A_14 : i1 to i32
    %sign3A_16 = arith.subi %sign3A_12, %sign3A_15 : i32
    %sign3A_17 = arith.constant 0 : i32
    %sign3A_18 = arith.cmpi sgt, %jit3A, %sign3A_17 : i32
    %sign3A_19 = arith.extui %sign3A_18 : i1 to i32
    %sign3A_20 = arith.constant 0 : i32
    %sign3A_21 = arith.cmpi slt, %jit3A, %sign3A_20 : i32
    %sign3A_22 = arith.extui %sign3A_21 : i1 to i32
    %sign3A_23 = arith.subi %sign3A_19, %sign3A_22 : i32
    %ne3A = arith.cmpi ne, %sign3A_16, %sign3A_23 : i32
    %rem3A = arith.remsi %mul3A_10, %jit3A : i32
    %ne3A_24 = arith.constant 0 : i32
    %ne3A_25 = arith.cmpi ne, %rem3A, %ne3A_24 : i32
    %and3A = arith.andi %ne3A, %ne3A_25 : i1
    %sub3A = arith.constant 1 : i32
    %sub3A_26 = arith.subi %div3A, %sub3A : i32
    %select_n3A = arith.select %and3A, %sub3A_26, %div3A : i32
    %add3A_27 = arith.constant 1 : i32
    %add3A_28 = arith.addi %add3A, %add3A_27 : i32
    %mul3A_29 = arith.constant 2500 : i32
    %mul3A_30 = arith.muli %mul3A_29, %add3A_28 : i32
    %jit3A_31 = arith.constant 32 : i32
    %div3A_32 = arith.divsi %mul3A_30, %jit3A_31 : i32
    %sign3A_33 = arith.constant 0 : i32
    %sign3A_34 = arith.cmpi sgt, %mul3A_30, %sign3A_33 : i32
    %sign3A_35 = arith.extui %sign3A_34 : i1 to i32
    %sign3A_36 = arith.constant 0 : i32
    %sign3A_37 = arith.cmpi slt, %mul3A_30, %sign3A_36 : i32
    %sign3A_38 = arith.extui %sign3A_37 : i1 to i32
    %sign3A_39 = arith.subi %sign3A_35, %sign3A_38 : i32
    %sign3A_40 = arith.constant 0 : i32
    %sign3A_41 = arith.cmpi sgt, %jit3A_31, %sign3A_40 : i32
    %sign3A_42 = arith.extui %sign3A_41 : i1 to i32
    %sign3A_43 = arith.constant 0 : i32
    %sign3A_44 = arith.cmpi slt, %jit3A_31, %sign3A_43 : i32
    %sign3A_45 = arith.extui %sign3A_44 : i1 to i32
    %sign3A_46 = arith.subi %sign3A_42, %sign3A_45 : i32
    %ne3A_47 = arith.cmpi ne, %sign3A_39, %sign3A_46 : i32
    %rem3A_48 = arith.remsi %mul3A_30, %jit3A_31 : i32
    %ne3A_49 = arith.constant 0 : i32
    %ne3A_50 = arith.cmpi ne, %rem3A_48, %ne3A_49 : i32
    %and3A_51 = arith.andi %ne3A_47, %ne3A_50 : i1
    %sub3A_52 = arith.constant 1 : i32
    %sub3A_53 = arith.subi %div3A_32, %sub3A_52 : i32
    %select_n3A_54 = arith.select %and3A_51, %sub3A_53, %div3A_32 : i32
    %while3A = arith.constant 0 : i32
    %while3A_55 = arith.subi %select_n3A_54, %select_n3A : i32
    %while3A_56 = arith.addi %select_n3A, %while3A_55 : i32
    %while3A_57 = arith.constant 1 : i32
    %while3A_58 = arith.divsi %while3A_55, %while3A_57 : i32
    %while3A_59 = arith.muli %while3A_58, %while3A_57 : i32
    %while3A_60 = arith.addi %select_n3A, %while3A_59 : i32
    %while3A_61 = arith.constant 1 : i32
    scf.for %while3A_74 = %select_n3A to %while3A_60 step %while3A_61  : i32 {
      "tpu.region"() ({
        %run_scoped3A_87 = tpu.sem_alloc : memref<!tpu.dma_semaphore, #tpu.memory_space<semaphore_mem>>
        %dma_start3A_88 = arith.constant 0 : i32
        %dma_start3A_89 = arith.constant 0 : i32
        %dma_start3A_90 = tpu.memref_slice %arg3[%while3A_74, %dma_start3A_88, %dma_start3A_89] : memref<2500x2x128xi32, #tpu.memory_space<hbm>> -> memref<1x2x128xi32, #tpu.memory_space<hbm>>
        %dma_start3A_91 = tpu.memref_squeeze %dma_start3A_90 : memref<1x2x128xi32, #tpu.memory_space<hbm>> -> memref<2x128xi32, #tpu.memory_space<hbm>>
        %dma_start3A_92 = arith.constant 0 : i32
        %dma_start3A_93 = arith.constant 0 : i32
        %dma_start3A_94 = tpu.memref_slice %arg3[%while3A_74, %dma_start3A_92, %dma_start3A_93] : memref<2500x2x128xi32, #tpu.memory_space<hbm>> -> memref<1x2x128xi32, #tpu.memory_space<hbm>>
        %dma_start3A_95 = tpu.memref_squeeze %dma_start3A_94 : memref<1x2x128xi32, #tpu.memory_space<hbm>> -> memref<2x128xi32, #tpu.memory_space<hbm>>
        tpu.enqueue_dma source(%dma_start3A_95 : memref<2x128xi32, #tpu.memory_space<hbm>>) target(%arg6 : memref<2x128xi32, #tpu.memory_space<vmem>>) target_semaphore(%run_scoped3A_87 : memref<!tpu.dma_semaphore, #tpu.memory_space<semaphore_mem>>)
        %dma_wait3A_96 = arith.constant 0 : i32
        %dma_wait3A_97 = arith.constant 0 : i32
        %dma_wait3A_98 = tpu.memref_slice %arg3[%while3A_74, %dma_wait3A_96, %dma_wait3A_97] : memref<2500x2x128xi32, #tpu.memory_space<hbm>> -> memref<1x2x128xi32, #tpu.memory_space<hbm>>
        %dma_wait3A_99 = tpu.memref_squeeze %dma_wait3A_98 : memref<1x2x128xi32, #tpu.memory_space<hbm>> -> memref<2x128xi32, #tpu.memory_space<hbm>>
        %dma_wait3A_100 = arith.constant 0 : i32
        %dma_wait3A_101 = arith.constant 0 : i32
        %dma_wait3A_102 = tpu.memref_slice %arg3[%while3A_74, %dma_wait3A_100, %dma_wait3A_101] : memref<2500x2x128xi32, #tpu.memory_space<hbm>> -> memref<1x2x128xi32, #tpu.memory_space<hbm>>
        %dma_wait3A_103 = tpu.memref_squeeze %dma_wait3A_102 : memref<1x2x128xi32, #tpu.memory_space<hbm>> -> memref<2x128xi32, #tpu.memory_space<hbm>>
        tpu.wait_dma2 semaphore(%run_scoped3A_87 : memref<!tpu.dma_semaphore, #tpu.memory_space<semaphore_mem>>) src(%dma_wait3A_103 : memref<2x128xi32, #tpu.memory_space<hbm>>) dst(%arg6 : memref<2x128xi32, #tpu.memory_space<vmem>>)
        tpu.yield
      }) : () -> ()
      %dma_start3A = arith.constant 0 : i32
      %dma_start3A_75 = arith.constant 0 : i32
      %dma_start3A_76 = tpu.memref_slice %arg6[%dma_start3A, %dma_start3A_75] : memref<2x128xi32, #tpu.memory_space<vmem>> -> memref<1x128xi32, #tpu.memory_space<vmem>>
      %dma_start3A_77 = tpu.memref_squeeze %dma_start3A_76 : memref<1x128xi32, #tpu.memory_space<vmem>> -> memref<128xi32, #tpu.memory_space<vmem>>
      %dma_start3A_78 = arith.constant 0 : i32
      %dma_start3A_79 = arith.constant 0 : i32
      %dma_start3A_80 = tpu.memref_slice %arg2[%dma_start3A_78, %dma_start3A_79] : memref<10000x128xf32, #tpu.memory_space<hbm>> -> memref<10000x128xf32, #tpu.memory_space<hbm>>
      tpu.enqueue_indirect_dma source(%dma_start3A_80 : memref<10000x128xf32, #tpu.memory_space<hbm>>) target(%arg7 : memref<128x128xf32, #tpu.memory_space<vmem>>) offsets(%dma_start3A_77 : memref<128xi32, #tpu.memory_space<vmem>>) semaphore(%arg9 : memref<!tpu.dma_semaphore, #tpu.memory_space<semaphore_mem>>)
      %dma_wait3A = arith.constant 0 : i32
      %dma_wait3A_81 = arith.constant 0 : i32
      %dma_wait3A_82 = tpu.memref_slice %arg6[%dma_wait3A, %dma_wait3A_81] : memref<2x128xi32, #tpu.memory_space<vmem>> -> memref<1x128xi32, #tpu.memory_space<vmem>>
      %dma_wait3A_83 = tpu.memref_squeeze %dma_wait3A_82 : memref<1x128xi32, #tpu.memory_space<vmem>> -> memref<128xi32, #tpu.memory_space<vmem>>
      %dma_wait3A_84 = arith.constant 0 : i32
      %dma_wait3A_85 = arith.constant 0 : i32
      %dma_wait3A_86 = tpu.memref_slice %arg2[%dma_wait3A_84, %dma_wait3A_85] : memref<10000x128xf32, #tpu.memory_space<hbm>> -> memref<10000x128xf32, #tpu.memory_space<hbm>>
      tpu.wait_indirect_dma semaphore(%arg9 : memref<!tpu.dma_semaphore, #tpu.memory_space<semaphore_mem>>) src(%dma_wait3A_86 : memref<10000x128xf32, #tpu.memory_space<hbm>>) dst(%arg7 : memref<128x128xf32, #tpu.memory_space<vmem>>)
      %run_scoped3A = arith.constant 1 : i32
      "tpu.region"() ({
        %run_scoped3A_87 = tpu.sem_alloc : memref<!tpu.dma_semaphore, #tpu.memory_space<semaphore_mem>>
        %dma_start3A_88 = arith.constant 0 : i32
        %dma_start3A_89 = tpu.memref_slice %arg6[%run_scoped3A, %dma_start3A_88] : memref<2x128xi32, #tpu.memory_space<vmem>> -> memref<1x128xi32, #tpu.memory_space<vmem>>
        %dma_start3A_90 = tpu.memref_squeeze %dma_start3A_89 : memref<1x128xi32, #tpu.memory_space<vmem>> -> memref<128xi32, #tpu.memory_space<vmem>>
        %dma_start3A_91 = arith.constant 0 : i32
        %dma_start3A_92 = arith.constant 0 : i32
        %dma_start3A_93 = tpu.memref_slice %arg8[%dma_start3A_91, %dma_start3A_92] : memref<10000x128xf32, #tpu.memory_space<vmem_shared>> -> memref<10000x128xf32, #tpu.memory_space<vmem_shared>>
        tpu.enqueue_indirect_dma source(%arg7 : memref<128x128xf32, #tpu.memory_space<vmem>>) target(%dma_start3A_93 : memref<10000x128xf32, #tpu.memory_space<vmem_shared>>) offsets(%dma_start3A_90 : memref<128xi32, #tpu.memory_space<vmem>>) semaphore(%run_scoped3A_87 : memref<!tpu.dma_semaphore, #tpu.memory_space<semaphore_mem>>) {add = true}
        %dma_wait3A_94 = arith.constant 0 : i32
        %dma_wait3A_95 = tpu.memref_slice %arg6[%run_scoped3A, %dma_wait3A_94] : memref<2x128xi32, #tpu.memory_space<vmem>> -> memref<1x128xi32, #tpu.memory_space<vmem>>
        %dma_wait3A_96 = tpu.memref_squeeze %dma_wait3A_95 : memref<1x128xi32, #tpu.memory_space<vmem>> -> memref<128xi32, #tpu.memory_space<vmem>>
        %dma_wait3A_97 = arith.constant 0 : i32
        %dma_wait3A_98 = arith.constant 0 : i32
        %dma_wait3A_99 = tpu.memref_slice %arg8[%dma_wait3A_97, %dma_wait3A_98] : memref<10000x128xf32, #tpu.memory_space<vmem_shared>> -> memref<10000x128xf32, #tpu.memory_space<vmem_shared>>
        tpu.wait_indirect_dma semaphore(%run_scoped3A_87 : memref<!tpu.dma_semaphore, #tpu.memory_space<semaphore_mem>>) src(%arg7 : memref<128x128xf32, #tpu.memory_space<vmem>>) dst(%dma_wait3A_99 : memref<10000x128xf32, #tpu.memory_space<vmem_shared>>)
        tpu.yield
      }) : () -> ()
    }
    %while3A_62 = arith.constant 1 : i32
    scf.for %while3A_74 = %while3A_60 to %while3A_56 step %while3A_62  : i32 {
      "tpu.region"() ({
        %run_scoped3A_87 = tpu.sem_alloc : memref<!tpu.dma_semaphore, #tpu.memory_space<semaphore_mem>>
        %dma_start3A_88 = arith.constant 0 : i32
        %dma_start3A_89 = arith.constant 0 : i32
        %dma_start3A_90 = tpu.memref_slice %arg3[%while3A_74, %dma_start3A_88, %dma_start3A_89] : memref<2500x2x128xi32, #tpu.memory_space<hbm>> -> memref<1x2x128xi32, #tpu.memory_space<hbm>>
        %dma_start3A_91 = tpu.memref_squeeze %dma_start3A_90 : memref<1x2x128xi32, #tpu.memory_space<hbm>> -> memref<2x128xi32, #tpu.memory_space<hbm>>
        %dma_start3A_92 = arith.constant 0 : i32
        %dma_start3A_93 = arith.constant 0 : i32
        %dma_start3A_94 = tpu.memref_slice %arg3[%while3A_74, %dma_start3A_92, %dma_start3A_93] : memref<2500x2x128xi32, #tpu.memory_space<hbm>> -> memref<1x2x128xi32, #tpu.memory_space<hbm>>
        %dma_start3A_95 = tpu.memref_squeeze %dma_start3A_94 : memref<1x2x128xi32, #tpu.memory_space<hbm>> -> memref<2x128xi32, #tpu.memory_space<hbm>>
        tpu.enqueue_dma source(%dma_start3A_95 : memref<2x128xi32, #tpu.memory_space<hbm>>) target(%arg6 : memref<2x128xi32, #tpu.memory_space<vmem>>) target_semaphore(%run_scoped3A_87 : memref<!tpu.dma_semaphore, #tpu.memory_space<semaphore_mem>>)
        %dma_wait3A_96 = arith.constant 0 : i32
        %dma_wait3A_97 = arith.constant 0 : i32
        %dma_wait3A_98 = tpu.memref_slice %arg3[%while3A_74, %dma_wait3A_96, %dma_wait3A_97] : memref<2500x2x128xi32, #tpu.memory_space<hbm>> -> memref<1x2x128xi32, #tpu.memory_space<hbm>>
        %dma_wait3A_99 = tpu.memref_squeeze %dma_wait3A_98 : memref<1x2x128xi32, #tpu.memory_space<hbm>> -> memref<2x128xi32, #tpu.memory_space<hbm>>
        %dma_wait3A_100 = arith.constant 0 : i32
        %dma_wait3A_101 = arith.constant 0 : i32
        %dma_wait3A_102 = tpu.memref_slice %arg3[%while3A_74, %dma_wait3A_100, %dma_wait3A_101] : memref<2500x2x128xi32, #tpu.memory_space<hbm>> -> memref<1x2x128xi32, #tpu.memory_space<hbm>>
        %dma_wait3A_103 = tpu.memref_squeeze %dma_wait3A_102 : memref<1x2x128xi32, #tpu.memory_space<hbm>> -> memref<2x128xi32, #tpu.memory_space<hbm>>
        tpu.wait_dma2 semaphore(%run_scoped3A_87 : memref<!tpu.dma_semaphore, #tpu.memory_space<semaphore_mem>>) src(%dma_wait3A_103 : memref<2x128xi32, #tpu.memory_space<hbm>>) dst(%arg6 : memref<2x128xi32, #tpu.memory_space<vmem>>)
        tpu.yield
      }) : () -> ()
      %dma_start3A = arith.constant 0 : i32
      %dma_start3A_75 = arith.constant 0 : i32
      %dma_start3A_76 = tpu.memref_slice %arg6[%dma_start3A, %dma_start3A_75] : memref<2x128xi32, #tpu.memory_space<vmem>> -> memref<1x128xi32, #tpu.memory_space<vmem>>
      %dma_start3A_77 = tpu.memref_squeeze %dma_start3A_76 : memref<1x128xi32, #tpu.memory_space<vmem>> -> memref<128xi32, #tpu.memory_space<vmem>>
      %dma_start3A_78 = arith.constant 0 : i32
      %dma_start3A_79 = arith.constant 0 : i32
      %dma_start3A_80 = tpu.memref_slice %arg2[%dma_start3A_78, %dma_start3A_79] : memref<10000x128xf32, #tpu.memory_space<hbm>> -> memref<10000x128xf32, #tpu.memory_space<hbm>>
      tpu.enqueue_indirect_dma source(%dma_start3A_80 : memref<10000x128xf32, #tpu.memory_space<hbm>>) target(%arg7 : memref<128x128xf32, #tpu.memory_space<vmem>>) offsets(%dma_start3A_77 : memref<128xi32, #tpu.memory_space<vmem>>) semaphore(%arg9 : memref<!tpu.dma_semaphore, #tpu.memory_space<semaphore_mem>>)
      %dma_wait3A = arith.constant 0 : i32
      %dma_wait3A_81 = arith.constant 0 : i32
      %dma_wait3A_82 = tpu.memref_slice %arg6[%dma_wait3A, %dma_wait3A_81] : memref<2x128xi32, #tpu.memory_space<vmem>> -> memref<1x128xi32, #tpu.memory_space<vmem>>
      %dma_wait3A_83 = tpu.memref_squeeze %dma_wait3A_82 : memref<1x128xi32, #tpu.memory_space<vmem>> -> memref<128xi32, #tpu.memory_space<vmem>>
      %dma_wait3A_84 = arith.constant 0 : i32
      %dma_wait3A_85 = arith.constant 0 : i32
      %dma_wait3A_86 = tpu.memref_slice %arg2[%dma_wait3A_84, %dma_wait3A_85] : memref<10000x128xf32, #tpu.memory_space<hbm>> -> memref<10000x128xf32, #tpu.memory_space<hbm>>
      tpu.wait_indirect_dma semaphore(%arg9 : memref<!tpu.dma_semaphore, #tpu.memory_space<semaphore_mem>>) src(%dma_wait3A_86 : memref<10000x128xf32, #tpu.memory_space<hbm>>) dst(%arg7 : memref<128x128xf32, #tpu.memory_space<vmem>>)
      %run_scoped3A = arith.constant 1 : i32
      "tpu.region"() ({
        %run_scoped3A_87 = tpu.sem_alloc : memref<!tpu.dma_semaphore, #tpu.memory_space<semaphore_mem>>
        %dma_start3A_88 = arith.constant 0 : i32
        %dma_start3A_89 = tpu.memref_slice %arg6[%run_scoped3A, %dma_start3A_88] : memref<2x128xi32, #tpu.memory_space<vmem>> -> memref<1x128xi32, #tpu.memory_space<vmem>>
        %dma_start3A_90 = tpu.memref_squeeze %dma_start3A_89 : memref<1x128xi32, #tpu.memory_space<vmem>> -> memref<128xi32, #tpu.memory_space<vmem>>
        %dma_start3A_91 = arith.constant 0 : i32
        %dma_start3A_92 = arith.constant 0 : i32
        %dma_start3A_93 = tpu.memref_slice %arg8[%dma_start3A_91, %dma_start3A_92] : memref<10000x128xf32, #tpu.memory_space<vmem_shared>> -> memref<10000x128xf32, #tpu.memory_space<vmem_shared>>
        tpu.enqueue_indirect_dma source(%arg7 : memref<128x128xf32, #tpu.memory_space<vmem>>) target(%dma_start3A_93 : memref<10000x128xf32, #tpu.memory_space<vmem_shared>>) offsets(%dma_start3A_90 : memref<128xi32, #tpu.memory_space<vmem>>) semaphore(%run_scoped3A_87 : memref<!tpu.dma_semaphore, #tpu.memory_space<semaphore_mem>>) {add = true}
        %dma_wait3A_94 = arith.constant 0 : i32
        %dma_wait3A_95 = tpu.memref_slice %arg6[%run_scoped3A, %dma_wait3A_94] : memref<2x128xi32, #tpu.memory_space<vmem>> -> memref<1x128xi32, #tpu.memory_space<vmem>>
        %dma_wait3A_96 = tpu.memref_squeeze %dma_wait3A_95 : memref<1x128xi32, #tpu.memory_space<vmem>> -> memref<128xi32, #tpu.memory_space<vmem>>
        %dma_wait3A_97 = arith.constant 0 : i32
        %dma_wait3A_98 = arith.constant 0 : i32
        %dma_wait3A_99 = tpu.memref_slice %arg8[%dma_wait3A_97, %dma_wait3A_98] : memref<10000x128xf32, #tpu.memory_space<vmem_shared>> -> memref<10000x128xf32, #tpu.memory_space<vmem_shared>>
        tpu.wait_indirect_dma semaphore(%run_scoped3A_87 : memref<!tpu.dma_semaphore, #tpu.memory_space<semaphore_mem>>) src(%arg7 : memref<128x128xf32, #tpu.memory_space<vmem>>) dst(%dma_wait3A_99 : memref<10000x128xf32, #tpu.memory_space<vmem_shared>>)
        tpu.yield
      }) : () -> ()
    }
    %barrier3A_63 = arith.constant 0 : index
    tpu.barrier barrier_id(%barrier3A_63)
    %lt3A_64 = arith.constant 15 : i32
    %lt3A_65 = arith.cmpi slt, %arg1, %lt3A_64 : i32
    %convert_element_type3A_66 = arith.extui %lt3A_65 : i1 to i32
    %cond3A_67 = arith.constant 0 : i32
    %cond3A_68 = arith.cmpi ne, %convert_element_type3A_66, %cond3A_67 : i32
    scf.if %cond3A_68 {
      "tpu.region"() ({
        %run_scoped3A = tpu.sem_alloc : memref<!tpu.dma_semaphore, #tpu.memory_space<semaphore_mem>>
        %dma_start3A = arith.constant 0 : i32
        %dma_start3A_74 = tpu.memref_slice %arg5[%arg0, %multiple_of3A, %dma_start3A] : memref<2x10000x128xf32, #tpu.memory_space<hbm>> -> memref<1x632x128xf32, #tpu.memory_space<hbm>>
        %dma_start3A_75 = tpu.memref_squeeze %dma_start3A_74 : memref<1x632x128xf32, #tpu.memory_space<hbm>> -> memref<632x128xf32, #tpu.memory_space<hbm>>
        %dma_start3A_76 = arith.constant 0 : i32
        %dma_start3A_77 = tpu.memref_slice %arg8[%multiple_of3A, %dma_start3A_76] : memref<10000x128xf32, #tpu.memory_space<vmem_shared>> -> memref<632x128xf32, #tpu.memory_space<vmem_shared>>
        tpu.enqueue_dma source(%dma_start3A_77 : memref<632x128xf32, #tpu.memory_space<vmem_shared>>) target(%dma_start3A_75 : memref<632x128xf32, #tpu.memory_space<hbm>>) target_semaphore(%run_scoped3A : memref<!tpu.dma_semaphore, #tpu.memory_space<semaphore_mem>>)
        %dma_wait3A = arith.constant 0 : i32
        %dma_wait3A_78 = tpu.memref_slice %arg5[%arg0, %multiple_of3A, %dma_wait3A] : memref<2x10000x128xf32, #tpu.memory_space<hbm>> -> memref<1x632x128xf32, #tpu.memory_space<hbm>>
        %dma_wait3A_79 = tpu.memref_squeeze %dma_wait3A_78 : memref<1x632x128xf32, #tpu.memory_space<hbm>> -> memref<632x128xf32, #tpu.memory_space<hbm>>
        %dma_wait3A_80 = arith.constant 0 : i32
        %dma_wait3A_81 = tpu.memref_slice %arg8[%multiple_of3A, %dma_wait3A_80] : memref<10000x128xf32, #tpu.memory_space<vmem_shared>> -> memref<632x128xf32, #tpu.memory_space<vmem_shared>>
        tpu.wait_dma2 semaphore(%run_scoped3A : memref<!tpu.dma_semaphore, #tpu.memory_space<semaphore_mem>>) src(%dma_wait3A_81 : memref<632x128xf32, #tpu.memory_space<vmem_shared>>) dst(%dma_wait3A_79 : memref<632x128xf32, #tpu.memory_space<hbm>>)
        tpu.yield
      }) : () -> ()
    } else {
    }
    %eq3A_69 = arith.constant 15 : i32
    %eq3A_70 = arith.cmpi eq, %arg1, %eq3A_69 : i32
    %convert_element_type3A_71 = arith.extui %eq3A_70 : i1 to i32
    %cond3A_72 = arith.constant 0 : i32
    %cond3A_73 = arith.cmpi ne, %convert_element_type3A_71, %cond3A_72 : i32
    scf.if %cond3A_73 {
      "tpu.region"() ({
        %run_scoped3A = tpu.sem_alloc : memref<!tpu.dma_semaphore, #tpu.memory_space<semaphore_mem>>
        %dma_start3A = arith.constant 0 : i32
        %dma_start3A_74 = tpu.memref_slice %arg5[%arg0, %multiple_of3A, %dma_start3A] : memref<2x10000x128xf32, #tpu.memory_space<hbm>> -> memref<1x520x128xf32, #tpu.memory_space<hbm>>
        %dma_start3A_75 = tpu.memref_squeeze %dma_start3A_74 : memref<1x520x128xf32, #tpu.memory_space<hbm>> -> memref<520x128xf32, #tpu.memory_space<hbm>>
        %dma_start3A_76 = arith.constant 0 : i32
        %dma_start3A_77 = tpu.memref_slice %arg8[%multiple_of3A, %dma_start3A_76] : memref<10000x128xf32, #tpu.memory_space<vmem_shared>> -> memref<520x128xf32, #tpu.memory_space<vmem_shared>>
        tpu.enqueue_dma source(%dma_start3A_77 : memref<520x128xf32, #tpu.memory_space<vmem_shared>>) target(%dma_start3A_75 : memref<520x128xf32, #tpu.memory_space<hbm>>) target_semaphore(%run_scoped3A : memref<!tpu.dma_semaphore, #tpu.memory_space<semaphore_mem>>)
        %dma_wait3A = arith.constant 0 : i32
        %dma_wait3A_78 = tpu.memref_slice %arg5[%arg0, %multiple_of3A, %dma_wait3A] : memref<2x10000x128xf32, #tpu.memory_space<hbm>> -> memref<1x520x128xf32, #tpu.memory_space<hbm>>
        %dma_wait3A_79 = tpu.memref_squeeze %dma_wait3A_78 : memref<1x520x128xf32, #tpu.memory_space<hbm>> -> memref<520x128xf32, #tpu.memory_space<hbm>>
        %dma_wait3A_80 = arith.constant 0 : i32
        %dma_wait3A_81 = tpu.memref_slice %arg8[%multiple_of3A, %dma_wait3A_80] : memref<10000x128xf32, #tpu.memory_space<vmem_shared>> -> memref<520x128xf32, #tpu.memory_space<vmem_shared>>
        tpu.wait_dma2 semaphore(%run_scoped3A : memref<!tpu.dma_semaphore, #tpu.memory_space<semaphore_mem>>) src(%dma_wait3A_81 : memref<520x128xf32, #tpu.memory_space<vmem_shared>>) dst(%dma_wait3A_79 : memref<520x128xf32, #tpu.memory_space<hbm>>)
        tpu.yield
      }) : () -> ()
    } else {
    }
    return
  }
}

#map = affine_map<(d0, d1) -> (0, 0)>
#map1 = affine_map<(d0, d1) -> (0, 0, 0)>
module attributes {stable_mosaic.version = 14 : i64} {
  func.func @k(%arg0: i32, %arg1: i32, %arg2: memref<10000x128xf32, #tpu.memory_space<hbm>>, %arg3: memref<2500x2x128xi32, #tpu.memory_space<hbm>>, %arg4: memref<10000x128xf32, #tpu.memory_space<hbm>>, %arg5: memref<2x10000x128xf32, #tpu.memory_space<hbm>>, %arg6: memref<2x128xi32, #tpu.memory_space<vmem>>, %arg7: memref<128x128xf32, #tpu.memory_space<vmem>>, %arg8: memref<10000x128xf32, #tpu.memory_space<vmem_shared>>, %arg9: memref<!tpu.dma_semaphore, #tpu.memory_space<semaphore_mem>>) attributes {dimension_semantics = [#tpu.dimension_semantics<core_parallel>, #tpu.dimension_semantics<subcore_parallel>], iteration_bounds = array<i64: 2, 16>, scalar_prefetch = 0 : i64, scratch_operands = 4 : i64, tpu.core_type = #tpu.core_type<sc_vector_subcore>, window_params = [{transform_indices = #map}, {transform_indices = #map1}, {transform_indices = #map}, {transform_indices = #map1}]} {
    %mul3A = arith.constant 2 : i32
    %mul3A_0 = arith.muli %arg1, %mul3A : i32
    %add3A = arith.addi %mul3A_0, %arg0 : i32
    %mul3A_1 = arith.constant 632 : i32
    %mul3A_2 = arith.muli %arg1, %mul3A_1 : i32
    %multiple_of3A = tpu.assume_multiple %mul3A_2, 8 : i32
    %lt3A = arith.constant 15 : i32
    %lt3A_3 = arith.cmpi slt, %arg1, %lt3A : i32
    %convert_element_type3A = arith.extui %lt3A_3 : i1 to i32
    %cond3A = arith.constant 0 : i32
    %cond3A_4 = arith.cmpi ne, %convert_element_type3A, %cond3A : i32
    scf.if %cond3A_4 {
      "tpu.region"() ({
        %run_scoped3A = tpu.sem_alloc : memref<!tpu.dma_semaphore, #tpu.memory_space<semaphore_mem>>
        %dma_start3A = arith.constant 0 : i32
        %dma_start3A_74 = tpu.memref_slice %arg8[%multiple_of3A, %dma_start3A] : memref<10000x128xf32, #tpu.memory_space<vmem_shared>> -> memref<632x128xf32, #tpu.memory_space<vmem_shared>>
        %dma_start3A_75 = arith.constant 0 : i32
        %dma_start3A_76 = tpu.memref_slice %arg4[%multiple_of3A, %dma_start3A_75] : memref<10000x128xf32, #tpu.memory_space<hbm>> -> memref<632x128xf32, #tpu.memory_space<hbm>>
        tpu.enqueue_dma source(%dma_start3A_76 : memref<632x128xf32, #tpu.memory_space<hbm>>) target(%dma_start3A_74 : memref<632x128xf32, #tpu.memory_space<vmem_shared>>) target_semaphore(%run_scoped3A : memref<!tpu.dma_semaphore, #tpu.memory_space<semaphore_mem>>)
        %dma_wait3A = arith.constant 0 : i32
        %dma_wait3A_77 = tpu.memref_slice %arg8[%multiple_of3A, %dma_wait3A] : memref<10000x128xf32, #tpu.memory_space<vmem_shared>> -> memref<632x128xf32, #tpu.memory_space<vmem_shared>>
        %dma_wait3A_78 = arith.constant 0 : i32
        %dma_wait3A_79 = tpu.memref_slice %arg4[%multiple_of3A, %dma_wait3A_78] : memref<10000x128xf32, #tpu.memory_space<hbm>> -> memref<632x128xf32, #tpu.memory_space<hbm>>
        tpu.wait_dma2 semaphore(%run_scoped3A : memref<!tpu.dma_semaphore, #tpu.memory_space<semaphore_mem>>) src(%dma_wait3A_79 : memref<632x128xf32, #tpu.memory_space<hbm>>) dst(%dma_wait3A_77 : memref<632x128xf32, #tpu.memory_space<vmem_shared>>)
        tpu.yield
      }) : () -> ()
    } else {
    }
    %eq3A = arith.constant 15 : i32
    %eq3A_5 = arith.cmpi eq, %arg1, %eq3A : i32
    %convert_element_type3A_6 = arith.extui %eq3A_5 : i1 to i32
    %cond3A_7 = arith.constant 0 : i32
    %cond3A_8 = arith.cmpi ne, %convert_element_type3A_6, %cond3A_7 : i32
    scf.if %cond3A_8 {
      "tpu.region"() ({
        %run_scoped3A = tpu.sem_alloc : memref<!tpu.dma_semaphore, #tpu.memory_space<semaphore_mem>>
        %dma_start3A = arith.constant 0 : i32
        %dma_start3A_74 = tpu.memref_slice %arg8[%multiple_of3A, %dma_start3A] : memref<10000x128xf32, #tpu.memory_space<vmem_shared>> -> memref<520x128xf32, #tpu.memory_space<vmem_shared>>
        %dma_start3A_75 = arith.constant 0 : i32
        %dma_start3A_76 = tpu.memref_slice %arg4[%multiple_of3A, %dma_start3A_75] : memref<10000x128xf32, #tpu.memory_space<hbm>> -> memref<520x128xf32, #tpu.memory_space<hbm>>
        tpu.enqueue_dma source(%dma_start3A_76 : memref<520x128xf32, #tpu.memory_space<hbm>>) target(%dma_start3A_74 : memref<520x128xf32, #tpu.memory_space<vmem_shared>>) target_semaphore(%run_scoped3A : memref<!tpu.dma_semaphore, #tpu.memory_space<semaphore_mem>>)
        %dma_wait3A = arith.constant 0 : i32
        %dma_wait3A_77 = tpu.memref_slice %arg8[%multiple_of3A, %dma_wait3A] : memref<10000x128xf32, #tpu.memory_space<vmem_shared>> -> memref<520x128xf32, #tpu.memory_space<vmem_shared>>
        %dma_wait3A_78 = arith.constant 0 : i32
        %dma_wait3A_79 = tpu.memref_slice %arg4[%multiple_of3A, %dma_wait3A_78] : memref<10000x128xf32, #tpu.memory_space<hbm>> -> memref<520x128xf32, #tpu.memory_space<hbm>>
        tpu.wait_dma2 semaphore(%run_scoped3A : memref<!tpu.dma_semaphore, #tpu.memory_space<semaphore_mem>>) src(%dma_wait3A_79 : memref<520x128xf32, #tpu.memory_space<hbm>>) dst(%dma_wait3A_77 : memref<520x128xf32, #tpu.memory_space<vmem_shared>>)
        tpu.yield
      }) : () -> ()
    } else {
    }
    %barrier3A = arith.constant 0 : index
    tpu.barrier barrier_id(%barrier3A)
    %mul3A_9 = arith.constant 2500 : i32
    %mul3A_10 = arith.muli %mul3A_9, %add3A : i32
    %jit3A = arith.constant 32 : i32
    %div3A = arith.divsi %mul3A_10, %jit3A : i32
    %sign3A = arith.constant 0 : i32
    %sign3A_11 = arith.cmpi sgt, %mul3A_10, %sign3A : i32
    %sign3A_12 = arith.extui %sign3A_11 : i1 to i32
    %sign3A_13 = arith.constant 0 : i32
    %sign3A_14 = arith.cmpi slt, %mul3A_10, %sign3A_13 : i32
    %sign3A_15 = arith.extui %sign3A_14 : i1 to i32
    %sign3A_16 = arith.subi %sign3A_12, %sign3A_15 : i32
    %sign3A_17 = arith.constant 0 : i32
    %sign3A_18 = arith.cmpi sgt, %jit3A, %sign3A_17 : i32
    %sign3A_19 = arith.extui %sign3A_18 : i1 to i32
    %sign3A_20 = arith.constant 0 : i32
    %sign3A_21 = arith.cmpi slt, %jit3A, %sign3A_20 : i32
    %sign3A_22 = arith.extui %sign3A_21 : i1 to i32
    %sign3A_23 = arith.subi %sign3A_19, %sign3A_22 : i32
    %ne3A = arith.cmpi ne, %sign3A_16, %sign3A_23 : i32
    %rem3A = arith.remsi %mul3A_10, %jit3A : i32
    %ne3A_24 = arith.constant 0 : i32
    %ne3A_25 = arith.cmpi ne, %rem3A, %ne3A_24 : i32
    %and3A = arith.andi %ne3A, %ne3A_25 : i1
    %sub3A = arith.constant 1 : i32
    %sub3A_26 = arith.subi %div3A, %sub3A : i32
    %select_n3A = arith.select %and3A, %sub3A_26, %div3A : i32
    %add3A_27 = arith.constant 1 : i32
    %add3A_28 = arith.addi %add3A, %add3A_27 : i32
    %mul3A_29 = arith.constant 2500 : i32
    %mul3A_30 = arith.muli %mul3A_29, %add3A_28 : i32
    %jit3A_31 = arith.constant 32 : i32
    %div3A_32 = arith.divsi %mul3A_30, %jit3A_31 : i32
    %sign3A_33 = arith.constant 0 : i32
    %sign3A_34 = arith.cmpi sgt, %mul3A_30, %sign3A_33 : i32
    %sign3A_35 = arith.extui %sign3A_34 : i1 to i32
    %sign3A_36 = arith.constant 0 : i32
    %sign3A_37 = arith.cmpi slt, %mul3A_30, %sign3A_36 : i32
    %sign3A_38 = arith.extui %sign3A_37 : i1 to i32
    %sign3A_39 = arith.subi %sign3A_35, %sign3A_38 : i32
    %sign3A_40 = arith.constant 0 : i32
    %sign3A_41 = arith.cmpi sgt, %jit3A_31, %sign3A_40 : i32
    %sign3A_42 = arith.extui %sign3A_41 : i1 to i32
    %sign3A_43 = arith.constant 0 : i32
    %sign3A_44 = arith.cmpi slt, %jit3A_31, %sign3A_43 : i32
    %sign3A_45 = arith.extui %sign3A_44 : i1 to i32
    %sign3A_46 = arith.subi %sign3A_42, %sign3A_45 : i32
    %ne3A_47 = arith.cmpi ne, %sign3A_39, %sign3A_46 : i32
    %rem3A_48 = arith.remsi %mul3A_30, %jit3A_31 : i32
    %ne3A_49 = arith.constant 0 : i32
    %ne3A_50 = arith.cmpi ne, %rem3A_48, %ne3A_49 : i32
    %and3A_51 = arith.andi %ne3A_47, %ne3A_50 : i1
    %sub3A_52 = arith.constant 1 : i32
    %sub3A_53 = arith.subi %div3A_32, %sub3A_52 : i32
    %select_n3A_54 = arith.select %and3A_51, %sub3A_53, %div3A_32 : i32
    %while3A = arith.constant 0 : i32
    %while3A_55 = arith.subi %select_n3A_54, %select_n3A : i32
    %while3A_56 = arith.addi %select_n3A, %while3A_55 : i32
    %while3A_57 = arith.constant 1 : i32
    %while3A_58 = arith.divsi %while3A_55, %while3A_57 : i32
    %while3A_59 = arith.muli %while3A_58, %while3A_57 : i32
    %while3A_60 = arith.addi %select_n3A, %while3A_59 : i32
    %while3A_61 = arith.constant 1 : i32
    scf.for %while3A_74 = %select_n3A to %while3A_60 step %while3A_61  : i32 {
      "tpu.region"() ({
        %run_scoped3A_87 = tpu.sem_alloc : memref<!tpu.dma_semaphore, #tpu.memory_space<semaphore_mem>>
        %dma_start3A_88 = arith.constant 0 : i32
        %dma_start3A_89 = arith.constant 0 : i32
        %dma_start3A_90 = tpu.memref_slice %arg3[%while3A_74, %dma_start3A_88, %dma_start3A_89] : memref<2500x2x128xi32, #tpu.memory_space<hbm>> -> memref<1x2x128xi32, #tpu.memory_space<hbm>>
        %dma_start3A_91 = tpu.memref_squeeze %dma_start3A_90 : memref<1x2x128xi32, #tpu.memory_space<hbm>> -> memref<2x128xi32, #tpu.memory_space<hbm>>
        %dma_start3A_92 = arith.constant 0 : i32
        %dma_start3A_93 = arith.constant 0 : i32
        %dma_start3A_94 = tpu.memref_slice %arg3[%while3A_74, %dma_start3A_92, %dma_start3A_93] : memref<2500x2x128xi32, #tpu.memory_space<hbm>> -> memref<1x2x128xi32, #tpu.memory_space<hbm>>
        %dma_start3A_95 = tpu.memref_squeeze %dma_start3A_94 : memref<1x2x128xi32, #tpu.memory_space<hbm>> -> memref<2x128xi32, #tpu.memory_space<hbm>>
        tpu.enqueue_dma source(%dma_start3A_95 : memref<2x128xi32, #tpu.memory_space<hbm>>) target(%arg6 : memref<2x128xi32, #tpu.memory_space<vmem>>) target_semaphore(%run_scoped3A_87 : memref<!tpu.dma_semaphore, #tpu.memory_space<semaphore_mem>>)
        %dma_wait3A_96 = arith.constant 0 : i32
        %dma_wait3A_97 = arith.constant 0 : i32
        %dma_wait3A_98 = tpu.memref_slice %arg3[%while3A_74, %dma_wait3A_96, %dma_wait3A_97] : memref<2500x2x128xi32, #tpu.memory_space<hbm>> -> memref<1x2x128xi32, #tpu.memory_space<hbm>>
        %dma_wait3A_99 = tpu.memref_squeeze %dma_wait3A_98 : memref<1x2x128xi32, #tpu.memory_space<hbm>> -> memref<2x128xi32, #tpu.memory_space<hbm>>
        %dma_wait3A_100 = arith.constant 0 : i32
        %dma_wait3A_101 = arith.constant 0 : i32
        %dma_wait3A_102 = tpu.memref_slice %arg3[%while3A_74, %dma_wait3A_100, %dma_wait3A_101] : memref<2500x2x128xi32, #tpu.memory_space<hbm>> -> memref<1x2x128xi32, #tpu.memory_space<hbm>>
        %dma_wait3A_103 = tpu.memref_squeeze %dma_wait3A_102 : memref<1x2x128xi32, #tpu.memory_space<hbm>> -> memref<2x128xi32, #tpu.memory_space<hbm>>
        tpu.wait_dma2 semaphore(%run_scoped3A_87 : memref<!tpu.dma_semaphore, #tpu.memory_space<semaphore_mem>>) src(%dma_wait3A_103 : memref<2x128xi32, #tpu.memory_space<hbm>>) dst(%arg6 : memref<2x128xi32, #tpu.memory_space<vmem>>)
        tpu.yield
      }) : () -> ()
      %dma_start3A = arith.constant 0 : i32
      %dma_start3A_75 = arith.constant 0 : i32
      %dma_start3A_76 = tpu.memref_slice %arg6[%dma_start3A, %dma_start3A_75] : memref<2x128xi32, #tpu.memory_space<vmem>> -> memref<1x128xi32, #tpu.memory_space<vmem>>
      %dma_start3A_77 = tpu.memref_squeeze %dma_start3A_76 : memref<1x128xi32, #tpu.memory_space<vmem>> -> memref<128xi32, #tpu.memory_space<vmem>>
      %dma_start3A_78 = arith.constant 0 : i32
      %dma_start3A_79 = arith.constant 0 : i32
      %dma_start3A_80 = tpu.memref_slice %arg2[%dma_start3A_78, %dma_start3A_79] : memref<10000x128xf32, #tpu.memory_space<hbm>> -> memref<10000x128xf32, #tpu.memory_space<hbm>>
      tpu.enqueue_indirect_dma source(%dma_start3A_80 : memref<10000x128xf32, #tpu.memory_space<hbm>>) target(%arg7 : memref<128x128xf32, #tpu.memory_space<vmem>>) offsets(%dma_start3A_77 : memref<128xi32, #tpu.memory_space<vmem>>) semaphore(%arg9 : memref<!tpu.dma_semaphore, #tpu.memory_space<semaphore_mem>>)
      %dma_wait3A = arith.constant 0 : i32
      %dma_wait3A_81 = arith.constant 0 : i32
      %dma_wait3A_82 = tpu.memref_slice %arg6[%dma_wait3A, %dma_wait3A_81] : memref<2x128xi32, #tpu.memory_space<vmem>> -> memref<1x128xi32, #tpu.memory_space<vmem>>
      %dma_wait3A_83 = tpu.memref_squeeze %dma_wait3A_82 : memref<1x128xi32, #tpu.memory_space<vmem>> -> memref<128xi32, #tpu.memory_space<vmem>>
      %dma_wait3A_84 = arith.constant 0 : i32
      %dma_wait3A_85 = arith.constant 0 : i32
      %dma_wait3A_86 = tpu.memref_slice %arg2[%dma_wait3A_84, %dma_wait3A_85] : memref<10000x128xf32, #tpu.memory_space<hbm>> -> memref<10000x128xf32, #tpu.memory_space<hbm>>
      tpu.wait_indirect_dma semaphore(%arg9 : memref<!tpu.dma_semaphore, #tpu.memory_space<semaphore_mem>>) src(%dma_wait3A_86 : memref<10000x128xf32, #tpu.memory_space<hbm>>) dst(%arg7 : memref<128x128xf32, #tpu.memory_space<vmem>>)
      %run_scoped3A = arith.constant 1 : i32
      "tpu.region"() ({
        %run_scoped3A_87 = tpu.sem_alloc : memref<!tpu.dma_semaphore, #tpu.memory_space<semaphore_mem>>
        %dma_start3A_88 = arith.constant 0 : i32
        %dma_start3A_89 = tpu.memref_slice %arg6[%run_scoped3A, %dma_start3A_88] : memref<2x128xi32, #tpu.memory_space<vmem>> -> memref<1x128xi32, #tpu.memory_space<vmem>>
        %dma_start3A_90 = tpu.memref_squeeze %dma_start3A_89 : memref<1x128xi32, #tpu.memory_space<vmem>> -> memref<128xi32, #tpu.memory_space<vmem>>
        %dma_start3A_91 = arith.constant 0 : i32
        %dma_start3A_92 = arith.constant 0 : i32
        %dma_start3A_93 = tpu.memref_slice %arg8[%dma_start3A_91, %dma_start3A_92] : memref<10000x128xf32, #tpu.memory_space<vmem_shared>> -> memref<10000x128xf32, #tpu.memory_space<vmem_shared>>
        tpu.enqueue_indirect_dma source(%arg7 : memref<128x128xf32, #tpu.memory_space<vmem>>) target(%dma_start3A_93 : memref<10000x128xf32, #tpu.memory_space<vmem_shared>>) offsets(%dma_start3A_90 : memref<128xi32, #tpu.memory_space<vmem>>) semaphore(%run_scoped3A_87 : memref<!tpu.dma_semaphore, #tpu.memory_space<semaphore_mem>>) {add = true}
        %dma_wait3A_94 = arith.constant 0 : i32
        %dma_wait3A_95 = tpu.memref_slice %arg6[%run_scoped3A, %dma_wait3A_94] : memref<2x128xi32, #tpu.memory_space<vmem>> -> memref<1x128xi32, #tpu.memory_space<vmem>>
        %dma_wait3A_96 = tpu.memref_squeeze %dma_wait3A_95 : memref<1x128xi32, #tpu.memory_space<vmem>> -> memref<128xi32, #tpu.memory_space<vmem>>
        %dma_wait3A_97 = arith.constant 0 : i32
        %dma_wait3A_98 = arith.constant 0 : i32
        %dma_wait3A_99 = tpu.memref_slice %arg8[%dma_wait3A_97, %dma_wait3A_98] : memref<10000x128xf32, #tpu.memory_space<vmem_shared>> -> memref<10000x128xf32, #tpu.memory_space<vmem_shared>>
        tpu.wait_indirect_dma semaphore(%run_scoped3A_87 : memref<!tpu.dma_semaphore, #tpu.memory_space<semaphore_mem>>) src(%arg7 : memref<128x128xf32, #tpu.memory_space<vmem>>) dst(%dma_wait3A_99 : memref<10000x128xf32, #tpu.memory_space<vmem_shared>>)
        tpu.yield
      }) : () -> ()
    }
    %while3A_62 = arith.constant 1 : i32
    scf.for %while3A_74 = %while3A_60 to %while3A_56 step %while3A_62  : i32 {
      "tpu.region"() ({
        %run_scoped3A_87 = tpu.sem_alloc : memref<!tpu.dma_semaphore, #tpu.memory_space<semaphore_mem>>
        %dma_start3A_88 = arith.constant 0 : i32
        %dma_start3A_89 = arith.constant 0 : i32
        %dma_start3A_90 = tpu.memref_slice %arg3[%while3A_74, %dma_start3A_88, %dma_start3A_89] : memref<2500x2x128xi32, #tpu.memory_space<hbm>> -> memref<1x2x128xi32, #tpu.memory_space<hbm>>
        %dma_start3A_91 = tpu.memref_squeeze %dma_start3A_90 : memref<1x2x128xi32, #tpu.memory_space<hbm>> -> memref<2x128xi32, #tpu.memory_space<hbm>>
        %dma_start3A_92 = arith.constant 0 : i32
        %dma_start3A_93 = arith.constant 0 : i32
        %dma_start3A_94 = tpu.memref_slice %arg3[%while3A_74, %dma_start3A_92, %dma_start3A_93] : memref<2500x2x128xi32, #tpu.memory_space<hbm>> -> memref<1x2x128xi32, #tpu.memory_space<hbm>>
        %dma_start3A_95 = tpu.memref_squeeze %dma_start3A_94 : memref<1x2x128xi32, #tpu.memory_space<hbm>> -> memref<2x128xi32, #tpu.memory_space<hbm>>
        tpu.enqueue_dma source(%dma_start3A_95 : memref<2x128xi32, #tpu.memory_space<hbm>>) target(%arg6 : memref<2x128xi32, #tpu.memory_space<vmem>>) target_semaphore(%run_scoped3A_87 : memref<!tpu.dma_semaphore, #tpu.memory_space<semaphore_mem>>)
        %dma_wait3A_96 = arith.constant 0 : i32
        %dma_wait3A_97 = arith.constant 0 : i32
        %dma_wait3A_98 = tpu.memref_slice %arg3[%while3A_74, %dma_wait3A_96, %dma_wait3A_97] : memref<2500x2x128xi32, #tpu.memory_space<hbm>> -> memref<1x2x128xi32, #tpu.memory_space<hbm>>
        %dma_wait3A_99 = tpu.memref_squeeze %dma_wait3A_98 : memref<1x2x128xi32, #tpu.memory_space<hbm>> -> memref<2x128xi32, #tpu.memory_space<hbm>>
        %dma_wait3A_100 = arith.constant 0 : i32
        %dma_wait3A_101 = arith.constant 0 : i32
        %dma_wait3A_102 = tpu.memref_slice %arg3[%while3A_74, %dma_wait3A_100, %dma_wait3A_101] : memref<2500x2x128xi32, #tpu.memory_space<hbm>> -> memref<1x2x128xi32, #tpu.memory_space<hbm>>
        %dma_wait3A_103 = tpu.memref_squeeze %dma_wait3A_102 : memref<1x2x128xi32, #tpu.memory_space<hbm>> -> memref<2x128xi32, #tpu.memory_space<hbm>>
        tpu.wait_dma2 semaphore(%run_scoped3A_87 : memref<!tpu.dma_semaphore, #tpu.memory_space<semaphore_mem>>) src(%dma_wait3A_103 : memref<2x128xi32, #tpu.memory_space<hbm>>) dst(%arg6 : memref<2x128xi32, #tpu.memory_space<vmem>>)
        tpu.yield
      }) : () -> ()
      %dma_start3A = arith.constant 0 : i32
      %dma_start3A_75 = arith.constant 0 : i32
      %dma_start3A_76 = tpu.memref_slice %arg6[%dma_start3A, %dma_start3A_75] : memref<2x128xi32, #tpu.memory_space<vmem>> -> memref<1x128xi32, #tpu.memory_space<vmem>>
      %dma_start3A_77 = tpu.memref_squeeze %dma_start3A_76 : memref<1x128xi32, #tpu.memory_space<vmem>> -> memref<128xi32, #tpu.memory_space<vmem>>
      %dma_start3A_78 = arith.constant 0 : i32
      %dma_start3A_79 = arith.constant 0 : i32
      %dma_start3A_80 = tpu.memref_slice %arg2[%dma_start3A_78, %dma_start3A_79] : memref<10000x128xf32, #tpu.memory_space<hbm>> -> memref<10000x128xf32, #tpu.memory_space<hbm>>
      tpu.enqueue_indirect_dma source(%dma_start3A_80 : memref<10000x128xf32, #tpu.memory_space<hbm>>) target(%arg7 : memref<128x128xf32, #tpu.memory_space<vmem>>) offsets(%dma_start3A_77 : memref<128xi32, #tpu.memory_space<vmem>>) semaphore(%arg9 : memref<!tpu.dma_semaphore, #tpu.memory_space<semaphore_mem>>)
      %dma_wait3A = arith.constant 0 : i32
      %dma_wait3A_81 = arith.constant 0 : i32
      %dma_wait3A_82 = tpu.memref_slice %arg6[%dma_wait3A, %dma_wait3A_81] : memref<2x128xi32, #tpu.memory_space<vmem>> -> memref<1x128xi32, #tpu.memory_space<vmem>>
      %dma_wait3A_83 = tpu.memref_squeeze %dma_wait3A_82 : memref<1x128xi32, #tpu.memory_space<vmem>> -> memref<128xi32, #tpu.memory_space<vmem>>
      %dma_wait3A_84 = arith.constant 0 : i32
      %dma_wait3A_85 = arith.constant 0 : i32
      %dma_wait3A_86 = tpu.memref_slice %arg2[%dma_wait3A_84, %dma_wait3A_85] : memref<10000x128xf32, #tpu.memory_space<hbm>> -> memref<10000x128xf32, #tpu.memory_space<hbm>>
      tpu.wait_indirect_dma semaphore(%arg9 : memref<!tpu.dma_semaphore, #tpu.memory_space<semaphore_mem>>) src(%dma_wait3A_86 : memref<10000x128xf32, #tpu.memory_space<hbm>>) dst(%arg7 : memref<128x128xf32, #tpu.memory_space<vmem>>)
      %run_scoped3A = arith.constant 1 : i32
      "tpu.region"() ({
        %run_scoped3A_87 = tpu.sem_alloc : memref<!tpu.dma_semaphore, #tpu.memory_space<semaphore_mem>>
        %dma_start3A_88 = arith.constant 0 : i32
        %dma_start3A_89 = tpu.memref_slice %arg6[%run_scoped3A, %dma_start3A_88] : memref<2x128xi32, #tpu.memory_space<vmem>> -> memref<1x128xi32, #tpu.memory_space<vmem>>
        %dma_start3A_90 = tpu.memref_squeeze %dma_start3A_89 : memref<1x128xi32, #tpu.memory_space<vmem>> -> memref<128xi32, #tpu.memory_space<vmem>>
        %dma_start3A_91 = arith.constant 0 : i32
        %dma_start3A_92 = arith.constant 0 : i32
        %dma_start3A_93 = tpu.memref_slice %arg8[%dma_start3A_91, %dma_start3A_92] : memref<10000x128xf32, #tpu.memory_space<vmem_shared>> -> memref<10000x128xf32, #tpu.memory_space<vmem_shared>>
        tpu.enqueue_indirect_dma source(%arg7 : memref<128x128xf32, #tpu.memory_space<vmem>>) target(%dma_start3A_93 : memref<10000x128xf32, #tpu.memory_space<vmem_shared>>) offsets(%dma_start3A_90 : memref<128xi32, #tpu.memory_space<vmem>>) semaphore(%run_scoped3A_87 : memref<!tpu.dma_semaphore, #tpu.memory_space<semaphore_mem>>) {add = true}
        %dma_wait3A_94 = arith.constant 0 : i32
        %dma_wait3A_95 = tpu.memref_slice %arg6[%run_scoped3A, %dma_wait3A_94] : memref<2x128xi32, #tpu.memory_space<vmem>> -> memref<1x128xi32, #tpu.memory_space<vmem>>
        %dma_wait3A_96 = tpu.memref_squeeze %dma_wait3A_95 : memref<1x128xi32, #tpu.memory_space<vmem>> -> memref<128xi32, #tpu.memory_space<vmem>>
        %dma_wait3A_97 = arith.constant 0 : i32
        %dma_wait3A_98 = arith.constant 0 : i32
        %dma_wait3A_99 = tpu.memref_slice %arg8[%dma_wait3A_97, %dma_wait3A_98] : memref<10000x128xf32, #tpu.memory_space<vmem_shared>> -> memref<10000x128xf32, #tpu.memory_space<vmem_shared>>
        tpu.wait_indirect_dma semaphore(%run_scoped3A_87 : memref<!tpu.dma_semaphore, #tpu.memory_space<semaphore_mem>>) src(%arg7 : memref<128x128xf32, #tpu.memory_space<vmem>>) dst(%dma_wait3A_99 : memref<10000x128xf32, #tpu.memory_space<vmem_shared>>)
        tpu.yield
      }) : () -> ()
    }
    %barrier3A_63 = arith.constant 0 : index
    tpu.barrier barrier_id(%barrier3A_63)
    %lt3A_64 = arith.constant 15 : i32
    %lt3A_65 = arith.cmpi slt, %arg1, %lt3A_64 : i32
    %convert_element_type3A_66 = arith.extui %lt3A_65 : i1 to i32
    %cond3A_67 = arith.constant 0 : i32
    %cond3A_68 = arith.cmpi ne, %convert_element_type3A_66, %cond3A_67 : i32
    scf.if %cond3A_68 {
      "tpu.region"() ({
        %run_scoped3A = tpu.sem_alloc : memref<!tpu.dma_semaphore, #tpu.memory_space<semaphore_mem>>
        %dma_start3A = arith.constant 0 : i32
        %dma_start3A_74 = tpu.memref_slice %arg5[%arg0, %multiple_of3A, %dma_start3A] : memref<2x10000x128xf32, #tpu.memory_space<hbm>> -> memref<1x632x128xf32, #tpu.memory_space<hbm>>
        %dma_start3A_75 = tpu.memref_squeeze %dma_start3A_74 : memref<1x632x128xf32, #tpu.memory_space<hbm>> -> memref<632x128xf32, #tpu.memory_space<hbm>>
        %dma_start3A_76 = arith.constant 0 : i32
        %dma_start3A_77 = tpu.memref_slice %arg8[%multiple_of3A, %dma_start3A_76] : memref<10000x128xf32, #tpu.memory_space<vmem_shared>> -> memref<632x128xf32, #tpu.memory_space<vmem_shared>>
        tpu.enqueue_dma source(%dma_start3A_77 : memref<632x128xf32, #tpu.memory_space<vmem_shared>>) target(%dma_start3A_75 : memref<632x128xf32, #tpu.memory_space<hbm>>) target_semaphore(%run_scoped3A : memref<!tpu.dma_semaphore, #tpu.memory_space<semaphore_mem>>)
        %dma_wait3A = arith.constant 0 : i32
        %dma_wait3A_78 = tpu.memref_slice %arg5[%arg0, %multiple_of3A, %dma_wait3A] : memref<2x10000x128xf32, #tpu.memory_space<hbm>> -> memref<1x632x128xf32, #tpu.memory_space<hbm>>
        %dma_wait3A_79 = tpu.memref_squeeze %dma_wait3A_78 : memref<1x632x128xf32, #tpu.memory_space<hbm>> -> memref<632x128xf32, #tpu.memory_space<hbm>>
        %dma_wait3A_80 = arith.constant 0 : i32
        %dma_wait3A_81 = tpu.memref_slice %arg8[%multiple_of3A, %dma_wait3A_80] : memref<10000x128xf32, #tpu.memory_space<vmem_shared>> -> memref<632x128xf32, #tpu.memory_space<vmem_shared>>
        tpu.wait_dma2 semaphore(%run_scoped3A : memref<!tpu.dma_semaphore, #tpu.memory_space<semaphore_mem>>) src(%dma_wait3A_81 : memref<632x128xf32, #tpu.memory_space<vmem_shared>>) dst(%dma_wait3A_79 : memref<632x128xf32, #tpu.memory_space<hbm>>)
        tpu.yield
      }) : () -> ()
    } else {
    }
    %eq3A_69 = arith.constant 15 : i32
    %eq3A_70 = arith.cmpi eq, %arg1, %eq3A_69 : i32
    %convert_element_type3A_71 = arith.extui %eq3A_70 : i1 to i32
    %cond3A_72 = arith.constant 0 : i32
    %cond3A_73 = arith.cmpi ne, %convert_element_type3A_71, %cond3A_72 : i32
    scf.if %cond3A_73 {
      "tpu.region"() ({
        %run_scoped3A = tpu.sem_alloc : memref<!tpu.dma_semaphore, #tpu.memory_space<semaphore_mem>>
        %dma_start3A = arith.constant 0 : i32
        %dma_start3A_74 = tpu.memref_slice %arg5[%arg0, %multiple_of3A, %dma_start3A] : memref<2x10000x128xf32, #tpu.memory_space<hbm>> -> memref<1x520x128xf32, #tpu.memory_space<hbm>>
        %dma_start3A_75 = tpu.memref_squeeze %dma_start3A_74 : memref<1x520x128xf32, #tpu.memory_space<hbm>> -> memref<520x128xf32, #tpu.memory_space<hbm>>
        %dma_start3A_76 = arith.constant 0 : i32
        %dma_start3A_77 = tpu.memref_slice %arg8[%multiple_of3A, %dma_start3A_76] : memref<10000x128xf32, #tpu.memory_space<vmem_shared>> -> memref<520x128xf32, #tpu.memory_space<vmem_shared>>
        tpu.enqueue_dma source(%dma_start3A_77 : memref<520x128xf32, #tpu.memory_space<vmem_shared>>) target(%dma_start3A_75 : memref<520x128xf32, #tpu.memory_space<hbm>>) target_semaphore(%run_scoped3A : memref<!tpu.dma_semaphore, #tpu.memory_space<semaphore_mem>>)
        %dma_wait3A = arith.constant 0 : i32
        %dma_wait3A_78 = tpu.memref_slice %arg5[%arg0, %multiple_of3A, %dma_wait3A] : memref<2x10000x128xf32, #tpu.memory_space<hbm>> -> memref<1x520x128xf32, #tpu.memory_space<hbm>>
        %dma_wait3A_79 = tpu.memref_squeeze %dma_wait3A_78 : memref<1x520x128xf32, #tpu.memory_space<hbm>> -> memref<520x128xf32, #tpu.memory_space<hbm>>
        %dma_wait3A_80 = arith.constant 0 : i32
        %dma_wait3A_81 = tpu.memref_slice %arg8[%multiple_of3A, %dma_wait3A_80] : memref<10000x128xf32, #tpu.memory_space<vmem_shared>> -> memref<520x128xf32, #tpu.memory_space<vmem_shared>>
        tpu.wait_dma2 semaphore(%run_scoped3A : memref<!tpu.dma_semaphore, #tpu.memory_space<semaphore_mem>>) src(%dma_wait3A_81 : memref<520x128xf32, #tpu.memory_space<vmem_shared>>) dst(%dma_wait3A_79 : memref<520x128xf32, #tpu.memory_space<hbm>>)
        tpu.yield
      }) : () -> ()
    } else {
    }
    return
  }
}

#map = affine_map<(d0, d1) -> (0, 0)>
#map1 = affine_map<(d0, d1) -> (0, 0, 0)>
module attributes {stable_mosaic.version = 14 : i64} {
  func.func @k(%arg0: i32, %arg1: i32, %arg2: memref<10000x128xf32, #tpu.memory_space<hbm>>, %arg3: memref<2500x2x128xi32, #tpu.memory_space<hbm>>, %arg4: memref<10000x128xf32, #tpu.memory_space<hbm>>, %arg5: memref<2x10000x128xf32, #tpu.memory_space<hbm>>, %arg6: memref<2x128xi32, #tpu.memory_space<vmem>>, %arg7: memref<128x128xf32, #tpu.memory_space<vmem>>, %arg8: memref<10000x128xf32, #tpu.memory_space<vmem_shared>>, %arg9: memref<!tpu.dma_semaphore, #tpu.memory_space<semaphore_mem>>) attributes {dimension_semantics = [#tpu.dimension_semantics<core_parallel>, #tpu.dimension_semantics<subcore_parallel>], iteration_bounds = array<i64: 2, 16>, scalar_prefetch = 0 : i64, scratch_operands = 4 : i64, tpu.core_type = #tpu.core_type<sc_vector_subcore>, window_params = [{transform_indices = #map}, {transform_indices = #map1}, {transform_indices = #map}, {transform_indices = #map1}]} {
    %mul3A = arith.constant 2 : i32
    %mul3A_0 = arith.muli %arg1, %mul3A : i32
    %add3A = arith.addi %mul3A_0, %arg0 : i32
    %mul3A_1 = arith.constant 632 : i32
    %mul3A_2 = arith.muli %arg1, %mul3A_1 : i32
    %multiple_of3A = tpu.assume_multiple %mul3A_2, 8 : i32
    %lt3A = arith.constant 15 : i32
    %lt3A_3 = arith.cmpi slt, %arg1, %lt3A : i32
    %convert_element_type3A = arith.extui %lt3A_3 : i1 to i32
    %cond3A = arith.constant 0 : i32
    %cond3A_4 = arith.cmpi ne, %convert_element_type3A, %cond3A : i32
    scf.if %cond3A_4 {
      "tpu.region"() ({
        %run_scoped3A = tpu.sem_alloc : memref<!tpu.dma_semaphore, #tpu.memory_space<semaphore_mem>>
        %dma_start3A = arith.constant 0 : i32
        %dma_start3A_74 = tpu.memref_slice %arg8[%multiple_of3A, %dma_start3A] : memref<10000x128xf32, #tpu.memory_space<vmem_shared>> -> memref<632x128xf32, #tpu.memory_space<vmem_shared>>
        %dma_start3A_75 = arith.constant 0 : i32
        %dma_start3A_76 = tpu.memref_slice %arg4[%multiple_of3A, %dma_start3A_75] : memref<10000x128xf32, #tpu.memory_space<hbm>> -> memref<632x128xf32, #tpu.memory_space<hbm>>
        tpu.enqueue_dma source(%dma_start3A_76 : memref<632x128xf32, #tpu.memory_space<hbm>>) target(%dma_start3A_74 : memref<632x128xf32, #tpu.memory_space<vmem_shared>>) target_semaphore(%run_scoped3A : memref<!tpu.dma_semaphore, #tpu.memory_space<semaphore_mem>>)
        %dma_wait3A = arith.constant 0 : i32
        %dma_wait3A_77 = tpu.memref_slice %arg8[%multiple_of3A, %dma_wait3A] : memref<10000x128xf32, #tpu.memory_space<vmem_shared>> -> memref<632x128xf32, #tpu.memory_space<vmem_shared>>
        %dma_wait3A_78 = arith.constant 0 : i32
        %dma_wait3A_79 = tpu.memref_slice %arg4[%multiple_of3A, %dma_wait3A_78] : memref<10000x128xf32, #tpu.memory_space<hbm>> -> memref<632x128xf32, #tpu.memory_space<hbm>>
        tpu.wait_dma2 semaphore(%run_scoped3A : memref<!tpu.dma_semaphore, #tpu.memory_space<semaphore_mem>>) src(%dma_wait3A_79 : memref<632x128xf32, #tpu.memory_space<hbm>>) dst(%dma_wait3A_77 : memref<632x128xf32, #tpu.memory_space<vmem_shared>>)
        tpu.yield
      }) : () -> ()
    } else {
    }
    %eq3A = arith.constant 15 : i32
    %eq3A_5 = arith.cmpi eq, %arg1, %eq3A : i32
    %convert_element_type3A_6 = arith.extui %eq3A_5 : i1 to i32
    %cond3A_7 = arith.constant 0 : i32
    %cond3A_8 = arith.cmpi ne, %convert_element_type3A_6, %cond3A_7 : i32
    scf.if %cond3A_8 {
      "tpu.region"() ({
        %run_scoped3A = tpu.sem_alloc : memref<!tpu.dma_semaphore, #tpu.memory_space<semaphore_mem>>
        %dma_start3A = arith.constant 0 : i32
        %dma_start3A_74 = tpu.memref_slice %arg8[%multiple_of3A, %dma_start3A] : memref<10000x128xf32, #tpu.memory_space<vmem_shared>> -> memref<520x128xf32, #tpu.memory_space<vmem_shared>>
        %dma_start3A_75 = arith.constant 0 : i32
        %dma_start3A_76 = tpu.memref_slice %arg4[%multiple_of3A, %dma_start3A_75] : memref<10000x128xf32, #tpu.memory_space<hbm>> -> memref<520x128xf32, #tpu.memory_space<hbm>>
        tpu.enqueue_dma source(%dma_start3A_76 : memref<520x128xf32, #tpu.memory_space<hbm>>) target(%dma_start3A_74 : memref<520x128xf32, #tpu.memory_space<vmem_shared>>) target_semaphore(%run_scoped3A : memref<!tpu.dma_semaphore, #tpu.memory_space<semaphore_mem>>)
        %dma_wait3A = arith.constant 0 : i32
        %dma_wait3A_77 = tpu.memref_slice %arg8[%multiple_of3A, %dma_wait3A] : memref<10000x128xf32, #tpu.memory_space<vmem_shared>> -> memref<520x128xf32, #tpu.memory_space<vmem_shared>>
        %dma_wait3A_78 = arith.constant 0 : i32
        %dma_wait3A_79 = tpu.memref_slice %arg4[%multiple_of3A, %dma_wait3A_78] : memref<10000x128xf32, #tpu.memory_space<hbm>> -> memref<520x128xf32, #tpu.memory_space<hbm>>
        tpu.wait_dma2 semaphore(%run_scoped3A : memref<!tpu.dma_semaphore, #tpu.memory_space<semaphore_mem>>) src(%dma_wait3A_79 : memref<520x128xf32, #tpu.memory_space<hbm>>) dst(%dma_wait3A_77 : memref<520x128xf32, #tpu.memory_space<vmem_shared>>)
        tpu.yield
      }) : () -> ()
    } else {
    }
    %barrier3A = arith.constant 0 : index
    tpu.barrier barrier_id(%barrier3A)
    %mul3A_9 = arith.constant 2500 : i32
    %mul3A_10 = arith.muli %mul3A_9, %add3A : i32
    %jit3A = arith.constant 32 : i32
    %div3A = arith.divsi %mul3A_10, %jit3A : i32
    %sign3A = arith.constant 0 : i32
    %sign3A_11 = arith.cmpi sgt, %mul3A_10, %sign3A : i32
    %sign3A_12 = arith.extui %sign3A_11 : i1 to i32
    %sign3A_13 = arith.constant 0 : i32
    %sign3A_14 = arith.cmpi slt, %mul3A_10, %sign3A_13 : i32
    %sign3A_15 = arith.extui %sign3A_14 : i1 to i32
    %sign3A_16 = arith.subi %sign3A_12, %sign3A_15 : i32
    %sign3A_17 = arith.constant 0 : i32
    %sign3A_18 = arith.cmpi sgt, %jit3A, %sign3A_17 : i32
    %sign3A_19 = arith.extui %sign3A_18 : i1 to i32
    %sign3A_20 = arith.constant 0 : i32
    %sign3A_21 = arith.cmpi slt, %jit3A, %sign3A_20 : i32
    %sign3A_22 = arith.extui %sign3A_21 : i1 to i32
    %sign3A_23 = arith.subi %sign3A_19, %sign3A_22 : i32
    %ne3A = arith.cmpi ne, %sign3A_16, %sign3A_23 : i32
    %rem3A = arith.remsi %mul3A_10, %jit3A : i32
    %ne3A_24 = arith.constant 0 : i32
    %ne3A_25 = arith.cmpi ne, %rem3A, %ne3A_24 : i32
    %and3A = arith.andi %ne3A, %ne3A_25 : i1
    %sub3A = arith.constant 1 : i32
    %sub3A_26 = arith.subi %div3A, %sub3A : i32
    %select_n3A = arith.select %and3A, %sub3A_26, %div3A : i32
    %add3A_27 = arith.constant 1 : i32
    %add3A_28 = arith.addi %add3A, %add3A_27 : i32
    %mul3A_29 = arith.constant 2500 : i32
    %mul3A_30 = arith.muli %mul3A_29, %add3A_28 : i32
    %jit3A_31 = arith.constant 32 : i32
    %div3A_32 = arith.divsi %mul3A_30, %jit3A_31 : i32
    %sign3A_33 = arith.constant 0 : i32
    %sign3A_34 = arith.cmpi sgt, %mul3A_30, %sign3A_33 : i32
    %sign3A_35 = arith.extui %sign3A_34 : i1 to i32
    %sign3A_36 = arith.constant 0 : i32
    %sign3A_37 = arith.cmpi slt, %mul3A_30, %sign3A_36 : i32
    %sign3A_38 = arith.extui %sign3A_37 : i1 to i32
    %sign3A_39 = arith.subi %sign3A_35, %sign3A_38 : i32
    %sign3A_40 = arith.constant 0 : i32
    %sign3A_41 = arith.cmpi sgt, %jit3A_31, %sign3A_40 : i32
    %sign3A_42 = arith.extui %sign3A_41 : i1 to i32
    %sign3A_43 = arith.constant 0 : i32
    %sign3A_44 = arith.cmpi slt, %jit3A_31, %sign3A_43 : i32
    %sign3A_45 = arith.extui %sign3A_44 : i1 to i32
    %sign3A_46 = arith.subi %sign3A_42, %sign3A_45 : i32
    %ne3A_47 = arith.cmpi ne, %sign3A_39, %sign3A_46 : i32
    %rem3A_48 = arith.remsi %mul3A_30, %jit3A_31 : i32
    %ne3A_49 = arith.constant 0 : i32
    %ne3A_50 = arith.cmpi ne, %rem3A_48, %ne3A_49 : i32
    %and3A_51 = arith.andi %ne3A_47, %ne3A_50 : i1
    %sub3A_52 = arith.constant 1 : i32
    %sub3A_53 = arith.subi %div3A_32, %sub3A_52 : i32
    %select_n3A_54 = arith.select %and3A_51, %sub3A_53, %div3A_32 : i32
    %while3A = arith.constant 0 : i32
    %while3A_55 = arith.subi %select_n3A_54, %select_n3A : i32
    %while3A_56 = arith.addi %select_n3A, %while3A_55 : i32
    %while3A_57 = arith.constant 1 : i32
    %while3A_58 = arith.divsi %while3A_55, %while3A_57 : i32
    %while3A_59 = arith.muli %while3A_58, %while3A_57 : i32
    %while3A_60 = arith.addi %select_n3A, %while3A_59 : i32
    %while3A_61 = arith.constant 1 : i32
    scf.for %while3A_74 = %select_n3A to %while3A_60 step %while3A_61  : i32 {
      "tpu.region"() ({
        %run_scoped3A_87 = tpu.sem_alloc : memref<!tpu.dma_semaphore, #tpu.memory_space<semaphore_mem>>
        %dma_start3A_88 = arith.constant 0 : i32
        %dma_start3A_89 = arith.constant 0 : i32
        %dma_start3A_90 = tpu.memref_slice %arg3[%while3A_74, %dma_start3A_88, %dma_start3A_89] : memref<2500x2x128xi32, #tpu.memory_space<hbm>> -> memref<1x2x128xi32, #tpu.memory_space<hbm>>
        %dma_start3A_91 = tpu.memref_squeeze %dma_start3A_90 : memref<1x2x128xi32, #tpu.memory_space<hbm>> -> memref<2x128xi32, #tpu.memory_space<hbm>>
        %dma_start3A_92 = arith.constant 0 : i32
        %dma_start3A_93 = arith.constant 0 : i32
        %dma_start3A_94 = tpu.memref_slice %arg3[%while3A_74, %dma_start3A_92, %dma_start3A_93] : memref<2500x2x128xi32, #tpu.memory_space<hbm>> -> memref<1x2x128xi32, #tpu.memory_space<hbm>>
        %dma_start3A_95 = tpu.memref_squeeze %dma_start3A_94 : memref<1x2x128xi32, #tpu.memory_space<hbm>> -> memref<2x128xi32, #tpu.memory_space<hbm>>
        tpu.enqueue_dma source(%dma_start3A_95 : memref<2x128xi32, #tpu.memory_space<hbm>>) target(%arg6 : memref<2x128xi32, #tpu.memory_space<vmem>>) target_semaphore(%run_scoped3A_87 : memref<!tpu.dma_semaphore, #tpu.memory_space<semaphore_mem>>)
        %dma_wait3A_96 = arith.constant 0 : i32
        %dma_wait3A_97 = arith.constant 0 : i32
        %dma_wait3A_98 = tpu.memref_slice %arg3[%while3A_74, %dma_wait3A_96, %dma_wait3A_97] : memref<2500x2x128xi32, #tpu.memory_space<hbm>> -> memref<1x2x128xi32, #tpu.memory_space<hbm>>
        %dma_wait3A_99 = tpu.memref_squeeze %dma_wait3A_98 : memref<1x2x128xi32, #tpu.memory_space<hbm>> -> memref<2x128xi32, #tpu.memory_space<hbm>>
        %dma_wait3A_100 = arith.constant 0 : i32
        %dma_wait3A_101 = arith.constant 0 : i32
        %dma_wait3A_102 = tpu.memref_slice %arg3[%while3A_74, %dma_wait3A_100, %dma_wait3A_101] : memref<2500x2x128xi32, #tpu.memory_space<hbm>> -> memref<1x2x128xi32, #tpu.memory_space<hbm>>
        %dma_wait3A_103 = tpu.memref_squeeze %dma_wait3A_102 : memref<1x2x128xi32, #tpu.memory_space<hbm>> -> memref<2x128xi32, #tpu.memory_space<hbm>>
        tpu.wait_dma2 semaphore(%run_scoped3A_87 : memref<!tpu.dma_semaphore, #tpu.memory_space<semaphore_mem>>) src(%dma_wait3A_103 : memref<2x128xi32, #tpu.memory_space<hbm>>) dst(%arg6 : memref<2x128xi32, #tpu.memory_space<vmem>>)
        tpu.yield
      }) : () -> ()
      %dma_start3A = arith.constant 0 : i32
      %dma_start3A_75 = arith.constant 0 : i32
      %dma_start3A_76 = tpu.memref_slice %arg6[%dma_start3A, %dma_start3A_75] : memref<2x128xi32, #tpu.memory_space<vmem>> -> memref<1x128xi32, #tpu.memory_space<vmem>>
      %dma_start3A_77 = tpu.memref_squeeze %dma_start3A_76 : memref<1x128xi32, #tpu.memory_space<vmem>> -> memref<128xi32, #tpu.memory_space<vmem>>
      %dma_start3A_78 = arith.constant 0 : i32
      %dma_start3A_79 = arith.constant 0 : i32
      %dma_start3A_80 = tpu.memref_slice %arg2[%dma_start3A_78, %dma_start3A_79] : memref<10000x128xf32, #tpu.memory_space<hbm>> -> memref<10000x128xf32, #tpu.memory_space<hbm>>
      tpu.enqueue_indirect_dma source(%dma_start3A_80 : memref<10000x128xf32, #tpu.memory_space<hbm>>) target(%arg7 : memref<128x128xf32, #tpu.memory_space<vmem>>) offsets(%dma_start3A_77 : memref<128xi32, #tpu.memory_space<vmem>>) semaphore(%arg9 : memref<!tpu.dma_semaphore, #tpu.memory_space<semaphore_mem>>)
      %dma_wait3A = arith.constant 0 : i32
      %dma_wait3A_81 = arith.constant 0 : i32
      %dma_wait3A_82 = tpu.memref_slice %arg6[%dma_wait3A, %dma_wait3A_81] : memref<2x128xi32, #tpu.memory_space<vmem>> -> memref<1x128xi32, #tpu.memory_space<vmem>>
      %dma_wait3A_83 = tpu.memref_squeeze %dma_wait3A_82 : memref<1x128xi32, #tpu.memory_space<vmem>> -> memref<128xi32, #tpu.memory_space<vmem>>
      %dma_wait3A_84 = arith.constant 0 : i32
      %dma_wait3A_85 = arith.constant 0 : i32
      %dma_wait3A_86 = tpu.memref_slice %arg2[%dma_wait3A_84, %dma_wait3A_85] : memref<10000x128xf32, #tpu.memory_space<hbm>> -> memref<10000x128xf32, #tpu.memory_space<hbm>>
      tpu.wait_indirect_dma semaphore(%arg9 : memref<!tpu.dma_semaphore, #tpu.memory_space<semaphore_mem>>) src(%dma_wait3A_86 : memref<10000x128xf32, #tpu.memory_space<hbm>>) dst(%arg7 : memref<128x128xf32, #tpu.memory_space<vmem>>)
      %run_scoped3A = arith.constant 1 : i32
      "tpu.region"() ({
        %run_scoped3A_87 = tpu.sem_alloc : memref<!tpu.dma_semaphore, #tpu.memory_space<semaphore_mem>>
        %dma_start3A_88 = arith.constant 0 : i32
        %dma_start3A_89 = tpu.memref_slice %arg6[%run_scoped3A, %dma_start3A_88] : memref<2x128xi32, #tpu.memory_space<vmem>> -> memref<1x128xi32, #tpu.memory_space<vmem>>
        %dma_start3A_90 = tpu.memref_squeeze %dma_start3A_89 : memref<1x128xi32, #tpu.memory_space<vmem>> -> memref<128xi32, #tpu.memory_space<vmem>>
        %dma_start3A_91 = arith.constant 0 : i32
        %dma_start3A_92 = arith.constant 0 : i32
        %dma_start3A_93 = tpu.memref_slice %arg8[%dma_start3A_91, %dma_start3A_92] : memref<10000x128xf32, #tpu.memory_space<vmem_shared>> -> memref<10000x128xf32, #tpu.memory_space<vmem_shared>>
        tpu.enqueue_indirect_dma source(%arg7 : memref<128x128xf32, #tpu.memory_space<vmem>>) target(%dma_start3A_93 : memref<10000x128xf32, #tpu.memory_space<vmem_shared>>) offsets(%dma_start3A_90 : memref<128xi32, #tpu.memory_space<vmem>>) semaphore(%run_scoped3A_87 : memref<!tpu.dma_semaphore, #tpu.memory_space<semaphore_mem>>) {add = true}
        %dma_wait3A_94 = arith.constant 0 : i32
        %dma_wait3A_95 = tpu.memref_slice %arg6[%run_scoped3A, %dma_wait3A_94] : memref<2x128xi32, #tpu.memory_space<vmem>> -> memref<1x128xi32, #tpu.memory_space<vmem>>
        %dma_wait3A_96 = tpu.memref_squeeze %dma_wait3A_95 : memref<1x128xi32, #tpu.memory_space<vmem>> -> memref<128xi32, #tpu.memory_space<vmem>>
        %dma_wait3A_97 = arith.constant 0 : i32
        %dma_wait3A_98 = arith.constant 0 : i32
        %dma_wait3A_99 = tpu.memref_slice %arg8[%dma_wait3A_97, %dma_wait3A_98] : memref<10000x128xf32, #tpu.memory_space<vmem_shared>> -> memref<10000x128xf32, #tpu.memory_space<vmem_shared>>
        tpu.wait_indirect_dma semaphore(%run_scoped3A_87 : memref<!tpu.dma_semaphore, #tpu.memory_space<semaphore_mem>>) src(%arg7 : memref<128x128xf32, #tpu.memory_space<vmem>>) dst(%dma_wait3A_99 : memref<10000x128xf32, #tpu.memory_space<vmem_shared>>)
        tpu.yield
      }) : () -> ()
    }
    %while3A_62 = arith.constant 1 : i32
    scf.for %while3A_74 = %while3A_60 to %while3A_56 step %while3A_62  : i32 {
      "tpu.region"() ({
        %run_scoped3A_87 = tpu.sem_alloc : memref<!tpu.dma_semaphore, #tpu.memory_space<semaphore_mem>>
        %dma_start3A_88 = arith.constant 0 : i32
        %dma_start3A_89 = arith.constant 0 : i32
        %dma_start3A_90 = tpu.memref_slice %arg3[%while3A_74, %dma_start3A_88, %dma_start3A_89] : memref<2500x2x128xi32, #tpu.memory_space<hbm>> -> memref<1x2x128xi32, #tpu.memory_space<hbm>>
        %dma_start3A_91 = tpu.memref_squeeze %dma_start3A_90 : memref<1x2x128xi32, #tpu.memory_space<hbm>> -> memref<2x128xi32, #tpu.memory_space<hbm>>
        %dma_start3A_92 = arith.constant 0 : i32
        %dma_start3A_93 = arith.constant 0 : i32
        %dma_start3A_94 = tpu.memref_slice %arg3[%while3A_74, %dma_start3A_92, %dma_start3A_93] : memref<2500x2x128xi32, #tpu.memory_space<hbm>> -> memref<1x2x128xi32, #tpu.memory_space<hbm>>
        %dma_start3A_95 = tpu.memref_squeeze %dma_start3A_94 : memref<1x2x128xi32, #tpu.memory_space<hbm>> -> memref<2x128xi32, #tpu.memory_space<hbm>>
        tpu.enqueue_dma source(%dma_start3A_95 : memref<2x128xi32, #tpu.memory_space<hbm>>) target(%arg6 : memref<2x128xi32, #tpu.memory_space<vmem>>) target_semaphore(%run_scoped3A_87 : memref<!tpu.dma_semaphore, #tpu.memory_space<semaphore_mem>>)
        %dma_wait3A_96 = arith.constant 0 : i32
        %dma_wait3A_97 = arith.constant 0 : i32
        %dma_wait3A_98 = tpu.memref_slice %arg3[%while3A_74, %dma_wait3A_96, %dma_wait3A_97] : memref<2500x2x128xi32, #tpu.memory_space<hbm>> -> memref<1x2x128xi32, #tpu.memory_space<hbm>>
        %dma_wait3A_99 = tpu.memref_squeeze %dma_wait3A_98 : memref<1x2x128xi32, #tpu.memory_space<hbm>> -> memref<2x128xi32, #tpu.memory_space<hbm>>
        %dma_wait3A_100 = arith.constant 0 : i32
        %dma_wait3A_101 = arith.constant 0 : i32
        %dma_wait3A_102 = tpu.memref_slice %arg3[%while3A_74, %dma_wait3A_100, %dma_wait3A_101] : memref<2500x2x128xi32, #tpu.memory_space<hbm>> -> memref<1x2x128xi32, #tpu.memory_space<hbm>>
        %dma_wait3A_103 = tpu.memref_squeeze %dma_wait3A_102 : memref<1x2x128xi32, #tpu.memory_space<hbm>> -> memref<2x128xi32, #tpu.memory_space<hbm>>
        tpu.wait_dma2 semaphore(%run_scoped3A_87 : memref<!tpu.dma_semaphore, #tpu.memory_space<semaphore_mem>>) src(%dma_wait3A_103 : memref<2x128xi32, #tpu.memory_space<hbm>>) dst(%arg6 : memref<2x128xi32, #tpu.memory_space<vmem>>)
        tpu.yield
      }) : () -> ()
      %dma_start3A = arith.constant 0 : i32
      %dma_start3A_75 = arith.constant 0 : i32
      %dma_start3A_76 = tpu.memref_slice %arg6[%dma_start3A, %dma_start3A_75] : memref<2x128xi32, #tpu.memory_space<vmem>> -> memref<1x128xi32, #tpu.memory_space<vmem>>
      %dma_start3A_77 = tpu.memref_squeeze %dma_start3A_76 : memref<1x128xi32, #tpu.memory_space<vmem>> -> memref<128xi32, #tpu.memory_space<vmem>>
      %dma_start3A_78 = arith.constant 0 : i32
      %dma_start3A_79 = arith.constant 0 : i32
      %dma_start3A_80 = tpu.memref_slice %arg2[%dma_start3A_78, %dma_start3A_79] : memref<10000x128xf32, #tpu.memory_space<hbm>> -> memref<10000x128xf32, #tpu.memory_space<hbm>>
      tpu.enqueue_indirect_dma source(%dma_start3A_80 : memref<10000x128xf32, #tpu.memory_space<hbm>>) target(%arg7 : memref<128x128xf32, #tpu.memory_space<vmem>>) offsets(%dma_start3A_77 : memref<128xi32, #tpu.memory_space<vmem>>) semaphore(%arg9 : memref<!tpu.dma_semaphore, #tpu.memory_space<semaphore_mem>>)
      %dma_wait3A = arith.constant 0 : i32
      %dma_wait3A_81 = arith.constant 0 : i32
      %dma_wait3A_82 = tpu.memref_slice %arg6[%dma_wait3A, %dma_wait3A_81] : memref<2x128xi32, #tpu.memory_space<vmem>> -> memref<1x128xi32, #tpu.memory_space<vmem>>
      %dma_wait3A_83 = tpu.memref_squeeze %dma_wait3A_82 : memref<1x128xi32, #tpu.memory_space<vmem>> -> memref<128xi32, #tpu.memory_space<vmem>>
      %dma_wait3A_84 = arith.constant 0 : i32
      %dma_wait3A_85 = arith.constant 0 : i32
      %dma_wait3A_86 = tpu.memref_slice %arg2[%dma_wait3A_84, %dma_wait3A_85] : memref<10000x128xf32, #tpu.memory_space<hbm>> -> memref<10000x128xf32, #tpu.memory_space<hbm>>
      tpu.wait_indirect_dma semaphore(%arg9 : memref<!tpu.dma_semaphore, #tpu.memory_space<semaphore_mem>>) src(%dma_wait3A_86 : memref<10000x128xf32, #tpu.memory_space<hbm>>) dst(%arg7 : memref<128x128xf32, #tpu.memory_space<vmem>>)
      %run_scoped3A = arith.constant 1 : i32
      "tpu.region"() ({
        %run_scoped3A_87 = tpu.sem_alloc : memref<!tpu.dma_semaphore, #tpu.memory_space<semaphore_mem>>
        %dma_start3A_88 = arith.constant 0 : i32
        %dma_start3A_89 = tpu.memref_slice %arg6[%run_scoped3A, %dma_start3A_88] : memref<2x128xi32, #tpu.memory_space<vmem>> -> memref<1x128xi32, #tpu.memory_space<vmem>>
        %dma_start3A_90 = tpu.memref_squeeze %dma_start3A_89 : memref<1x128xi32, #tpu.memory_space<vmem>> -> memref<128xi32, #tpu.memory_space<vmem>>
        %dma_start3A_91 = arith.constant 0 : i32
        %dma_start3A_92 = arith.constant 0 : i32
        %dma_start3A_93 = tpu.memref_slice %arg8[%dma_start3A_91, %dma_start3A_92] : memref<10000x128xf32, #tpu.memory_space<vmem_shared>> -> memref<10000x128xf32, #tpu.memory_space<vmem_shared>>
        tpu.enqueue_indirect_dma source(%arg7 : memref<128x128xf32, #tpu.memory_space<vmem>>) target(%dma_start3A_93 : memref<10000x128xf32, #tpu.memory_space<vmem_shared>>) offsets(%dma_start3A_90 : memref<128xi32, #tpu.memory_space<vmem>>) semaphore(%run_scoped3A_87 : memref<!tpu.dma_semaphore, #tpu.memory_space<semaphore_mem>>) {add = true}
        %dma_wait3A_94 = arith.constant 0 : i32
        %dma_wait3A_95 = tpu.memref_slice %arg6[%run_scoped3A, %dma_wait3A_94] : memref<2x128xi32, #tpu.memory_space<vmem>> -> memref<1x128xi32, #tpu.memory_space<vmem>>
        %dma_wait3A_96 = tpu.memref_squeeze %dma_wait3A_95 : memref<1x128xi32, #tpu.memory_space<vmem>> -> memref<128xi32, #tpu.memory_space<vmem>>
        %dma_wait3A_97 = arith.constant 0 : i32
        %dma_wait3A_98 = arith.constant 0 : i32
        %dma_wait3A_99 = tpu.memref_slice %arg8[%dma_wait3A_97, %dma_wait3A_98] : memref<10000x128xf32, #tpu.memory_space<vmem_shared>> -> memref<10000x128xf32, #tpu.memory_space<vmem_shared>>
        tpu.wait_indirect_dma semaphore(%run_scoped3A_87 : memref<!tpu.dma_semaphore, #tpu.memory_space<semaphore_mem>>) src(%arg7 : memref<128x128xf32, #tpu.memory_space<vmem>>) dst(%dma_wait3A_99 : memref<10000x128xf32, #tpu.memory_space<vmem_shared>>)
        tpu.yield
      }) : () -> ()
    }
    %barrier3A_63 = arith.constant 0 : index
    tpu.barrier barrier_id(%barrier3A_63)
    %lt3A_64 = arith.constant 15 : i32
    %lt3A_65 = arith.cmpi slt, %arg1, %lt3A_64 : i32
    %convert_element_type3A_66 = arith.extui %lt3A_65 : i1 to i32
    %cond3A_67 = arith.constant 0 : i32
    %cond3A_68 = arith.cmpi ne, %convert_element_type3A_66, %cond3A_67 : i32
    scf.if %cond3A_68 {
      "tpu.region"() ({
        %run_scoped3A = tpu.sem_alloc : memref<!tpu.dma_semaphore, #tpu.memory_space<semaphore_mem>>
        %dma_start3A = arith.constant 0 : i32
        %dma_start3A_74 = tpu.memref_slice %arg5[%arg0, %multiple_of3A, %dma_start3A] : memref<2x10000x128xf32, #tpu.memory_space<hbm>> -> memref<1x632x128xf32, #tpu.memory_space<hbm>>
        %dma_start3A_75 = tpu.memref_squeeze %dma_start3A_74 : memref<1x632x128xf32, #tpu.memory_space<hbm>> -> memref<632x128xf32, #tpu.memory_space<hbm>>
        %dma_start3A_76 = arith.constant 0 : i32
        %dma_start3A_77 = tpu.memref_slice %arg8[%multiple_of3A, %dma_start3A_76] : memref<10000x128xf32, #tpu.memory_space<vmem_shared>> -> memref<632x128xf32, #tpu.memory_space<vmem_shared>>
        tpu.enqueue_dma source(%dma_start3A_77 : memref<632x128xf32, #tpu.memory_space<vmem_shared>>) target(%dma_start3A_75 : memref<632x128xf32, #tpu.memory_space<hbm>>) target_semaphore(%run_scoped3A : memref<!tpu.dma_semaphore, #tpu.memory_space<semaphore_mem>>)
        %dma_wait3A = arith.constant 0 : i32
        %dma_wait3A_78 = tpu.memref_slice %arg5[%arg0, %multiple_of3A, %dma_wait3A] : memref<2x10000x128xf32, #tpu.memory_space<hbm>> -> memref<1x632x128xf32, #tpu.memory_space<hbm>>
        %dma_wait3A_79 = tpu.memref_squeeze %dma_wait3A_78 : memref<1x632x128xf32, #tpu.memory_space<hbm>> -> memref<632x128xf32, #tpu.memory_space<hbm>>
        %dma_wait3A_80 = arith.constant 0 : i32
        %dma_wait3A_81 = tpu.memref_slice %arg8[%multiple_of3A, %dma_wait3A_80] : memref<10000x128xf32, #tpu.memory_space<vmem_shared>> -> memref<632x128xf32, #tpu.memory_space<vmem_shared>>
        tpu.wait_dma2 semaphore(%run_scoped3A : memref<!tpu.dma_semaphore, #tpu.memory_space<semaphore_mem>>) src(%dma_wait3A_81 : memref<632x128xf32, #tpu.memory_space<vmem_shared>>) dst(%dma_wait3A_79 : memref<632x128xf32, #tpu.memory_space<hbm>>)
        tpu.yield
      }) : () -> ()
    } else {
    }
    %eq3A_69 = arith.constant 15 : i32
    %eq3A_70 = arith.cmpi eq, %arg1, %eq3A_69 : i32
    %convert_element_type3A_71 = arith.extui %eq3A_70 : i1 to i32
    %cond3A_72 = arith.constant 0 : i32
    %cond3A_73 = arith.cmpi ne, %convert_element_type3A_71, %cond3A_72 : i32
    scf.if %cond3A_73 {
      "tpu.region"() ({
        %run_scoped3A = tpu.sem_alloc : memref<!tpu.dma_semaphore, #tpu.memory_space<semaphore_mem>>
        %dma_start3A = arith.constant 0 : i32
        %dma_start3A_74 = tpu.memref_slice %arg5[%arg0, %multiple_of3A, %dma_start3A] : memref<2x10000x128xf32, #tpu.memory_space<hbm>> -> memref<1x520x128xf32, #tpu.memory_space<hbm>>
        %dma_start3A_75 = tpu.memref_squeeze %dma_start3A_74 : memref<1x520x128xf32, #tpu.memory_space<hbm>> -> memref<520x128xf32, #tpu.memory_space<hbm>>
        %dma_start3A_76 = arith.constant 0 : i32
        %dma_start3A_77 = tpu.memref_slice %arg8[%multiple_of3A, %dma_start3A_76] : memref<10000x128xf32, #tpu.memory_space<vmem_shared>> -> memref<520x128xf32, #tpu.memory_space<vmem_shared>>
        tpu.enqueue_dma source(%dma_start3A_77 : memref<520x128xf32, #tpu.memory_space<vmem_shared>>) target(%dma_start3A_75 : memref<520x128xf32, #tpu.memory_space<hbm>>) target_semaphore(%run_scoped3A : memref<!tpu.dma_semaphore, #tpu.memory_space<semaphore_mem>>)
        %dma_wait3A = arith.constant 0 : i32
        %dma_wait3A_78 = tpu.memref_slice %arg5[%arg0, %multiple_of3A, %dma_wait3A] : memref<2x10000x128xf32, #tpu.memory_space<hbm>> -> memref<1x520x128xf32, #tpu.memory_space<hbm>>
        %dma_wait3A_79 = tpu.memref_squeeze %dma_wait3A_78 : memref<1x520x128xf32, #tpu.memory_space<hbm>> -> memref<520x128xf32, #tpu.memory_space<hbm>>
        %dma_wait3A_80 = arith.constant 0 : i32
        %dma_wait3A_81 = tpu.memref_slice %arg8[%multiple_of3A, %dma_wait3A_80] : memref<10000x128xf32, #tpu.memory_space<vmem_shared>> -> memref<520x128xf32, #tpu.memory_space<vmem_shared>>
        tpu.wait_dma2 semaphore(%run_scoped3A : memref<!tpu.dma_semaphore, #tpu.memory_space<semaphore_mem>>) src(%dma_wait3A_81 : memref<520x128xf32, #tpu.memory_space<vmem_shared>>) dst(%dma_wait3A_79 : memref<520x128xf32, #tpu.memory_space<hbm>>)
        tpu.yield
      }) : () -> ()
    } else {
    }
    return
  }
}

#map = affine_map<(d0, d1) -> (0, 0, 0)>
#map1 = affine_map<(d0, d1) -> (0, 0)>
module attributes {stable_mosaic.version = 14 : i64} {
  func.func @k(%arg0: i32, %arg1: i32, %arg2: memref<2500x2x128xi32, #tpu.memory_space<hbm>>, %arg3: memref<320000x128xf32, #tpu.memory_space<hbm>>, %arg4: memref<10000x128xf32, #tpu.memory_space<hbm>>, %arg5: memref<2x10000x128xf32, #tpu.memory_space<hbm>>, %arg6: memref<2x128xi32, #tpu.memory_space<vmem>>, %arg7: memref<128x128xf32, #tpu.memory_space<vmem>>, %arg8: memref<10000x128xf32, #tpu.memory_space<vmem_shared>>) attributes {dimension_semantics = [#tpu.dimension_semantics<core_parallel>, #tpu.dimension_semantics<subcore_parallel>], iteration_bounds = array<i64: 2, 16>, scalar_prefetch = 0 : i64, scratch_operands = 3 : i64, tpu.core_type = #tpu.core_type<sc_vector_subcore>, window_params = [{transform_indices = #map}, {transform_indices = #map1}, {transform_indices = #map1}, {transform_indices = #map}]} {
    %mul3A = arith.constant 2 : i32
    %mul3A_0 = arith.muli %arg1, %mul3A : i32
    %add3A = arith.addi %mul3A_0, %arg0 : i32
    %mul3A_1 = arith.constant 632 : i32
    %mul3A_2 = arith.muli %arg1, %mul3A_1 : i32
    %multiple_of3A = tpu.assume_multiple %mul3A_2, 8 : i32
    %lt3A = arith.constant 15 : i32
    %lt3A_3 = arith.cmpi slt, %arg1, %lt3A : i32
    %convert_element_type3A = arith.extui %lt3A_3 : i1 to i32
    %cond3A = arith.constant 0 : i32
    %cond3A_4 = arith.cmpi ne, %convert_element_type3A, %cond3A : i32
    scf.if %cond3A_4 {
      "tpu.region"() ({
        %run_scoped3A = tpu.sem_alloc : memref<!tpu.dma_semaphore, #tpu.memory_space<semaphore_mem>>
        %dma_start3A = arith.constant 0 : i32
        %dma_start3A_74 = tpu.memref_slice %arg8[%multiple_of3A, %dma_start3A] : memref<10000x128xf32, #tpu.memory_space<vmem_shared>> -> memref<632x128xf32, #tpu.memory_space<vmem_shared>>
        %dma_start3A_75 = arith.constant 0 : i32
        %dma_start3A_76 = tpu.memref_slice %arg4[%multiple_of3A, %dma_start3A_75] : memref<10000x128xf32, #tpu.memory_space<hbm>> -> memref<632x128xf32, #tpu.memory_space<hbm>>
        tpu.enqueue_dma source(%dma_start3A_76 : memref<632x128xf32, #tpu.memory_space<hbm>>) target(%dma_start3A_74 : memref<632x128xf32, #tpu.memory_space<vmem_shared>>) target_semaphore(%run_scoped3A : memref<!tpu.dma_semaphore, #tpu.memory_space<semaphore_mem>>)
        %dma_wait3A = arith.constant 0 : i32
        %dma_wait3A_77 = tpu.memref_slice %arg8[%multiple_of3A, %dma_wait3A] : memref<10000x128xf32, #tpu.memory_space<vmem_shared>> -> memref<632x128xf32, #tpu.memory_space<vmem_shared>>
        %dma_wait3A_78 = arith.constant 0 : i32
        %dma_wait3A_79 = tpu.memref_slice %arg4[%multiple_of3A, %dma_wait3A_78] : memref<10000x128xf32, #tpu.memory_space<hbm>> -> memref<632x128xf32, #tpu.memory_space<hbm>>
        tpu.wait_dma2 semaphore(%run_scoped3A : memref<!tpu.dma_semaphore, #tpu.memory_space<semaphore_mem>>) src(%dma_wait3A_79 : memref<632x128xf32, #tpu.memory_space<hbm>>) dst(%dma_wait3A_77 : memref<632x128xf32, #tpu.memory_space<vmem_shared>>)
        tpu.yield
      }) : () -> ()
    } else {
    }
    %eq3A = arith.constant 15 : i32
    %eq3A_5 = arith.cmpi eq, %arg1, %eq3A : i32
    %convert_element_type3A_6 = arith.extui %eq3A_5 : i1 to i32
    %cond3A_7 = arith.constant 0 : i32
    %cond3A_8 = arith.cmpi ne, %convert_element_type3A_6, %cond3A_7 : i32
    scf.if %cond3A_8 {
      "tpu.region"() ({
        %run_scoped3A = tpu.sem_alloc : memref<!tpu.dma_semaphore, #tpu.memory_space<semaphore_mem>>
        %dma_start3A = arith.constant 0 : i32
        %dma_start3A_74 = tpu.memref_slice %arg8[%multiple_of3A, %dma_start3A] : memref<10000x128xf32, #tpu.memory_space<vmem_shared>> -> memref<520x128xf32, #tpu.memory_space<vmem_shared>>
        %dma_start3A_75 = arith.constant 0 : i32
        %dma_start3A_76 = tpu.memref_slice %arg4[%multiple_of3A, %dma_start3A_75] : memref<10000x128xf32, #tpu.memory_space<hbm>> -> memref<520x128xf32, #tpu.memory_space<hbm>>
        tpu.enqueue_dma source(%dma_start3A_76 : memref<520x128xf32, #tpu.memory_space<hbm>>) target(%dma_start3A_74 : memref<520x128xf32, #tpu.memory_space<vmem_shared>>) target_semaphore(%run_scoped3A : memref<!tpu.dma_semaphore, #tpu.memory_space<semaphore_mem>>)
        %dma_wait3A = arith.constant 0 : i32
        %dma_wait3A_77 = tpu.memref_slice %arg8[%multiple_of3A, %dma_wait3A] : memref<10000x128xf32, #tpu.memory_space<vmem_shared>> -> memref<520x128xf32, #tpu.memory_space<vmem_shared>>
        %dma_wait3A_78 = arith.constant 0 : i32
        %dma_wait3A_79 = tpu.memref_slice %arg4[%multiple_of3A, %dma_wait3A_78] : memref<10000x128xf32, #tpu.memory_space<hbm>> -> memref<520x128xf32, #tpu.memory_space<hbm>>
        tpu.wait_dma2 semaphore(%run_scoped3A : memref<!tpu.dma_semaphore, #tpu.memory_space<semaphore_mem>>) src(%dma_wait3A_79 : memref<520x128xf32, #tpu.memory_space<hbm>>) dst(%dma_wait3A_77 : memref<520x128xf32, #tpu.memory_space<vmem_shared>>)
        tpu.yield
      }) : () -> ()
    } else {
    }
    %barrier3A = arith.constant 0 : index
    tpu.barrier barrier_id(%barrier3A)
    %mul3A_9 = arith.constant 2500 : i32
    %mul3A_10 = arith.muli %mul3A_9, %add3A : i32
    %jit3A = arith.constant 32 : i32
    %div3A = arith.divsi %mul3A_10, %jit3A : i32
    %sign3A = arith.constant 0 : i32
    %sign3A_11 = arith.cmpi sgt, %mul3A_10, %sign3A : i32
    %sign3A_12 = arith.extui %sign3A_11 : i1 to i32
    %sign3A_13 = arith.constant 0 : i32
    %sign3A_14 = arith.cmpi slt, %mul3A_10, %sign3A_13 : i32
    %sign3A_15 = arith.extui %sign3A_14 : i1 to i32
    %sign3A_16 = arith.subi %sign3A_12, %sign3A_15 : i32
    %sign3A_17 = arith.constant 0 : i32
    %sign3A_18 = arith.cmpi sgt, %jit3A, %sign3A_17 : i32
    %sign3A_19 = arith.extui %sign3A_18 : i1 to i32
    %sign3A_20 = arith.constant 0 : i32
    %sign3A_21 = arith.cmpi slt, %jit3A, %sign3A_20 : i32
    %sign3A_22 = arith.extui %sign3A_21 : i1 to i32
    %sign3A_23 = arith.subi %sign3A_19, %sign3A_22 : i32
    %ne3A = arith.cmpi ne, %sign3A_16, %sign3A_23 : i32
    %rem3A = arith.remsi %mul3A_10, %jit3A : i32
    %ne3A_24 = arith.constant 0 : i32
    %ne3A_25 = arith.cmpi ne, %rem3A, %ne3A_24 : i32
    %and3A = arith.andi %ne3A, %ne3A_25 : i1
    %sub3A = arith.constant 1 : i32
    %sub3A_26 = arith.subi %div3A, %sub3A : i32
    %select_n3A = arith.select %and3A, %sub3A_26, %div3A : i32
    %add3A_27 = arith.constant 1 : i32
    %add3A_28 = arith.addi %add3A, %add3A_27 : i32
    %mul3A_29 = arith.constant 2500 : i32
    %mul3A_30 = arith.muli %mul3A_29, %add3A_28 : i32
    %jit3A_31 = arith.constant 32 : i32
    %div3A_32 = arith.divsi %mul3A_30, %jit3A_31 : i32
    %sign3A_33 = arith.constant 0 : i32
    %sign3A_34 = arith.cmpi sgt, %mul3A_30, %sign3A_33 : i32
    %sign3A_35 = arith.extui %sign3A_34 : i1 to i32
    %sign3A_36 = arith.constant 0 : i32
    %sign3A_37 = arith.cmpi slt, %mul3A_30, %sign3A_36 : i32
    %sign3A_38 = arith.extui %sign3A_37 : i1 to i32
    %sign3A_39 = arith.subi %sign3A_35, %sign3A_38 : i32
    %sign3A_40 = arith.constant 0 : i32
    %sign3A_41 = arith.cmpi sgt, %jit3A_31, %sign3A_40 : i32
    %sign3A_42 = arith.extui %sign3A_41 : i1 to i32
    %sign3A_43 = arith.constant 0 : i32
    %sign3A_44 = arith.cmpi slt, %jit3A_31, %sign3A_43 : i32
    %sign3A_45 = arith.extui %sign3A_44 : i1 to i32
    %sign3A_46 = arith.subi %sign3A_42, %sign3A_45 : i32
    %ne3A_47 = arith.cmpi ne, %sign3A_39, %sign3A_46 : i32
    %rem3A_48 = arith.remsi %mul3A_30, %jit3A_31 : i32
    %ne3A_49 = arith.constant 0 : i32
    %ne3A_50 = arith.cmpi ne, %rem3A_48, %ne3A_49 : i32
    %and3A_51 = arith.andi %ne3A_47, %ne3A_50 : i1
    %sub3A_52 = arith.constant 1 : i32
    %sub3A_53 = arith.subi %div3A_32, %sub3A_52 : i32
    %select_n3A_54 = arith.select %and3A_51, %sub3A_53, %div3A_32 : i32
    %while3A = arith.constant 0 : i32
    %while3A_55 = arith.subi %select_n3A_54, %select_n3A : i32
    %while3A_56 = arith.addi %select_n3A, %while3A_55 : i32
    %while3A_57 = arith.constant 1 : i32
    %while3A_58 = arith.divsi %while3A_55, %while3A_57 : i32
    %while3A_59 = arith.muli %while3A_58, %while3A_57 : i32
    %while3A_60 = arith.addi %select_n3A, %while3A_59 : i32
    %while3A_61 = arith.constant 1 : i32
    scf.for %while3A_74 = %select_n3A to %while3A_60 step %while3A_61  : i32 {
      "tpu.region"() ({
        %run_scoped3A_77 = tpu.sem_alloc : memref<!tpu.dma_semaphore, #tpu.memory_space<semaphore_mem>>
        %dma_start3A = arith.constant 0 : i32
        %dma_start3A_78 = arith.constant 0 : i32
        %dma_start3A_79 = tpu.memref_slice %arg2[%while3A_74, %dma_start3A, %dma_start3A_78] : memref<2500x2x128xi32, #tpu.memory_space<hbm>> -> memref<1x2x128xi32, #tpu.memory_space<hbm>>
        %dma_start3A_80 = tpu.memref_squeeze %dma_start3A_79 : memref<1x2x128xi32, #tpu.memory_space<hbm>> -> memref<2x128xi32, #tpu.memory_space<hbm>>
        %dma_start3A_81 = arith.constant 0 : i32
        %dma_start3A_82 = arith.constant 0 : i32
        %dma_start3A_83 = tpu.memref_slice %arg2[%while3A_74, %dma_start3A_81, %dma_start3A_82] : memref<2500x2x128xi32, #tpu.memory_space<hbm>> -> memref<1x2x128xi32, #tpu.memory_space<hbm>>
        %dma_start3A_84 = tpu.memref_squeeze %dma_start3A_83 : memref<1x2x128xi32, #tpu.memory_space<hbm>> -> memref<2x128xi32, #tpu.memory_space<hbm>>
        tpu.enqueue_dma source(%dma_start3A_84 : memref<2x128xi32, #tpu.memory_space<hbm>>) target(%arg6 : memref<2x128xi32, #tpu.memory_space<vmem>>) target_semaphore(%run_scoped3A_77 : memref<!tpu.dma_semaphore, #tpu.memory_space<semaphore_mem>>)
        %dma_wait3A = arith.constant 0 : i32
        %dma_wait3A_85 = arith.constant 0 : i32
        %dma_wait3A_86 = tpu.memref_slice %arg2[%while3A_74, %dma_wait3A, %dma_wait3A_85] : memref<2500x2x128xi32, #tpu.memory_space<hbm>> -> memref<1x2x128xi32, #tpu.memory_space<hbm>>
        %dma_wait3A_87 = tpu.memref_squeeze %dma_wait3A_86 : memref<1x2x128xi32, #tpu.memory_space<hbm>> -> memref<2x128xi32, #tpu.memory_space<hbm>>
        %dma_wait3A_88 = arith.constant 0 : i32
        %dma_wait3A_89 = arith.constant 0 : i32
        %dma_wait3A_90 = tpu.memref_slice %arg2[%while3A_74, %dma_wait3A_88, %dma_wait3A_89] : memref<2500x2x128xi32, #tpu.memory_space<hbm>> -> memref<1x2x128xi32, #tpu.memory_space<hbm>>
        %dma_wait3A_91 = tpu.memref_squeeze %dma_wait3A_90 : memref<1x2x128xi32, #tpu.memory_space<hbm>> -> memref<2x128xi32, #tpu.memory_space<hbm>>
        tpu.wait_dma2 semaphore(%run_scoped3A_77 : memref<!tpu.dma_semaphore, #tpu.memory_space<semaphore_mem>>) src(%dma_wait3A_91 : memref<2x128xi32, #tpu.memory_space<hbm>>) dst(%arg6 : memref<2x128xi32, #tpu.memory_space<vmem>>)
        tpu.yield
      }) : () -> ()
      %mul3A_75 = arith.constant 128 : i32
      %mul3A_76 = arith.muli %while3A_74, %mul3A_75 : i32
      "tpu.region"() ({
        %run_scoped3A_77 = tpu.sem_alloc : memref<!tpu.dma_semaphore, #tpu.memory_space<semaphore_mem>>
        %dma_start3A = arith.constant 0 : i32
        %dma_start3A_78 = tpu.memref_slice %arg3[%mul3A_76, %dma_start3A] : memref<320000x128xf32, #tpu.memory_space<hbm>> -> memref<128x128xf32, #tpu.memory_space<hbm>>
        %dma_start3A_79 = arith.constant 0 : i32
        %dma_start3A_80 = tpu.memref_slice %arg3[%mul3A_76, %dma_start3A_79] : memref<320000x128xf32, #tpu.memory_space<hbm>> -> memref<128x128xf32, #tpu.memory_space<hbm>>
        tpu.enqueue_dma source(%dma_start3A_80 : memref<128x128xf32, #tpu.memory_space<hbm>>) target(%arg7 : memref<128x128xf32, #tpu.memory_space<vmem>>) target_semaphore(%run_scoped3A_77 : memref<!tpu.dma_semaphore, #tpu.memory_space<semaphore_mem>>)
        %dma_wait3A = arith.constant 0 : i32
        %dma_wait3A_81 = tpu.memref_slice %arg3[%mul3A_76, %dma_wait3A] : memref<320000x128xf32, #tpu.memory_space<hbm>> -> memref<128x128xf32, #tpu.memory_space<hbm>>
        %dma_wait3A_82 = arith.constant 0 : i32
        %dma_wait3A_83 = tpu.memref_slice %arg3[%mul3A_76, %dma_wait3A_82] : memref<320000x128xf32, #tpu.memory_space<hbm>> -> memref<128x128xf32, #tpu.memory_space<hbm>>
        tpu.wait_dma2 semaphore(%run_scoped3A_77 : memref<!tpu.dma_semaphore, #tpu.memory_space<semaphore_mem>>) src(%dma_wait3A_83 : memref<128x128xf32, #tpu.memory_space<hbm>>) dst(%arg7 : memref<128x128xf32, #tpu.memory_space<vmem>>)
        tpu.yield
      }) : () -> ()
      %run_scoped3A = arith.constant 1 : i32
      "tpu.region"() ({
        %run_scoped3A_77 = tpu.sem_alloc : memref<!tpu.dma_semaphore, #tpu.memory_space<semaphore_mem>>
        %dma_start3A = arith.constant 0 : i32
        %dma_start3A_78 = tpu.memref_slice %arg6[%run_scoped3A, %dma_start3A] : memref<2x128xi32, #tpu.memory_space<vmem>> -> memref<1x128xi32, #tpu.memory_space<vmem>>
        %dma_start3A_79 = tpu.memref_squeeze %dma_start3A_78 : memref<1x128xi32, #tpu.memory_space<vmem>> -> memref<128xi32, #tpu.memory_space<vmem>>
        %dma_start3A_80 = arith.constant 0 : i32
        %dma_start3A_81 = arith.constant 0 : i32
        %dma_start3A_82 = tpu.memref_slice %arg8[%dma_start3A_80, %dma_start3A_81] : memref<10000x128xf32, #tpu.memory_space<vmem_shared>> -> memref<10000x128xf32, #tpu.memory_space<vmem_shared>>
        tpu.enqueue_indirect_dma source(%arg7 : memref<128x128xf32, #tpu.memory_space<vmem>>) target(%dma_start3A_82 : memref<10000x128xf32, #tpu.memory_space<vmem_shared>>) offsets(%dma_start3A_79 : memref<128xi32, #tpu.memory_space<vmem>>) semaphore(%run_scoped3A_77 : memref<!tpu.dma_semaphore, #tpu.memory_space<semaphore_mem>>) {add = true}
        %dma_wait3A = arith.constant 0 : i32
        %dma_wait3A_83 = tpu.memref_slice %arg6[%run_scoped3A, %dma_wait3A] : memref<2x128xi32, #tpu.memory_space<vmem>> -> memref<1x128xi32, #tpu.memory_space<vmem>>
        %dma_wait3A_84 = tpu.memref_squeeze %dma_wait3A_83 : memref<1x128xi32, #tpu.memory_space<vmem>> -> memref<128xi32, #tpu.memory_space<vmem>>
        %dma_wait3A_85 = arith.constant 0 : i32
        %dma_wait3A_86 = arith.constant 0 : i32
        %dma_wait3A_87 = tpu.memref_slice %arg8[%dma_wait3A_85, %dma_wait3A_86] : memref<10000x128xf32, #tpu.memory_space<vmem_shared>> -> memref<10000x128xf32, #tpu.memory_space<vmem_shared>>
        tpu.wait_indirect_dma semaphore(%run_scoped3A_77 : memref<!tpu.dma_semaphore, #tpu.memory_space<semaphore_mem>>) src(%arg7 : memref<128x128xf32, #tpu.memory_space<vmem>>) dst(%dma_wait3A_87 : memref<10000x128xf32, #tpu.memory_space<vmem_shared>>)
        tpu.yield
      }) : () -> ()
    }
    %while3A_62 = arith.constant 1 : i32
    scf.for %while3A_74 = %while3A_60 to %while3A_56 step %while3A_62  : i32 {
      "tpu.region"() ({
        %run_scoped3A_77 = tpu.sem_alloc : memref<!tpu.dma_semaphore, #tpu.memory_space<semaphore_mem>>
        %dma_start3A = arith.constant 0 : i32
        %dma_start3A_78 = arith.constant 0 : i32
        %dma_start3A_79 = tpu.memref_slice %arg2[%while3A_74, %dma_start3A, %dma_start3A_78] : memref<2500x2x128xi32, #tpu.memory_space<hbm>> -> memref<1x2x128xi32, #tpu.memory_space<hbm>>
        %dma_start3A_80 = tpu.memref_squeeze %dma_start3A_79 : memref<1x2x128xi32, #tpu.memory_space<hbm>> -> memref<2x128xi32, #tpu.memory_space<hbm>>
        %dma_start3A_81 = arith.constant 0 : i32
        %dma_start3A_82 = arith.constant 0 : i32
        %dma_start3A_83 = tpu.memref_slice %arg2[%while3A_74, %dma_start3A_81, %dma_start3A_82] : memref<2500x2x128xi32, #tpu.memory_space<hbm>> -> memref<1x2x128xi32, #tpu.memory_space<hbm>>
        %dma_start3A_84 = tpu.memref_squeeze %dma_start3A_83 : memref<1x2x128xi32, #tpu.memory_space<hbm>> -> memref<2x128xi32, #tpu.memory_space<hbm>>
        tpu.enqueue_dma source(%dma_start3A_84 : memref<2x128xi32, #tpu.memory_space<hbm>>) target(%arg6 : memref<2x128xi32, #tpu.memory_space<vmem>>) target_semaphore(%run_scoped3A_77 : memref<!tpu.dma_semaphore, #tpu.memory_space<semaphore_mem>>)
        %dma_wait3A = arith.constant 0 : i32
        %dma_wait3A_85 = arith.constant 0 : i32
        %dma_wait3A_86 = tpu.memref_slice %arg2[%while3A_74, %dma_wait3A, %dma_wait3A_85] : memref<2500x2x128xi32, #tpu.memory_space<hbm>> -> memref<1x2x128xi32, #tpu.memory_space<hbm>>
        %dma_wait3A_87 = tpu.memref_squeeze %dma_wait3A_86 : memref<1x2x128xi32, #tpu.memory_space<hbm>> -> memref<2x128xi32, #tpu.memory_space<hbm>>
        %dma_wait3A_88 = arith.constant 0 : i32
        %dma_wait3A_89 = arith.constant 0 : i32
        %dma_wait3A_90 = tpu.memref_slice %arg2[%while3A_74, %dma_wait3A_88, %dma_wait3A_89] : memref<2500x2x128xi32, #tpu.memory_space<hbm>> -> memref<1x2x128xi32, #tpu.memory_space<hbm>>
        %dma_wait3A_91 = tpu.memref_squeeze %dma_wait3A_90 : memref<1x2x128xi32, #tpu.memory_space<hbm>> -> memref<2x128xi32, #tpu.memory_space<hbm>>
        tpu.wait_dma2 semaphore(%run_scoped3A_77 : memref<!tpu.dma_semaphore, #tpu.memory_space<semaphore_mem>>) src(%dma_wait3A_91 : memref<2x128xi32, #tpu.memory_space<hbm>>) dst(%arg6 : memref<2x128xi32, #tpu.memory_space<vmem>>)
        tpu.yield
      }) : () -> ()
      %mul3A_75 = arith.constant 128 : i32
      %mul3A_76 = arith.muli %while3A_74, %mul3A_75 : i32
      "tpu.region"() ({
        %run_scoped3A_77 = tpu.sem_alloc : memref<!tpu.dma_semaphore, #tpu.memory_space<semaphore_mem>>
        %dma_start3A = arith.constant 0 : i32
        %dma_start3A_78 = tpu.memref_slice %arg3[%mul3A_76, %dma_start3A] : memref<320000x128xf32, #tpu.memory_space<hbm>> -> memref<128x128xf32, #tpu.memory_space<hbm>>
        %dma_start3A_79 = arith.constant 0 : i32
        %dma_start3A_80 = tpu.memref_slice %arg3[%mul3A_76, %dma_start3A_79] : memref<320000x128xf32, #tpu.memory_space<hbm>> -> memref<128x128xf32, #tpu.memory_space<hbm>>
        tpu.enqueue_dma source(%dma_start3A_80 : memref<128x128xf32, #tpu.memory_space<hbm>>) target(%arg7 : memref<128x128xf32, #tpu.memory_space<vmem>>) target_semaphore(%run_scoped3A_77 : memref<!tpu.dma_semaphore, #tpu.memory_space<semaphore_mem>>)
        %dma_wait3A = arith.constant 0 : i32
        %dma_wait3A_81 = tpu.memref_slice %arg3[%mul3A_76, %dma_wait3A] : memref<320000x128xf32, #tpu.memory_space<hbm>> -> memref<128x128xf32, #tpu.memory_space<hbm>>
        %dma_wait3A_82 = arith.constant 0 : i32
        %dma_wait3A_83 = tpu.memref_slice %arg3[%mul3A_76, %dma_wait3A_82] : memref<320000x128xf32, #tpu.memory_space<hbm>> -> memref<128x128xf32, #tpu.memory_space<hbm>>
        tpu.wait_dma2 semaphore(%run_scoped3A_77 : memref<!tpu.dma_semaphore, #tpu.memory_space<semaphore_mem>>) src(%dma_wait3A_83 : memref<128x128xf32, #tpu.memory_space<hbm>>) dst(%arg7 : memref<128x128xf32, #tpu.memory_space<vmem>>)
        tpu.yield
      }) : () -> ()
      %run_scoped3A = arith.constant 1 : i32
      "tpu.region"() ({
        %run_scoped3A_77 = tpu.sem_alloc : memref<!tpu.dma_semaphore, #tpu.memory_space<semaphore_mem>>
        %dma_start3A = arith.constant 0 : i32
        %dma_start3A_78 = tpu.memref_slice %arg6[%run_scoped3A, %dma_start3A] : memref<2x128xi32, #tpu.memory_space<vmem>> -> memref<1x128xi32, #tpu.memory_space<vmem>>
        %dma_start3A_79 = tpu.memref_squeeze %dma_start3A_78 : memref<1x128xi32, #tpu.memory_space<vmem>> -> memref<128xi32, #tpu.memory_space<vmem>>
        %dma_start3A_80 = arith.constant 0 : i32
        %dma_start3A_81 = arith.constant 0 : i32
        %dma_start3A_82 = tpu.memref_slice %arg8[%dma_start3A_80, %dma_start3A_81] : memref<10000x128xf32, #tpu.memory_space<vmem_shared>> -> memref<10000x128xf32, #tpu.memory_space<vmem_shared>>
        tpu.enqueue_indirect_dma source(%arg7 : memref<128x128xf32, #tpu.memory_space<vmem>>) target(%dma_start3A_82 : memref<10000x128xf32, #tpu.memory_space<vmem_shared>>) offsets(%dma_start3A_79 : memref<128xi32, #tpu.memory_space<vmem>>) semaphore(%run_scoped3A_77 : memref<!tpu.dma_semaphore, #tpu.memory_space<semaphore_mem>>) {add = true}
        %dma_wait3A = arith.constant 0 : i32
        %dma_wait3A_83 = tpu.memref_slice %arg6[%run_scoped3A, %dma_wait3A] : memref<2x128xi32, #tpu.memory_space<vmem>> -> memref<1x128xi32, #tpu.memory_space<vmem>>
        %dma_wait3A_84 = tpu.memref_squeeze %dma_wait3A_83 : memref<1x128xi32, #tpu.memory_space<vmem>> -> memref<128xi32, #tpu.memory_space<vmem>>
        %dma_wait3A_85 = arith.constant 0 : i32
        %dma_wait3A_86 = arith.constant 0 : i32
        %dma_wait3A_87 = tpu.memref_slice %arg8[%dma_wait3A_85, %dma_wait3A_86] : memref<10000x128xf32, #tpu.memory_space<vmem_shared>> -> memref<10000x128xf32, #tpu.memory_space<vmem_shared>>
        tpu.wait_indirect_dma semaphore(%run_scoped3A_77 : memref<!tpu.dma_semaphore, #tpu.memory_space<semaphore_mem>>) src(%arg7 : memref<128x128xf32, #tpu.memory_space<vmem>>) dst(%dma_wait3A_87 : memref<10000x128xf32, #tpu.memory_space<vmem_shared>>)
        tpu.yield
      }) : () -> ()
    }
    %barrier3A_63 = arith.constant 0 : index
    tpu.barrier barrier_id(%barrier3A_63)
    %lt3A_64 = arith.constant 15 : i32
    %lt3A_65 = arith.cmpi slt, %arg1, %lt3A_64 : i32
    %convert_element_type3A_66 = arith.extui %lt3A_65 : i1 to i32
    %cond3A_67 = arith.constant 0 : i32
    %cond3A_68 = arith.cmpi ne, %convert_element_type3A_66, %cond3A_67 : i32
    scf.if %cond3A_68 {
      "tpu.region"() ({
        %run_scoped3A = tpu.sem_alloc : memref<!tpu.dma_semaphore, #tpu.memory_space<semaphore_mem>>
        %dma_start3A = arith.constant 0 : i32
        %dma_start3A_74 = tpu.memref_slice %arg5[%arg0, %multiple_of3A, %dma_start3A] : memref<2x10000x128xf32, #tpu.memory_space<hbm>> -> memref<1x632x128xf32, #tpu.memory_space<hbm>>
        %dma_start3A_75 = tpu.memref_squeeze %dma_start3A_74 : memref<1x632x128xf32, #tpu.memory_space<hbm>> -> memref<632x128xf32, #tpu.memory_space<hbm>>
        %dma_start3A_76 = arith.constant 0 : i32
        %dma_start3A_77 = tpu.memref_slice %arg8[%multiple_of3A, %dma_start3A_76] : memref<10000x128xf32, #tpu.memory_space<vmem_shared>> -> memref<632x128xf32, #tpu.memory_space<vmem_shared>>
        tpu.enqueue_dma source(%dma_start3A_77 : memref<632x128xf32, #tpu.memory_space<vmem_shared>>) target(%dma_start3A_75 : memref<632x128xf32, #tpu.memory_space<hbm>>) target_semaphore(%run_scoped3A : memref<!tpu.dma_semaphore, #tpu.memory_space<semaphore_mem>>)
        %dma_wait3A = arith.constant 0 : i32
        %dma_wait3A_78 = tpu.memref_slice %arg5[%arg0, %multiple_of3A, %dma_wait3A] : memref<2x10000x128xf32, #tpu.memory_space<hbm>> -> memref<1x632x128xf32, #tpu.memory_space<hbm>>
        %dma_wait3A_79 = tpu.memref_squeeze %dma_wait3A_78 : memref<1x632x128xf32, #tpu.memory_space<hbm>> -> memref<632x128xf32, #tpu.memory_space<hbm>>
        %dma_wait3A_80 = arith.constant 0 : i32
        %dma_wait3A_81 = tpu.memref_slice %arg8[%multiple_of3A, %dma_wait3A_80] : memref<10000x128xf32, #tpu.memory_space<vmem_shared>> -> memref<632x128xf32, #tpu.memory_space<vmem_shared>>
        tpu.wait_dma2 semaphore(%run_scoped3A : memref<!tpu.dma_semaphore, #tpu.memory_space<semaphore_mem>>) src(%dma_wait3A_81 : memref<632x128xf32, #tpu.memory_space<vmem_shared>>) dst(%dma_wait3A_79 : memref<632x128xf32, #tpu.memory_space<hbm>>)
        tpu.yield
      }) : () -> ()
    } else {
    }
    %eq3A_69 = arith.constant 15 : i32
    %eq3A_70 = arith.cmpi eq, %arg1, %eq3A_69 : i32
    %convert_element_type3A_71 = arith.extui %eq3A_70 : i1 to i32
    %cond3A_72 = arith.constant 0 : i32
    %cond3A_73 = arith.cmpi ne, %convert_element_type3A_71, %cond3A_72 : i32
    scf.if %cond3A_73 {
      "tpu.region"() ({
        %run_scoped3A = tpu.sem_alloc : memref<!tpu.dma_semaphore, #tpu.memory_space<semaphore_mem>>
        %dma_start3A = arith.constant 0 : i32
        %dma_start3A_74 = tpu.memref_slice %arg5[%arg0, %multiple_of3A, %dma_start3A] : memref<2x10000x128xf32, #tpu.memory_space<hbm>> -> memref<1x520x128xf32, #tpu.memory_space<hbm>>
        %dma_start3A_75 = tpu.memref_squeeze %dma_start3A_74 : memref<1x520x128xf32, #tpu.memory_space<hbm>> -> memref<520x128xf32, #tpu.memory_space<hbm>>
        %dma_start3A_76 = arith.constant 0 : i32
        %dma_start3A_77 = tpu.memref_slice %arg8[%multiple_of3A, %dma_start3A_76] : memref<10000x128xf32, #tpu.memory_space<vmem_shared>> -> memref<520x128xf32, #tpu.memory_space<vmem_shared>>
        tpu.enqueue_dma source(%dma_start3A_77 : memref<520x128xf32, #tpu.memory_space<vmem_shared>>) target(%dma_start3A_75 : memref<520x128xf32, #tpu.memory_space<hbm>>) target_semaphore(%run_scoped3A : memref<!tpu.dma_semaphore, #tpu.memory_space<semaphore_mem>>)
        %dma_wait3A = arith.constant 0 : i32
        %dma_wait3A_78 = tpu.memref_slice %arg5[%arg0, %multiple_of3A, %dma_wait3A] : memref<2x10000x128xf32, #tpu.memory_space<hbm>> -> memref<1x520x128xf32, #tpu.memory_space<hbm>>
        %dma_wait3A_79 = tpu.memref_squeeze %dma_wait3A_78 : memref<1x520x128xf32, #tpu.memory_space<hbm>> -> memref<520x128xf32, #tpu.memory_space<hbm>>
        %dma_wait3A_80 = arith.constant 0 : i32
        %dma_wait3A_81 = tpu.memref_slice %arg8[%multiple_of3A, %dma_wait3A_80] : memref<10000x128xf32, #tpu.memory_space<vmem_shared>> -> memref<520x128xf32, #tpu.memory_space<vmem_shared>>
        tpu.wait_dma2 semaphore(%run_scoped3A : memref<!tpu.dma_semaphore, #tpu.memory_space<semaphore_mem>>) src(%dma_wait3A_81 : memref<520x128xf32, #tpu.memory_space<vmem_shared>>) dst(%dma_wait3A_79 : memref<520x128xf32, #tpu.memory_space<hbm>>)
        tpu.yield
      }) : () -> ()
    } else {
    }
    return
  }
}

#map = affine_map<(d0, d1) -> (0, 0)>
#map1 = affine_map<(d0, d1) -> (0, 0, 0)>
module attributes {stable_mosaic.version = 14 : i64} {
  func.func @k(%arg0: i32, %arg1: i32, %arg2: memref<512x256xf32, #tpu.memory_space<hbm>>, %arg3: memref<10000x128xf32, #tpu.memory_space<hbm>>, %arg4: memref<40000x128xf32, #tpu.memory_space<hbm>>, %arg5: memref<782x4x128xi32, #tpu.memory_space<hbm>>, %arg6: memref<100096x256xf32, #tpu.memory_space<hbm>>, %arg7: memref<100096x128xf32, #tpu.memory_space<hbm>>, %arg8: memref<100096x128xf32, #tpu.memory_space<hbm>>, %arg9: memref<100096x128xf32, #tpu.memory_space<hbm>>, %arg10: memref<4x128xi32, #tpu.memory_space<vmem>>, %arg11: memref<128x256xf32, #tpu.memory_space<vmem>>, %arg12: memref<128x128xf32, #tpu.memory_space<vmem>>, %arg13: memref<128x128xf32, #tpu.memory_space<vmem>>, %arg14: memref<128x128xf32, #tpu.memory_space<vmem>>, %arg15: memref<!tpu.dma_semaphore, #tpu.memory_space<semaphore_mem>>) attributes {dimension_semantics = [#tpu.dimension_semantics<core_parallel>, #tpu.dimension_semantics<subcore_parallel>], iteration_bounds = array<i64: 2, 16>, scalar_prefetch = 0 : i64, scratch_operands = 6 : i64, tpu.core_type = #tpu.core_type<sc_vector_subcore>, window_params = [{transform_indices = #map}, {transform_indices = #map}, {transform_indices = #map}, {transform_indices = #map1}, {transform_indices = #map}, {transform_indices = #map}, {transform_indices = #map}, {transform_indices = #map}]} {
    %mul3A = arith.constant 2 : i32
    %mul3A_0 = arith.muli %arg1, %mul3A : i32
    %add3A = arith.addi %mul3A_0, %arg0 : i32
    %mul3A_1 = arith.constant 782 : i32
    %mul3A_2 = arith.muli %mul3A_1, %add3A : i32
    %jit3A = arith.constant 32 : i32
    %div3A = arith.divsi %mul3A_2, %jit3A : i32
    %sign3A = arith.constant 0 : i32
    %sign3A_3 = arith.cmpi sgt, %mul3A_2, %sign3A : i32
    %sign3A_4 = arith.extui %sign3A_3 : i1 to i32
    %sign3A_5 = arith.constant 0 : i32
    %sign3A_6 = arith.cmpi slt, %mul3A_2, %sign3A_5 : i32
    %sign3A_7 = arith.extui %sign3A_6 : i1 to i32
    %sign3A_8 = arith.subi %sign3A_4, %sign3A_7 : i32
    %sign3A_9 = arith.constant 0 : i32
    %sign3A_10 = arith.cmpi sgt, %jit3A, %sign3A_9 : i32
    %sign3A_11 = arith.extui %sign3A_10 : i1 to i32
    %sign3A_12 = arith.constant 0 : i32
    %sign3A_13 = arith.cmpi slt, %jit3A, %sign3A_12 : i32
    %sign3A_14 = arith.extui %sign3A_13 : i1 to i32
    %sign3A_15 = arith.subi %sign3A_11, %sign3A_14 : i32
    %ne3A = arith.cmpi ne, %sign3A_8, %sign3A_15 : i32
    %rem3A = arith.remsi %mul3A_2, %jit3A : i32
    %ne3A_16 = arith.constant 0 : i32
    %ne3A_17 = arith.cmpi ne, %rem3A, %ne3A_16 : i32
    %and3A = arith.andi %ne3A, %ne3A_17 : i1
    %sub3A = arith.constant 1 : i32
    %sub3A_18 = arith.subi %div3A, %sub3A : i32
    %select_n3A = arith.select %and3A, %sub3A_18, %div3A : i32
    %add3A_19 = arith.constant 1 : i32
    %add3A_20 = arith.addi %add3A, %add3A_19 : i32
    %mul3A_21 = arith.constant 782 : i32
    %mul3A_22 = arith.muli %mul3A_21, %add3A_20 : i32
    %jit3A_23 = arith.constant 32 : i32
    %div3A_24 = arith.divsi %mul3A_22, %jit3A_23 : i32
    %sign3A_25 = arith.constant 0 : i32
    %sign3A_26 = arith.cmpi sgt, %mul3A_22, %sign3A_25 : i32
    %sign3A_27 = arith.extui %sign3A_26 : i1 to i32
    %sign3A_28 = arith.constant 0 : i32
    %sign3A_29 = arith.cmpi slt, %mul3A_22, %sign3A_28 : i32
    %sign3A_30 = arith.extui %sign3A_29 : i1 to i32
    %sign3A_31 = arith.subi %sign3A_27, %sign3A_30 : i32
    %sign3A_32 = arith.constant 0 : i32
    %sign3A_33 = arith.cmpi sgt, %jit3A_23, %sign3A_32 : i32
    %sign3A_34 = arith.extui %sign3A_33 : i1 to i32
    %sign3A_35 = arith.constant 0 : i32
    %sign3A_36 = arith.cmpi slt, %jit3A_23, %sign3A_35 : i32
    %sign3A_37 = arith.extui %sign3A_36 : i1 to i32
    %sign3A_38 = arith.subi %sign3A_34, %sign3A_37 : i32
    %ne3A_39 = arith.cmpi ne, %sign3A_31, %sign3A_38 : i32
    %rem3A_40 = arith.remsi %mul3A_22, %jit3A_23 : i32
    %ne3A_41 = arith.constant 0 : i32
    %ne3A_42 = arith.cmpi ne, %rem3A_40, %ne3A_41 : i32
    %and3A_43 = arith.andi %ne3A_39, %ne3A_42 : i1
    %sub3A_44 = arith.constant 1 : i32
    %sub3A_45 = arith.subi %div3A_24, %sub3A_44 : i32
    %select_n3A_46 = arith.select %and3A_43, %sub3A_45, %div3A_24 : i32
    %while3A = arith.constant 0 : i32
    %while3A_47 = arith.subi %select_n3A_46, %select_n3A : i32
    %while3A_48 = arith.addi %select_n3A, %while3A_47 : i32
    %while3A_49 = arith.constant 1 : i32
    %while3A_50 = arith.divsi %while3A_47, %while3A_49 : i32
    %while3A_51 = arith.muli %while3A_50, %while3A_49 : i32
    %while3A_52 = arith.addi %select_n3A, %while3A_51 : i32
    %while3A_53 = arith.constant 1 : i32
    scf.for %while3A_55 = %select_n3A to %while3A_52 step %while3A_53  : i32 {
      "tpu.region"() ({
        %run_scoped3A = tpu.sem_alloc : memref<!tpu.dma_semaphore, #tpu.memory_space<semaphore_mem>>
        %dma_start3A_112 = arith.constant 0 : i32
        %dma_start3A_113 = arith.constant 0 : i32
        %dma_start3A_114 = tpu.memref_slice %arg5[%while3A_55, %dma_start3A_112, %dma_start3A_113] : memref<782x4x128xi32, #tpu.memory_space<hbm>> -> memref<1x4x128xi32, #tpu.memory_space<hbm>>
        %dma_start3A_115 = tpu.memref_squeeze %dma_start3A_114 : memref<1x4x128xi32, #tpu.memory_space<hbm>> -> memref<4x128xi32, #tpu.memory_space<hbm>>
        %dma_start3A_116 = arith.constant 0 : i32
        %dma_start3A_117 = arith.constant 0 : i32
        %dma_start3A_118 = tpu.memref_slice %arg5[%while3A_55, %dma_start3A_116, %dma_start3A_117] : memref<782x4x128xi32, #tpu.memory_space<hbm>> -> memref<1x4x128xi32, #tpu.memory_space<hbm>>
        %dma_start3A_119 = tpu.memref_squeeze %dma_start3A_118 : memref<1x4x128xi32, #tpu.memory_space<hbm>> -> memref<4x128xi32, #tpu.memory_space<hbm>>
        tpu.enqueue_dma source(%dma_start3A_119 : memref<4x128xi32, #tpu.memory_space<hbm>>) target(%arg10 : memref<4x128xi32, #tpu.memory_space<vmem>>) target_semaphore(%run_scoped3A : memref<!tpu.dma_semaphore, #tpu.memory_space<semaphore_mem>>)
        %dma_wait3A_120 = arith.constant 0 : i32
        %dma_wait3A_121 = arith.constant 0 : i32
        %dma_wait3A_122 = tpu.memref_slice %arg5[%while3A_55, %dma_wait3A_120, %dma_wait3A_121] : memref<782x4x128xi32, #tpu.memory_space<hbm>> -> memref<1x4x128xi32, #tpu.memory_space<hbm>>
        %dma_wait3A_123 = tpu.memref_squeeze %dma_wait3A_122 : memref<1x4x128xi32, #tpu.memory_space<hbm>> -> memref<4x128xi32, #tpu.memory_space<hbm>>
        %dma_wait3A_124 = arith.constant 0 : i32
        %dma_wait3A_125 = arith.constant 0 : i32
        %dma_wait3A_126 = tpu.memref_slice %arg5[%while3A_55, %dma_wait3A_124, %dma_wait3A_125] : memref<782x4x128xi32, #tpu.memory_space<hbm>> -> memref<1x4x128xi32, #tpu.memory_space<hbm>>
        %dma_wait3A_127 = tpu.memref_squeeze %dma_wait3A_126 : memref<1x4x128xi32, #tpu.memory_space<hbm>> -> memref<4x128xi32, #tpu.memory_space<hbm>>
        tpu.wait_dma2 semaphore(%run_scoped3A : memref<!tpu.dma_semaphore, #tpu.memory_space<semaphore_mem>>) src(%dma_wait3A_127 : memref<4x128xi32, #tpu.memory_space<hbm>>) dst(%arg10 : memref<4x128xi32, #tpu.memory_space<vmem>>)
        tpu.yield
      }) : () -> ()
      %dma_start3A = arith.constant 0 : i32
      %dma_start3A_56 = arith.constant 0 : i32
      %dma_start3A_57 = tpu.memref_slice %arg10[%dma_start3A, %dma_start3A_56] : memref<4x128xi32, #tpu.memory_space<vmem>> -> memref<1x128xi32, #tpu.memory_space<vmem>>
      %dma_start3A_58 = tpu.memref_squeeze %dma_start3A_57 : memref<1x128xi32, #tpu.memory_space<vmem>> -> memref<128xi32, #tpu.memory_space<vmem>>
      %dma_start3A_59 = arith.constant 0 : i32
      %dma_start3A_60 = arith.constant 0 : i32
      %dma_start3A_61 = tpu.memref_slice %arg3[%dma_start3A_59, %dma_start3A_60] : memref<10000x128xf32, #tpu.memory_space<hbm>> -> memref<10000x128xf32, #tpu.memory_space<hbm>>
      tpu.enqueue_indirect_dma source(%dma_start3A_61 : memref<10000x128xf32, #tpu.memory_space<hbm>>) target(%arg12 : memref<128x128xf32, #tpu.memory_space<vmem>>) offsets(%dma_start3A_58 : memref<128xi32, #tpu.memory_space<vmem>>) semaphore(%arg15 : memref<!tpu.dma_semaphore, #tpu.memory_space<semaphore_mem>>)
      %dma_start3A_62 = arith.constant 1 : i32
      %dma_start3A_63 = arith.constant 0 : i32
      %dma_start3A_64 = tpu.memref_slice %arg10[%dma_start3A_62, %dma_start3A_63] : memref<4x128xi32, #tpu.memory_space<vmem>> -> memref<1x128xi32, #tpu.memory_space<vmem>>
      %dma_start3A_65 = tpu.memref_squeeze %dma_start3A_64 : memref<1x128xi32, #tpu.memory_space<vmem>> -> memref<128xi32, #tpu.memory_space<vmem>>
      %dma_start3A_66 = arith.constant 0 : i32
      %dma_start3A_67 = arith.constant 0 : i32
      %dma_start3A_68 = tpu.memref_slice %arg3[%dma_start3A_66, %dma_start3A_67] : memref<10000x128xf32, #tpu.memory_space<hbm>> -> memref<10000x128xf32, #tpu.memory_space<hbm>>
      tpu.enqueue_indirect_dma source(%dma_start3A_68 : memref<10000x128xf32, #tpu.memory_space<hbm>>) target(%arg13 : memref<128x128xf32, #tpu.memory_space<vmem>>) offsets(%dma_start3A_65 : memref<128xi32, #tpu.memory_space<vmem>>) semaphore(%arg15 : memref<!tpu.dma_semaphore, #tpu.memory_space<semaphore_mem>>)
      %dma_start3A_69 = arith.constant 2 : i32
      %dma_start3A_70 = arith.constant 0 : i32
      %dma_start3A_71 = tpu.memref_slice %arg10[%dma_start3A_69, %dma_start3A_70] : memref<4x128xi32, #tpu.memory_space<vmem>> -> memref<1x128xi32, #tpu.memory_space<vmem>>
      %dma_start3A_72 = tpu.memref_squeeze %dma_start3A_71 : memref<1x128xi32, #tpu.memory_space<vmem>> -> memref<128xi32, #tpu.memory_space<vmem>>
      %dma_start3A_73 = arith.constant 0 : i32
      %dma_start3A_74 = arith.constant 0 : i32
      %dma_start3A_75 = tpu.memref_slice %arg2[%dma_start3A_73, %dma_start3A_74] : memref<512x256xf32, #tpu.memory_space<hbm>> -> memref<512x256xf32, #tpu.memory_space<hbm>>
      tpu.enqueue_indirect_dma source(%dma_start3A_75 : memref<512x256xf32, #tpu.memory_space<hbm>>) target(%arg11 : memref<128x256xf32, #tpu.memory_space<vmem>>) offsets(%dma_start3A_72 : memref<128xi32, #tpu.memory_space<vmem>>) semaphore(%arg15 : memref<!tpu.dma_semaphore, #tpu.memory_space<semaphore_mem>>)
      %dma_start3A_76 = arith.constant 3 : i32
      %dma_start3A_77 = arith.constant 0 : i32
      %dma_start3A_78 = tpu.memref_slice %arg10[%dma_start3A_76, %dma_start3A_77] : memref<4x128xi32, #tpu.memory_space<vmem>> -> memref<1x128xi32, #tpu.memory_space<vmem>>
      %dma_start3A_79 = tpu.memref_squeeze %dma_start3A_78 : memref<1x128xi32, #tpu.memory_space<vmem>> -> memref<128xi32, #tpu.memory_space<vmem>>
      %dma_start3A_80 = arith.constant 0 : i32
      %dma_start3A_81 = arith.constant 0 : i32
      %dma_start3A_82 = tpu.memref_slice %arg4[%dma_start3A_80, %dma_start3A_81] : memref<40000x128xf32, #tpu.memory_space<hbm>> -> memref<40000x128xf32, #tpu.memory_space<hbm>>
      tpu.enqueue_indirect_dma source(%dma_start3A_82 : memref<40000x128xf32, #tpu.memory_space<hbm>>) target(%arg14 : memref<128x128xf32, #tpu.memory_space<vmem>>) offsets(%dma_start3A_79 : memref<128xi32, #tpu.memory_space<vmem>>) semaphore(%arg15 : memref<!tpu.dma_semaphore, #tpu.memory_space<semaphore_mem>>)
      %dma_wait3A = arith.constant 0 : i32
      %dma_wait3A_83 = arith.constant 0 : i32
      %dma_wait3A_84 = tpu.memref_slice %arg10[%dma_wait3A, %dma_wait3A_83] : memref<4x128xi32, #tpu.memory_space<vmem>> -> memref<1x128xi32, #tpu.memory_space<vmem>>
      %dma_wait3A_85 = tpu.memref_squeeze %dma_wait3A_84 : memref<1x128xi32, #tpu.memory_space<vmem>> -> memref<128xi32, #tpu.memory_space<vmem>>
      %dma_wait3A_86 = arith.constant 0 : i32
      %dma_wait3A_87 = arith.constant 0 : i32
      %dma_wait3A_88 = tpu.memref_slice %arg3[%dma_wait3A_86, %dma_wait3A_87] : memref<10000x128xf32, #tpu.memory_space<hbm>> -> memref<10000x128xf32, #tpu.memory_space<hbm>>
      tpu.wait_indirect_dma semaphore(%arg15 : memref<!tpu.dma_semaphore, #tpu.memory_space<semaphore_mem>>) src(%dma_wait3A_88 : memref<10000x128xf32, #tpu.memory_space<hbm>>) dst(%arg12 : memref<128x128xf32, #tpu.memory_space<vmem>>)
      %dma_wait3A_89 = arith.constant 1 : i32
      %dma_wait3A_90 = arith.constant 0 : i32
      %dma_wait3A_91 = tpu.memref_slice %arg10[%dma_wait3A_89, %dma_wait3A_90] : memref<4x128xi32, #tpu.memory_space<vmem>> -> memref<1x128xi32, #tpu.memory_space<vmem>>
      %dma_wait3A_92 = tpu.memref_squeeze %dma_wait3A_91 : memref<1x128xi32, #tpu.memory_space<vmem>> -> memref<128xi32, #tpu.memory_space<vmem>>
      %dma_wait3A_93 = arith.constant 0 : i32
      %dma_wait3A_94 = arith.constant 0 : i32
      %dma_wait3A_95 = tpu.memref_slice %arg3[%dma_wait3A_93, %dma_wait3A_94] : memref<10000x128xf32, #tpu.memory_space<hbm>> -> memref<10000x128xf32, #tpu.memory_space<hbm>>
      tpu.wait_indirect_dma semaphore(%arg15 : memref<!tpu.dma_semaphore, #tpu.memory_space<semaphore_mem>>) src(%dma_wait3A_95 : memref<10000x128xf32, #tpu.memory_space<hbm>>) dst(%arg13 : memref<128x128xf32, #tpu.memory_space<vmem>>)
      %dma_wait3A_96 = arith.constant 2 : i32
      %dma_wait3A_97 = arith.constant 0 : i32
      %dma_wait3A_98 = tpu.memref_slice %arg10[%dma_wait3A_96, %dma_wait3A_97] : memref<4x128xi32, #tpu.memory_space<vmem>> -> memref<1x128xi32, #tpu.memory_space<vmem>>
      %dma_wait3A_99 = tpu.memref_squeeze %dma_wait3A_98 : memref<1x128xi32, #tpu.memory_space<vmem>> -> memref<128xi32, #tpu.memory_space<vmem>>
      %dma_wait3A_100 = arith.constant 0 : i32
      %dma_wait3A_101 = arith.constant 0 : i32
      %dma_wait3A_102 = tpu.memref_slice %arg2[%dma_wait3A_100, %dma_wait3A_101] : memref<512x256xf32, #tpu.memory_space<hbm>> -> memref<512x256xf32, #tpu.memory_space<hbm>>
      tpu.wait_indirect_dma semaphore(%arg15 : memref<!tpu.dma_semaphore, #tpu.memory_space<semaphore_mem>>) src(%dma_wait3A_102 : memref<512x256xf32, #tpu.memory_space<hbm>>) dst(%arg11 : memref<128x256xf32, #tpu.memory_space<vmem>>)
      %dma_wait3A_103 = arith.constant 3 : i32
      %dma_wait3A_104 = arith.constant 0 : i32
      %dma_wait3A_105 = tpu.memref_slice %arg10[%dma_wait3A_103, %dma_wait3A_104] : memref<4x128xi32, #tpu.memory_space<vmem>> -> memref<1x128xi32, #tpu.memory_space<vmem>>
      %dma_wait3A_106 = tpu.memref_squeeze %dma_wait3A_105 : memref<1x128xi32, #tpu.memory_space<vmem>> -> memref<128xi32, #tpu.memory_space<vmem>>
      %dma_wait3A_107 = arith.constant 0 : i32
      %dma_wait3A_108 = arith.constant 0 : i32
      %dma_wait3A_109 = tpu.memref_slice %arg4[%dma_wait3A_107, %dma_wait3A_108] : memref<40000x128xf32, #tpu.memory_space<hbm>> -> memref<40000x128xf32, #tpu.memory_space<hbm>>
      tpu.wait_indirect_dma semaphore(%arg15 : memref<!tpu.dma_semaphore, #tpu.memory_space<semaphore_mem>>) src(%dma_wait3A_109 : memref<40000x128xf32, #tpu.memory_space<hbm>>) dst(%arg14 : memref<128x128xf32, #tpu.memory_space<vmem>>)
      %mul3A_110 = arith.constant 128 : i32
      %mul3A_111 = arith.muli %while3A_55, %mul3A_110 : i32
      "tpu.region"() ({
        %run_scoped3A = tpu.sem_alloc : memref<!tpu.dma_semaphore, #tpu.memory_space<semaphore_mem>>
        %dma_start3A_112 = arith.constant 0 : i32
        %dma_start3A_113 = tpu.memref_slice %arg6[%mul3A_111, %dma_start3A_112] : memref<100096x256xf32, #tpu.memory_space<hbm>> -> memref<128x256xf32, #tpu.memory_space<hbm>>
        %dma_start3A_114 = arith.constant 0 : i32
        %dma_start3A_115 = tpu.memref_slice %arg6[%mul3A_111, %dma_start3A_114] : memref<100096x256xf32, #tpu.memory_space<hbm>> -> memref<128x256xf32, #tpu.memory_space<hbm>>
        tpu.enqueue_dma source(%arg11 : memref<128x256xf32, #tpu.memory_space<vmem>>) target(%dma_start3A_115 : memref<128x256xf32, #tpu.memory_space<hbm>>) target_semaphore(%run_scoped3A : memref<!tpu.dma_semaphore, #tpu.memory_space<semaphore_mem>>)
        %dma_wait3A_116 = arith.constant 0 : i32
        %dma_wait3A_117 = tpu.memref_slice %arg6[%mul3A_111, %dma_wait3A_116] : memref<100096x256xf32, #tpu.memory_space<hbm>> -> memref<128x256xf32, #tpu.memory_space<hbm>>
        %dma_wait3A_118 = arith.constant 0 : i32
        %dma_wait3A_119 = tpu.memref_slice %arg6[%mul3A_111, %dma_wait3A_118] : memref<100096x256xf32, #tpu.memory_space<hbm>> -> memref<128x256xf32, #tpu.memory_space<hbm>>
        tpu.wait_dma2 semaphore(%run_scoped3A : memref<!tpu.dma_semaphore, #tpu.memory_space<semaphore_mem>>) src(%arg11 : memref<128x256xf32, #tpu.memory_space<vmem>>) dst(%dma_wait3A_119 : memref<128x256xf32, #tpu.memory_space<hbm>>)
        tpu.yield
      }) : () -> ()
      "tpu.region"() ({
        %run_scoped3A = tpu.sem_alloc : memref<!tpu.dma_semaphore, #tpu.memory_space<semaphore_mem>>
        %dma_start3A_112 = arith.constant 0 : i32
        %dma_start3A_113 = tpu.memref_slice %arg7[%mul3A_111, %dma_start3A_112] : memref<100096x128xf32, #tpu.memory_space<hbm>> -> memref<128x128xf32, #tpu.memory_space<hbm>>
        %dma_start3A_114 = arith.constant 0 : i32
        %dma_start3A_115 = tpu.memref_slice %arg7[%mul3A_111, %dma_start3A_114] : memref<100096x128xf32, #tpu.memory_space<hbm>> -> memref<128x128xf32, #tpu.memory_space<hbm>>
        tpu.enqueue_dma source(%arg12 : memref<128x128xf32, #tpu.memory_space<vmem>>) target(%dma_start3A_115 : memref<128x128xf32, #tpu.memory_space<hbm>>) target_semaphore(%run_scoped3A : memref<!tpu.dma_semaphore, #tpu.memory_space<semaphore_mem>>)
        %dma_wait3A_116 = arith.constant 0 : i32
        %dma_wait3A_117 = tpu.memref_slice %arg7[%mul3A_111, %dma_wait3A_116] : memref<100096x128xf32, #tpu.memory_space<hbm>> -> memref<128x128xf32, #tpu.memory_space<hbm>>
        %dma_wait3A_118 = arith.constant 0 : i32
        %dma_wait3A_119 = tpu.memref_slice %arg7[%mul3A_111, %dma_wait3A_118] : memref<100096x128xf32, #tpu.memory_space<hbm>> -> memref<128x128xf32, #tpu.memory_space<hbm>>
        tpu.wait_dma2 semaphore(%run_scoped3A : memref<!tpu.dma_semaphore, #tpu.memory_space<semaphore_mem>>) src(%arg12 : memref<128x128xf32, #tpu.memory_space<vmem>>) dst(%dma_wait3A_119 : memref<128x128xf32, #tpu.memory_space<hbm>>)
        tpu.yield
      }) : () -> ()
      "tpu.region"() ({
        %run_scoped3A = tpu.sem_alloc : memref<!tpu.dma_semaphore, #tpu.memory_space<semaphore_mem>>
        %dma_start3A_112 = arith.constant 0 : i32
        %dma_start3A_113 = tpu.memref_slice %arg8[%mul3A_111, %dma_start3A_112] : memref<100096x128xf32, #tpu.memory_space<hbm>> -> memref<128x128xf32, #tpu.memory_space<hbm>>
        %dma_start3A_114 = arith.constant 0 : i32
        %dma_start3A_115 = tpu.memref_slice %arg8[%mul3A_111, %dma_start3A_114] : memref<100096x128xf32, #tpu.memory_space<hbm>> -> memref<128x128xf32, #tpu.memory_space<hbm>>
        tpu.enqueue_dma source(%arg13 : memref<128x128xf32, #tpu.memory_space<vmem>>) target(%dma_start3A_115 : memref<128x128xf32, #tpu.memory_space<hbm>>) target_semaphore(%run_scoped3A : memref<!tpu.dma_semaphore, #tpu.memory_space<semaphore_mem>>)
        %dma_wait3A_116 = arith.constant 0 : i32
        %dma_wait3A_117 = tpu.memref_slice %arg8[%mul3A_111, %dma_wait3A_116] : memref<100096x128xf32, #tpu.memory_space<hbm>> -> memref<128x128xf32, #tpu.memory_space<hbm>>
        %dma_wait3A_118 = arith.constant 0 : i32
        %dma_wait3A_119 = tpu.memref_slice %arg8[%mul3A_111, %dma_wait3A_118] : memref<100096x128xf32, #tpu.memory_space<hbm>> -> memref<128x128xf32, #tpu.memory_space<hbm>>
        tpu.wait_dma2 semaphore(%run_scoped3A : memref<!tpu.dma_semaphore, #tpu.memory_space<semaphore_mem>>) src(%arg13 : memref<128x128xf32, #tpu.memory_space<vmem>>) dst(%dma_wait3A_119 : memref<128x128xf32, #tpu.memory_space<hbm>>)
        tpu.yield
      }) : () -> ()
      "tpu.region"() ({
        %run_scoped3A = tpu.sem_alloc : memref<!tpu.dma_semaphore, #tpu.memory_space<semaphore_mem>>
        %dma_start3A_112 = arith.constant 0 : i32
        %dma_start3A_113 = tpu.memref_slice %arg9[%mul3A_111, %dma_start3A_112] : memref<100096x128xf32, #tpu.memory_space<hbm>> -> memref<128x128xf32, #tpu.memory_space<hbm>>
        %dma_start3A_114 = arith.constant 0 : i32
        %dma_start3A_115 = tpu.memref_slice %arg9[%mul3A_111, %dma_start3A_114] : memref<100096x128xf32, #tpu.memory_space<hbm>> -> memref<128x128xf32, #tpu.memory_space<hbm>>
        tpu.enqueue_dma source(%arg14 : memref<128x128xf32, #tpu.memory_space<vmem>>) target(%dma_start3A_115 : memref<128x128xf32, #tpu.memory_space<hbm>>) target_semaphore(%run_scoped3A : memref<!tpu.dma_semaphore, #tpu.memory_space<semaphore_mem>>)
        %dma_wait3A_116 = arith.constant 0 : i32
        %dma_wait3A_117 = tpu.memref_slice %arg9[%mul3A_111, %dma_wait3A_116] : memref<100096x128xf32, #tpu.memory_space<hbm>> -> memref<128x128xf32, #tpu.memory_space<hbm>>
        %dma_wait3A_118 = arith.constant 0 : i32
        %dma_wait3A_119 = tpu.memref_slice %arg9[%mul3A_111, %dma_wait3A_118] : memref<100096x128xf32, #tpu.memory_space<hbm>> -> memref<128x128xf32, #tpu.memory_space<hbm>>
        tpu.wait_dma2 semaphore(%run_scoped3A : memref<!tpu.dma_semaphore, #tpu.memory_space<semaphore_mem>>) src(%arg14 : memref<128x128xf32, #tpu.memory_space<vmem>>) dst(%dma_wait3A_119 : memref<128x128xf32, #tpu.memory_space<hbm>>)
        tpu.yield
      }) : () -> ()
    }
    %while3A_54 = arith.constant 1 : i32
    scf.for %while3A_55 = %while3A_52 to %while3A_48 step %while3A_54  : i32 {
      "tpu.region"() ({
        %run_scoped3A = tpu.sem_alloc : memref<!tpu.dma_semaphore, #tpu.memory_space<semaphore_mem>>
        %dma_start3A_112 = arith.constant 0 : i32
        %dma_start3A_113 = arith.constant 0 : i32
        %dma_start3A_114 = tpu.memref_slice %arg5[%while3A_55, %dma_start3A_112, %dma_start3A_113] : memref<782x4x128xi32, #tpu.memory_space<hbm>> -> memref<1x4x128xi32, #tpu.memory_space<hbm>>
        %dma_start3A_115 = tpu.memref_squeeze %dma_start3A_114 : memref<1x4x128xi32, #tpu.memory_space<hbm>> -> memref<4x128xi32, #tpu.memory_space<hbm>>
        %dma_start3A_116 = arith.constant 0 : i32
        %dma_start3A_117 = arith.constant 0 : i32
        %dma_start3A_118 = tpu.memref_slice %arg5[%while3A_55, %dma_start3A_116, %dma_start3A_117] : memref<782x4x128xi32, #tpu.memory_space<hbm>> -> memref<1x4x128xi32, #tpu.memory_space<hbm>>
        %dma_start3A_119 = tpu.memref_squeeze %dma_start3A_118 : memref<1x4x128xi32, #tpu.memory_space<hbm>> -> memref<4x128xi32, #tpu.memory_space<hbm>>
        tpu.enqueue_dma source(%dma_start3A_119 : memref<4x128xi32, #tpu.memory_space<hbm>>) target(%arg10 : memref<4x128xi32, #tpu.memory_space<vmem>>) target_semaphore(%run_scoped3A : memref<!tpu.dma_semaphore, #tpu.memory_space<semaphore_mem>>)
        %dma_wait3A_120 = arith.constant 0 : i32
        %dma_wait3A_121 = arith.constant 0 : i32
        %dma_wait3A_122 = tpu.memref_slice %arg5[%while3A_55, %dma_wait3A_120, %dma_wait3A_121] : memref<782x4x128xi32, #tpu.memory_space<hbm>> -> memref<1x4x128xi32, #tpu.memory_space<hbm>>
        %dma_wait3A_123 = tpu.memref_squeeze %dma_wait3A_122 : memref<1x4x128xi32, #tpu.memory_space<hbm>> -> memref<4x128xi32, #tpu.memory_space<hbm>>
        %dma_wait3A_124 = arith.constant 0 : i32
        %dma_wait3A_125 = arith.constant 0 : i32
        %dma_wait3A_126 = tpu.memref_slice %arg5[%while3A_55, %dma_wait3A_124, %dma_wait3A_125] : memref<782x4x128xi32, #tpu.memory_space<hbm>> -> memref<1x4x128xi32, #tpu.memory_space<hbm>>
        %dma_wait3A_127 = tpu.memref_squeeze %dma_wait3A_126 : memref<1x4x128xi32, #tpu.memory_space<hbm>> -> memref<4x128xi32, #tpu.memory_space<hbm>>
        tpu.wait_dma2 semaphore(%run_scoped3A : memref<!tpu.dma_semaphore, #tpu.memory_space<semaphore_mem>>) src(%dma_wait3A_127 : memref<4x128xi32, #tpu.memory_space<hbm>>) dst(%arg10 : memref<4x128xi32, #tpu.memory_space<vmem>>)
        tpu.yield
      }) : () -> ()
      %dma_start3A = arith.constant 0 : i32
      %dma_start3A_56 = arith.constant 0 : i32
      %dma_start3A_57 = tpu.memref_slice %arg10[%dma_start3A, %dma_start3A_56] : memref<4x128xi32, #tpu.memory_space<vmem>> -> memref<1x128xi32, #tpu.memory_space<vmem>>
      %dma_start3A_58 = tpu.memref_squeeze %dma_start3A_57 : memref<1x128xi32, #tpu.memory_space<vmem>> -> memref<128xi32, #tpu.memory_space<vmem>>
      %dma_start3A_59 = arith.constant 0 : i32
      %dma_start3A_60 = arith.constant 0 : i32
      %dma_start3A_61 = tpu.memref_slice %arg3[%dma_start3A_59, %dma_start3A_60] : memref<10000x128xf32, #tpu.memory_space<hbm>> -> memref<10000x128xf32, #tpu.memory_space<hbm>>
      tpu.enqueue_indirect_dma source(%dma_start3A_61 : memref<10000x128xf32, #tpu.memory_space<hbm>>) target(%arg12 : memref<128x128xf32, #tpu.memory_space<vmem>>) offsets(%dma_start3A_58 : memref<128xi32, #tpu.memory_space<vmem>>) semaphore(%arg15 : memref<!tpu.dma_semaphore, #tpu.memory_space<semaphore_mem>>)
      %dma_start3A_62 = arith.constant 1 : i32
      %dma_start3A_63 = arith.constant 0 : i32
      %dma_start3A_64 = tpu.memref_slice %arg10[%dma_start3A_62, %dma_start3A_63] : memref<4x128xi32, #tpu.memory_space<vmem>> -> memref<1x128xi32, #tpu.memory_space<vmem>>
      %dma_start3A_65 = tpu.memref_squeeze %dma_start3A_64 : memref<1x128xi32, #tpu.memory_space<vmem>> -> memref<128xi32, #tpu.memory_space<vmem>>
      %dma_start3A_66 = arith.constant 0 : i32
      %dma_start3A_67 = arith.constant 0 : i32
      %dma_start3A_68 = tpu.memref_slice %arg3[%dma_start3A_66, %dma_start3A_67] : memref<10000x128xf32, #tpu.memory_space<hbm>> -> memref<10000x128xf32, #tpu.memory_space<hbm>>
      tpu.enqueue_indirect_dma source(%dma_start3A_68 : memref<10000x128xf32, #tpu.memory_space<hbm>>) target(%arg13 : memref<128x128xf32, #tpu.memory_space<vmem>>) offsets(%dma_start3A_65 : memref<128xi32, #tpu.memory_space<vmem>>) semaphore(%arg15 : memref<!tpu.dma_semaphore, #tpu.memory_space<semaphore_mem>>)
      %dma_start3A_69 = arith.constant 2 : i32
      %dma_start3A_70 = arith.constant 0 : i32
      %dma_start3A_71 = tpu.memref_slice %arg10[%dma_start3A_69, %dma_start3A_70] : memref<4x128xi32, #tpu.memory_space<vmem>> -> memref<1x128xi32, #tpu.memory_space<vmem>>
      %dma_start3A_72 = tpu.memref_squeeze %dma_start3A_71 : memref<1x128xi32, #tpu.memory_space<vmem>> -> memref<128xi32, #tpu.memory_space<vmem>>
      %dma_start3A_73 = arith.constant 0 : i32
      %dma_start3A_74 = arith.constant 0 : i32
      %dma_start3A_75 = tpu.memref_slice %arg2[%dma_start3A_73, %dma_start3A_74] : memref<512x256xf32, #tpu.memory_space<hbm>> -> memref<512x256xf32, #tpu.memory_space<hbm>>
      tpu.enqueue_indirect_dma source(%dma_start3A_75 : memref<512x256xf32, #tpu.memory_space<hbm>>) target(%arg11 : memref<128x256xf32, #tpu.memory_space<vmem>>) offsets(%dma_start3A_72 : memref<128xi32, #tpu.memory_space<vmem>>) semaphore(%arg15 : memref<!tpu.dma_semaphore, #tpu.memory_space<semaphore_mem>>)
      %dma_start3A_76 = arith.constant 3 : i32
      %dma_start3A_77 = arith.constant 0 : i32
      %dma_start3A_78 = tpu.memref_slice %arg10[%dma_start3A_76, %dma_start3A_77] : memref<4x128xi32, #tpu.memory_space<vmem>> -> memref<1x128xi32, #tpu.memory_space<vmem>>
      %dma_start3A_79 = tpu.memref_squeeze %dma_start3A_78 : memref<1x128xi32, #tpu.memory_space<vmem>> -> memref<128xi32, #tpu.memory_space<vmem>>
      %dma_start3A_80 = arith.constant 0 : i32
      %dma_start3A_81 = arith.constant 0 : i32
      %dma_start3A_82 = tpu.memref_slice %arg4[%dma_start3A_80, %dma_start3A_81] : memref<40000x128xf32, #tpu.memory_space<hbm>> -> memref<40000x128xf32, #tpu.memory_space<hbm>>
      tpu.enqueue_indirect_dma source(%dma_start3A_82 : memref<40000x128xf32, #tpu.memory_space<hbm>>) target(%arg14 : memref<128x128xf32, #tpu.memory_space<vmem>>) offsets(%dma_start3A_79 : memref<128xi32, #tpu.memory_space<vmem>>) semaphore(%arg15 : memref<!tpu.dma_semaphore, #tpu.memory_space<semaphore_mem>>)
      %dma_wait3A = arith.constant 0 : i32
      %dma_wait3A_83 = arith.constant 0 : i32
      %dma_wait3A_84 = tpu.memref_slice %arg10[%dma_wait3A, %dma_wait3A_83] : memref<4x128xi32, #tpu.memory_space<vmem>> -> memref<1x128xi32, #tpu.memory_space<vmem>>
      %dma_wait3A_85 = tpu.memref_squeeze %dma_wait3A_84 : memref<1x128xi32, #tpu.memory_space<vmem>> -> memref<128xi32, #tpu.memory_space<vmem>>
      %dma_wait3A_86 = arith.constant 0 : i32
      %dma_wait3A_87 = arith.constant 0 : i32
      %dma_wait3A_88 = tpu.memref_slice %arg3[%dma_wait3A_86, %dma_wait3A_87] : memref<10000x128xf32, #tpu.memory_space<hbm>> -> memref<10000x128xf32, #tpu.memory_space<hbm>>
      tpu.wait_indirect_dma semaphore(%arg15 : memref<!tpu.dma_semaphore, #tpu.memory_space<semaphore_mem>>) src(%dma_wait3A_88 : memref<10000x128xf32, #tpu.memory_space<hbm>>) dst(%arg12 : memref<128x128xf32, #tpu.memory_space<vmem>>)
      %dma_wait3A_89 = arith.constant 1 : i32
      %dma_wait3A_90 = arith.constant 0 : i32
      %dma_wait3A_91 = tpu.memref_slice %arg10[%dma_wait3A_89, %dma_wait3A_90] : memref<4x128xi32, #tpu.memory_space<vmem>> -> memref<1x128xi32, #tpu.memory_space<vmem>>
      %dma_wait3A_92 = tpu.memref_squeeze %dma_wait3A_91 : memref<1x128xi32, #tpu.memory_space<vmem>> -> memref<128xi32, #tpu.memory_space<vmem>>
      %dma_wait3A_93 = arith.constant 0 : i32
      %dma_wait3A_94 = arith.constant 0 : i32
      %dma_wait3A_95 = tpu.memref_slice %arg3[%dma_wait3A_93, %dma_wait3A_94] : memref<10000x128xf32, #tpu.memory_space<hbm>> -> memref<10000x128xf32, #tpu.memory_space<hbm>>
      tpu.wait_indirect_dma semaphore(%arg15 : memref<!tpu.dma_semaphore, #tpu.memory_space<semaphore_mem>>) src(%dma_wait3A_95 : memref<10000x128xf32, #tpu.memory_space<hbm>>) dst(%arg13 : memref<128x128xf32, #tpu.memory_space<vmem>>)
      %dma_wait3A_96 = arith.constant 2 : i32
      %dma_wait3A_97 = arith.constant 0 : i32
      %dma_wait3A_98 = tpu.memref_slice %arg10[%dma_wait3A_96, %dma_wait3A_97] : memref<4x128xi32, #tpu.memory_space<vmem>> -> memref<1x128xi32, #tpu.memory_space<vmem>>
      %dma_wait3A_99 = tpu.memref_squeeze %dma_wait3A_98 : memref<1x128xi32, #tpu.memory_space<vmem>> -> memref<128xi32, #tpu.memory_space<vmem>>
      %dma_wait3A_100 = arith.constant 0 : i32
      %dma_wait3A_101 = arith.constant 0 : i32
      %dma_wait3A_102 = tpu.memref_slice %arg2[%dma_wait3A_100, %dma_wait3A_101] : memref<512x256xf32, #tpu.memory_space<hbm>> -> memref<512x256xf32, #tpu.memory_space<hbm>>
      tpu.wait_indirect_dma semaphore(%arg15 : memref<!tpu.dma_semaphore, #tpu.memory_space<semaphore_mem>>) src(%dma_wait3A_102 : memref<512x256xf32, #tpu.memory_space<hbm>>) dst(%arg11 : memref<128x256xf32, #tpu.memory_space<vmem>>)
      %dma_wait3A_103 = arith.constant 3 : i32
      %dma_wait3A_104 = arith.constant 0 : i32
      %dma_wait3A_105 = tpu.memref_slice %arg10[%dma_wait3A_103, %dma_wait3A_104] : memref<4x128xi32, #tpu.memory_space<vmem>> -> memref<1x128xi32, #tpu.memory_space<vmem>>
      %dma_wait3A_106 = tpu.memref_squeeze %dma_wait3A_105 : memref<1x128xi32, #tpu.memory_space<vmem>> -> memref<128xi32, #tpu.memory_space<vmem>>
      %dma_wait3A_107 = arith.constant 0 : i32
      %dma_wait3A_108 = arith.constant 0 : i32
      %dma_wait3A_109 = tpu.memref_slice %arg4[%dma_wait3A_107, %dma_wait3A_108] : memref<40000x128xf32, #tpu.memory_space<hbm>> -> memref<40000x128xf32, #tpu.memory_space<hbm>>
      tpu.wait_indirect_dma semaphore(%arg15 : memref<!tpu.dma_semaphore, #tpu.memory_space<semaphore_mem>>) src(%dma_wait3A_109 : memref<40000x128xf32, #tpu.memory_space<hbm>>) dst(%arg14 : memref<128x128xf32, #tpu.memory_space<vmem>>)
      %mul3A_110 = arith.constant 128 : i32
      %mul3A_111 = arith.muli %while3A_55, %mul3A_110 : i32
      "tpu.region"() ({
        %run_scoped3A = tpu.sem_alloc : memref<!tpu.dma_semaphore, #tpu.memory_space<semaphore_mem>>
        %dma_start3A_112 = arith.constant 0 : i32
        %dma_start3A_113 = tpu.memref_slice %arg6[%mul3A_111, %dma_start3A_112] : memref<100096x256xf32, #tpu.memory_space<hbm>> -> memref<128x256xf32, #tpu.memory_space<hbm>>
        %dma_start3A_114 = arith.constant 0 : i32
        %dma_start3A_115 = tpu.memref_slice %arg6[%mul3A_111, %dma_start3A_114] : memref<100096x256xf32, #tpu.memory_space<hbm>> -> memref<128x256xf32, #tpu.memory_space<hbm>>
        tpu.enqueue_dma source(%arg11 : memref<128x256xf32, #tpu.memory_space<vmem>>) target(%dma_start3A_115 : memref<128x256xf32, #tpu.memory_space<hbm>>) target_semaphore(%run_scoped3A : memref<!tpu.dma_semaphore, #tpu.memory_space<semaphore_mem>>)
        %dma_wait3A_116 = arith.constant 0 : i32
        %dma_wait3A_117 = tpu.memref_slice %arg6[%mul3A_111, %dma_wait3A_116] : memref<100096x256xf32, #tpu.memory_space<hbm>> -> memref<128x256xf32, #tpu.memory_space<hbm>>
        %dma_wait3A_118 = arith.constant 0 : i32
        %dma_wait3A_119 = tpu.memref_slice %arg6[%mul3A_111, %dma_wait3A_118] : memref<100096x256xf32, #tpu.memory_space<hbm>> -> memref<128x256xf32, #tpu.memory_space<hbm>>
        tpu.wait_dma2 semaphore(%run_scoped3A : memref<!tpu.dma_semaphore, #tpu.memory_space<semaphore_mem>>) src(%arg11 : memref<128x256xf32, #tpu.memory_space<vmem>>) dst(%dma_wait3A_119 : memref<128x256xf32, #tpu.memory_space<hbm>>)
        tpu.yield
      }) : () -> ()
      "tpu.region"() ({
        %run_scoped3A = tpu.sem_alloc : memref<!tpu.dma_semaphore, #tpu.memory_space<semaphore_mem>>
        %dma_start3A_112 = arith.constant 0 : i32
        %dma_start3A_113 = tpu.memref_slice %arg7[%mul3A_111, %dma_start3A_112] : memref<100096x128xf32, #tpu.memory_space<hbm>> -> memref<128x128xf32, #tpu.memory_space<hbm>>
        %dma_start3A_114 = arith.constant 0 : i32
        %dma_start3A_115 = tpu.memref_slice %arg7[%mul3A_111, %dma_start3A_114] : memref<100096x128xf32, #tpu.memory_space<hbm>> -> memref<128x128xf32, #tpu.memory_space<hbm>>
        tpu.enqueue_dma source(%arg12 : memref<128x128xf32, #tpu.memory_space<vmem>>) target(%dma_start3A_115 : memref<128x128xf32, #tpu.memory_space<hbm>>) target_semaphore(%run_scoped3A : memref<!tpu.dma_semaphore, #tpu.memory_space<semaphore_mem>>)
        %dma_wait3A_116 = arith.constant 0 : i32
        %dma_wait3A_117 = tpu.memref_slice %arg7[%mul3A_111, %dma_wait3A_116] : memref<100096x128xf32, #tpu.memory_space<hbm>> -> memref<128x128xf32, #tpu.memory_space<hbm>>
        %dma_wait3A_118 = arith.constant 0 : i32
        %dma_wait3A_119 = tpu.memref_slice %arg7[%mul3A_111, %dma_wait3A_118] : memref<100096x128xf32, #tpu.memory_space<hbm>> -> memref<128x128xf32, #tpu.memory_space<hbm>>
        tpu.wait_dma2 semaphore(%run_scoped3A : memref<!tpu.dma_semaphore, #tpu.memory_space<semaphore_mem>>) src(%arg12 : memref<128x128xf32, #tpu.memory_space<vmem>>) dst(%dma_wait3A_119 : memref<128x128xf32, #tpu.memory_space<hbm>>)
        tpu.yield
      }) : () -> ()
      "tpu.region"() ({
        %run_scoped3A = tpu.sem_alloc : memref<!tpu.dma_semaphore, #tpu.memory_space<semaphore_mem>>
        %dma_start3A_112 = arith.constant 0 : i32
        %dma_start3A_113 = tpu.memref_slice %arg8[%mul3A_111, %dma_start3A_112] : memref<100096x128xf32, #tpu.memory_space<hbm>> -> memref<128x128xf32, #tpu.memory_space<hbm>>
        %dma_start3A_114 = arith.constant 0 : i32
        %dma_start3A_115 = tpu.memref_slice %arg8[%mul3A_111, %dma_start3A_114] : memref<100096x128xf32, #tpu.memory_space<hbm>> -> memref<128x128xf32, #tpu.memory_space<hbm>>
        tpu.enqueue_dma source(%arg13 : memref<128x128xf32, #tpu.memory_space<vmem>>) target(%dma_start3A_115 : memref<128x128xf32, #tpu.memory_space<hbm>>) target_semaphore(%run_scoped3A : memref<!tpu.dma_semaphore, #tpu.memory_space<semaphore_mem>>)
        %dma_wait3A_116 = arith.constant 0 : i32
        %dma_wait3A_117 = tpu.memref_slice %arg8[%mul3A_111, %dma_wait3A_116] : memref<100096x128xf32, #tpu.memory_space<hbm>> -> memref<128x128xf32, #tpu.memory_space<hbm>>
        %dma_wait3A_118 = arith.constant 0 : i32
        %dma_wait3A_119 = tpu.memref_slice %arg8[%mul3A_111, %dma_wait3A_118] : memref<100096x128xf32, #tpu.memory_space<hbm>> -> memref<128x128xf32, #tpu.memory_space<hbm>>
        tpu.wait_dma2 semaphore(%run_scoped3A : memref<!tpu.dma_semaphore, #tpu.memory_space<semaphore_mem>>) src(%arg13 : memref<128x128xf32, #tpu.memory_space<vmem>>) dst(%dma_wait3A_119 : memref<128x128xf32, #tpu.memory_space<hbm>>)
        tpu.yield
      }) : () -> ()
      "tpu.region"() ({
        %run_scoped3A = tpu.sem_alloc : memref<!tpu.dma_semaphore, #tpu.memory_space<semaphore_mem>>
        %dma_start3A_112 = arith.constant 0 : i32
        %dma_start3A_113 = tpu.memref_slice %arg9[%mul3A_111, %dma_start3A_112] : memref<100096x128xf32, #tpu.memory_space<hbm>> -> memref<128x128xf32, #tpu.memory_space<hbm>>
        %dma_start3A_114 = arith.constant 0 : i32
        %dma_start3A_115 = tpu.memref_slice %arg9[%mul3A_111, %dma_start3A_114] : memref<100096x128xf32, #tpu.memory_space<hbm>> -> memref<128x128xf32, #tpu.memory_space<hbm>>
        tpu.enqueue_dma source(%arg14 : memref<128x128xf32, #tpu.memory_space<vmem>>) target(%dma_start3A_115 : memref<128x128xf32, #tpu.memory_space<hbm>>) target_semaphore(%run_scoped3A : memref<!tpu.dma_semaphore, #tpu.memory_space<semaphore_mem>>)
        %dma_wait3A_116 = arith.constant 0 : i32
        %dma_wait3A_117 = tpu.memref_slice %arg9[%mul3A_111, %dma_wait3A_116] : memref<100096x128xf32, #tpu.memory_space<hbm>> -> memref<128x128xf32, #tpu.memory_space<hbm>>
        %dma_wait3A_118 = arith.constant 0 : i32
        %dma_wait3A_119 = tpu.memref_slice %arg9[%mul3A_111, %dma_wait3A_118] : memref<100096x128xf32, #tpu.memory_space<hbm>> -> memref<128x128xf32, #tpu.memory_space<hbm>>
        tpu.wait_dma2 semaphore(%run_scoped3A : memref<!tpu.dma_semaphore, #tpu.memory_space<semaphore_mem>>) src(%arg14 : memref<128x128xf32, #tpu.memory_space<vmem>>) dst(%dma_wait3A_119 : memref<128x128xf32, #tpu.memory_space<hbm>>)
        tpu.yield
      }) : () -> ()
    }
    return
  }
}

module attributes {stable_mosaic.version = 14 : i64} {
  func.func @body(%arg0: i32, %arg1: memref<1000x128xf32, #tpu.memory_space<vmem>>, %arg2: memref<128x128xf32, #tpu.memory_space<vmem>>, %arg3: memref<128xf32, #tpu.memory_space<vmem>>, %arg4: memref<16x128xf32, #tpu.memory_space<vmem>>, %arg5: memref<128xf32, #tpu.memory_space<vmem>>, %arg6: memref<128x128xf32, #tpu.memory_space<vmem>>, %arg7: memref<128x1024xf32, #tpu.memory_space<vmem>>, %arg8: memref<1024xf32, #tpu.memory_space<vmem>>, %arg9: memref<1000x128xf32, #tpu.memory_space<vmem>>, %arg10: memref<128x128xf32, #tpu.memory_space<vmem>>, %arg11: memref<16x1024xf32, #tpu.memory_space<vmem>>, %arg12: memref<8x1024xf32, #tpu.memory_space<vmem>>) attributes {dimension_semantics = [#tpu.dimension_semantics<arbitrary>], iteration_bounds = array<i64: 10>, scalar_prefetch = 0 : i64, scratch_operands = 0 : i64, tpu.core_type = #tpu.core_type<tc>, window_params = [{transform_indices = @transform_0, window_bounds = array<i64: 1000, 128>}, {pipeline_mode = #tpu.pipeline_mode<synchronous>, transform_indices = @transform_1, window_bounds = array<i64: 128, 128>}, {pipeline_mode = #tpu.pipeline_mode<synchronous>, transform_indices = @transform_2, window_bounds = array<i64: 128>}, {pipeline_mode = #tpu.pipeline_mode<synchronous>, transform_indices = @transform_3, window_bounds = array<i64: 16, 128>}, {pipeline_mode = #tpu.pipeline_mode<synchronous>, transform_indices = @transform_4, window_bounds = array<i64: 128>}, {pipeline_mode = #tpu.pipeline_mode<synchronous>, transform_indices = @transform_5, window_bounds = array<i64: 128, 128>}, {pipeline_mode = #tpu.pipeline_mode<synchronous>, transform_indices = @transform_6, window_bounds = array<i64: 128, 1024>}, {pipeline_mode = #tpu.pipeline_mode<synchronous>, transform_indices = @transform_7, window_bounds = array<i64: 1024>}, {transform_indices = @transform_8, window_bounds = array<i64: 1000, 128>}, {pipeline_mode = #tpu.pipeline_mode<synchronous>, transform_indices = @transform_9, window_bounds = array<i64: 128, 128>}, {pipeline_mode = #tpu.pipeline_mode<synchronous>, transform_indices = @transform_10, window_bounds = array<i64: 16, 1024>}, {pipeline_mode = #tpu.pipeline_mode<synchronous>, transform_indices = @transform_11, window_bounds = array<i64: 8, 1024>}]} {
    %get3A = arith.constant 0 : index
    %get3A_0 = arith.constant 0 : index
    %get3A_1 = vector.load %arg1[%get3A, %get3A_0] : memref<1000x128xf32, #tpu.memory_space<vmem>>, vector<1000x128xf32>
    %get3A_2 = arith.constant 0 : index
    %get3A_3 = arith.constant 0 : index
    %get3A_4 = vector.load %arg2[%get3A_2, %get3A_3] : memref<128x128xf32, #tpu.memory_space<vmem>>, vector<128x128xf32>
    %dot_general3A = arith.constant dense<0.000000e+00> : vector<1000x128xf32>
    %dot_general3A_5 = tpu.matmul %get3A_1, %get3A_4, %dot_general3A {dimension_numbers = #tpu.dot_dimension_numbers<[1], [0], [0], [1], [0, 0, 1, 1], [], []>, precision = #tpu.contract_precision<fp32>, transpose_lhs_hint = false} : vector<1000x128xf32>, vector<128x128xf32>, vector<1000x128xf32> -> vector<1000x128xf32>
    %get3A_6 = arith.constant 0 : index
    %get3A_7 = vector.load %arg3[%get3A_6] : memref<128xf32, #tpu.memory_space<vmem>>, vector<128xf32>
    %broadcast_in_dim3A = vector.shape_cast %get3A_7 : vector<128xf32> to vector<1x128xf32>
    %add3A = vector.broadcast %broadcast_in_dim3A : vector<1x128xf32> to vector<1000x128xf32>
    %add3A_8 = arith.addf %dot_general3A_5, %add3A : vector<1000x128xf32>
    %swap3A = arith.constant 0 : index
    %swap3A_9 = arith.constant 0 : index
    %swap3A_10 = vector.load %arg9[%swap3A, %swap3A_9] : memref<1000x128xf32, #tpu.memory_space<vmem>>, vector<1000x128xf32>
    tpu.vector_store %arg9[%swap3A, %swap3A_9], %add3A_8 {strides = array<i32>} : memref<1000x128xf32, #tpu.memory_space<vmem>>, vector<1000x128xf32>,
    %eq3A = arith.constant 0 : i32
    %eq3A_11 = arith.cmpi eq, %arg0, %eq3A : i32
    %convert_element_type3A = arith.extui %eq3A_11 : i1 to i32
    %cond3A = arith.constant 0 : i32
    %cond3A_12 = arith.cmpi ne, %convert_element_type3A, %cond3A : i32
    scf.if %cond3A_12 {
      %get3A_13 = arith.constant 0 : index
      %get3A_14 = arith.constant 0 : index
      %get3A_15 = vector.load %arg4[%get3A_13, %get3A_14] : memref<16x128xf32, #tpu.memory_space<vmem>>, vector<16x128xf32>
      %get3A_16 = arith.constant 0 : index
      %get3A_17 = arith.constant 0 : index
      %get3A_18 = vector.load %arg6[%get3A_16, %get3A_17] : memref<128x128xf32, #tpu.memory_space<vmem>>, vector<128x128xf32>
      %get3A_19 = arith.constant 0 : index
      %get3A_20 = arith.constant 0 : index
      %get3A_21 = vector.load %arg7[%get3A_19, %get3A_20] : memref<128x1024xf32, #tpu.memory_space<vmem>>, vector<128x1024xf32>
      %get3A_22 = arith.constant 0 : index
      %get3A_23 = vector.load %arg5[%get3A_22] : memref<128xf32, #tpu.memory_space<vmem>>, vector<128xf32>
      %broadcast_in_dim3A_24 = arith.constant 0.000000e+00 : f32
      %broadcast_in_dim3A_25 = vector.broadcast %broadcast_in_dim3A_24 : f32 to vector<128x128xf32>
      %swap3A_26 = arith.constant 0 : index
      %swap3A_27 = arith.constant 0 : index
      %swap3A_28 = vector.load %arg10[%swap3A_26, %swap3A_27] : memref<128x128xf32, #tpu.memory_space<vmem>>, vector<128x128xf32>
      tpu.vector_store %arg10[%swap3A_26, %swap3A_27], %broadcast_in_dim3A_25 {strides = array<i32>} : memref<128x128xf32, #tpu.memory_space<vmem>>, vector<128x128xf32>,
      %dot_general3A_29 = arith.constant dense<0.000000e+00> : vector<16x128xf32>
      %dot_general3A_30 = tpu.matmul %get3A_15, %get3A_18, %dot_general3A_29 {dimension_numbers = #tpu.dot_dimension_numbers<[1], [0], [0], [1], [0, 0, 1, 1], [], []>, precision = #tpu.contract_precision<fp32>, transpose_lhs_hint = false} : vector<16x128xf32>, vector<128x128xf32>, vector<16x128xf32> -> vector<16x128xf32>
      %swap3A_31 = arith.constant 0 : index
      %swap3A_32 = arith.constant 0 : index
      %swap3A_33 = vector.load %arg10[%swap3A_31, %swap3A_32] : memref<128x128xf32, #tpu.memory_space<vmem>>, vector<16x128xf32>
      tpu.vector_store %arg10[%swap3A_31, %swap3A_32], %dot_general3A_30 {strides = array<i32>} : memref<128x128xf32, #tpu.memory_space<vmem>>, vector<16x128xf32>,
      %broadcast_in_dim3A_34 = vector.shape_cast %get3A_23 : vector<128xf32> to vector<128x1xf32>
      %mul3A = vector.broadcast %broadcast_in_dim3A_34 : vector<128x1xf32> to vector<128x128xf32>
      %mul3A_35 = arith.mulf %mul3A, %get3A_18 : vector<128x128xf32>
      %reduce_sum3A = arith.constant dense<0.000000e+00> : vector<128xf32>
      %reduce_sum3A_36 = vector.multi_reduction <add>, %mul3A_35, %reduce_sum3A [0] : vector<128x128xf32> to vector<128xf32>
      %broadcast_in_dim3A_37 = vector.shape_cast %reduce_sum3A_36 : vector<128xf32> to vector<1x128xf32>
      %swap3A_38 = arith.constant 16 : index
      %swap3A_39 = arith.constant 0 : index
      %swap3A_40 = vector.load %arg10[%swap3A_38, %swap3A_39] : memref<128x128xf32, #tpu.memory_space<vmem>>, vector<1x128xf32>
      tpu.vector_store %arg10[%swap3A_38, %swap3A_39], %broadcast_in_dim3A_37 {strides = array<i32>} : memref<128x128xf32, #tpu.memory_space<vmem>>, vector<1x128xf32>,
      %dot_general3A_41 = arith.constant dense<0.000000e+00> : vector<16x1024xf32>
      %dot_general3A_42 = tpu.matmul %get3A_15, %get3A_21, %dot_general3A_41 {dimension_numbers = #tpu.dot_dimension_numbers<[1], [0], [0], [1], [0, 0, 1, 1], [], []>, precision = #tpu.contract_precision<fp32>, transpose_lhs_hint = false} : vector<16x128xf32>, vector<128x1024xf32>, vector<16x1024xf32> -> vector<16x1024xf32>
      %swap3A_43 = arith.constant 0 : index
      %swap3A_44 = arith.constant 0 : index
      %swap3A_45 = vector.load %arg11[%swap3A_43, %swap3A_44] : memref<16x1024xf32, #tpu.memory_space<vmem>>, vector<16x1024xf32>
      tpu.vector_store %arg11[%swap3A_43, %swap3A_44], %dot_general3A_42 {strides = array<i32>} : memref<16x1024xf32, #tpu.memory_space<vmem>>, vector<16x1024xf32>,
      %get3A_46 = arith.constant 0 : index
      %get3A_47 = vector.load %arg8[%get3A_46] : memref<1024xf32, #tpu.memory_space<vmem>>, vector<1024xf32>
      %broadcast_in_dim3A_48 = vector.shape_cast %get3A_23 : vector<128xf32> to vector<128x1xf32>
      %mul3A_49 = vector.broadcast %broadcast_in_dim3A_48 : vector<128x1xf32> to vector<128x1024xf32>
      %mul3A_50 = arith.mulf %mul3A_49, %get3A_21 : vector<128x1024xf32>
      %reduce_sum3A_51 = arith.constant dense<0.000000e+00> : vector<1024xf32>
      %reduce_sum3A_52 = vector.multi_reduction <add>, %mul3A_50, %reduce_sum3A_51 [0] : vector<128x1024xf32> to vector<1024xf32>
      %add3A_53 = arith.addf %get3A_47, %reduce_sum3A_52 : vector<1024xf32>
      %broadcast_in_dim3A_54 = vector.shape_cast %add3A_53 : vector<1024xf32> to vector<1x1024xf32>
      %broadcast_in_dim3A_55 = vector.shape_cast %broadcast_in_dim3A_54 : vector<1x1024xf32> to vector<1x1024xf32>
      %broadcast_in_dim3A_56 = vector.broadcast %broadcast_in_dim3A_55 : vector<1x1024xf32> to vector<8x1024xf32>
      %swap3A_57 = arith.constant 0 : index
      %swap3A_58 = arith.constant 0 : index
      %swap3A_59 = vector.load %arg12[%swap3A_57, %swap3A_58] : memref<8x1024xf32, #tpu.memory_space<vmem>>, vector<8x1024xf32>
      tpu.vector_store %arg12[%swap3A_57, %swap3A_58], %broadcast_in_dim3A_56 {strides = array<i32>} : memref<8x1024xf32, #tpu.memory_space<vmem>>, vector<8x1024xf32>,
    } else {
    }
    return
  }
  func.func @transform_0(%arg0: i32) -> (i32, i32) {
    %c0_i32 = arith.constant 0 : i32
    %c0_i32_0 = arith.constant 0 : i32
    return %arg0, %c0_i32 : i32, i32
  }
  func.func @transform_1(%arg0: i32) -> (i32, i32) {
    %c0_i32 = arith.constant 0 : i32
    %c0_i32_0 = arith.constant 0 : i32
    %c0_i32_1 = arith.constant 0 : i32
    return %c0_i32, %c0_i32_0 : i32, i32
  }
  func.func @transform_2(%arg0: i32) -> i32 {
    %c0_i32 = arith.constant 0 : i32
    %c0_i32_0 = arith.constant 0 : i32
    return %c0_i32 : i32
  }
  func.func @transform_3(%arg0: i32) -> (i32, i32) {
    %c0_i32 = arith.constant 0 : i32
    %c0_i32_0 = arith.constant 0 : i32
    %c0_i32_1 = arith.constant 0 : i32
    return %c0_i32, %c0_i32_0 : i32, i32
  }
  func.func @transform_4(%arg0: i32) -> i32 {
    %c0_i32 = arith.constant 0 : i32
    %c0_i32_0 = arith.constant 0 : i32
    return %c0_i32 : i32
  }
  func.func @transform_5(%arg0: i32) -> (i32, i32) {
    %c0_i32 = arith.constant 0 : i32
    %c0_i32_0 = arith.constant 0 : i32
    %c0_i32_1 = arith.constant 0 : i32
    return %c0_i32, %c0_i32_0 : i32, i32
  }
  func.func @transform_6(%arg0: i32) -> (i32, i32) {
    %c0_i32 = arith.constant 0 : i32
    %c0_i32_0 = arith.constant 0 : i32
    %c0_i32_1 = arith.constant 0 : i32
    return %c0_i32, %c0_i32_0 : i32, i32
  }
  func.func @transform_7(%arg0: i32) -> i32 {
    %c0_i32 = arith.constant 0 : i32
    %c0_i32_0 = arith.constant 0 : i32
    return %c0_i32 : i32
  }
  func.func @transform_8(%arg0: i32) -> (i32, i32) {
    %c0_i32 = arith.constant 0 : i32
    %c0_i32_0 = arith.constant 0 : i32
    return %arg0, %c0_i32 : i32, i32
  }
  func.func @transform_9(%arg0: i32) -> (i32, i32) {
    %c0_i32 = arith.constant 0 : i32
    %c0_i32_0 = arith.constant 0 : i32
    %c0_i32_1 = arith.constant 0 : i32
    return %c0_i32, %c0_i32_0 : i32, i32
  }
  func.func @transform_10(%arg0: i32) -> (i32, i32) {
    %c0_i32 = arith.constant 0 : i32
    %c0_i32_0 = arith.constant 0 : i32
    %c0_i32_1 = arith.constant 0 : i32
    return %c0_i32, %c0_i32_0 : i32, i32
  }
  func.func @transform_11(%arg0: i32) -> (i32, i32) {
    %c0_i32 = arith.constant 0 : i32
    %c0_i32_0 = arith.constant 0 : i32
    %c0_i32_1 = arith.constant 0 : i32
    return %c0_i32, %c0_i32_0 : i32, i32
  }
}

module attributes {stable_mosaic.version = 14 : i64} {
  func.func @body(%arg0: i32, %arg1: memref<1000x128xf32, #tpu.memory_space<vmem>>, %arg2: memref<2x1000x128xf32, #tpu.memory_space<vmem>>, %arg3: memref<128x128xf32, #tpu.memory_space<vmem>>, %arg4: memref<128x128xf32, #tpu.memory_space<vmem>>, %arg5: memref<2x1000x128xf32, #tpu.memory_space<vmem>>, %arg6: memref<128x128xf32, #tpu.memory_space<vmem>>, %arg7: memref<1000x128xf32, #tpu.memory_space<vmem>>) attributes {dimension_semantics = [#tpu.dimension_semantics<arbitrary>], iteration_bounds = array<i64: 10>, scalar_prefetch = 0 : i64, scratch_operands = 0 : i64, tpu.core_type = #tpu.core_type<tc>, window_params = [{transform_indices = @transform_0, window_bounds = array<i64: 1000, 128>}, {transform_indices = @transform_1, window_bounds = array<i64: 2, 1000, 128>}, {pipeline_mode = #tpu.pipeline_mode<synchronous>, transform_indices = @transform_2, window_bounds = array<i64: 128, 128>}, {pipeline_mode = #tpu.pipeline_mode<synchronous>, transform_indices = @transform_3, window_bounds = array<i64: 128, 128>}, {transform_indices = @transform_4, window_bounds = array<i64: 2, 1000, 128>}, {pipeline_mode = #tpu.pipeline_mode<synchronous>, transform_indices = @transform_5, window_bounds = array<i64: 128, 128>}, {transform_indices = @transform_6, window_bounds = array<i64: 1000, 128>}]} {
    %get3A = arith.constant 0 : index
    %get3A_0 = arith.constant 0 : index
    %get3A_1 = vector.load %arg1[%get3A, %get3A_0] : memref<1000x128xf32, #tpu.memory_space<vmem>>, vector<1000x128xf32>
    %get3A_2 = arith.constant 0 : index
    %get3A_3 = arith.constant 0 : index
    %get3A_4 = arith.constant 0 : index
    %get3A_5 = vector.load %arg2[%get3A_2, %get3A_3, %get3A_4] : memref<2x1000x128xf32, #tpu.memory_space<vmem>>, vector<1x1000x128xf32>
    %get3A_6 = vector.shape_cast %get3A_5 : vector<1x1000x128xf32> to vector<1000x128xf32>
    %get3A_7 = arith.constant 1 : index
    %get3A_8 = arith.constant 0 : index
    %get3A_9 = arith.constant 0 : index
    %get3A_10 = vector.load %arg2[%get3A_7, %get3A_8, %get3A_9] : memref<2x1000x128xf32, #tpu.memory_space<vmem>>, vector<1x1000x128xf32>
    %get3A_11 = vector.shape_cast %get3A_10 : vector<1x1000x128xf32> to vector<1000x128xf32>
    %add3A = arith.addf %get3A_6, %get3A_11 : vector<1000x128xf32>
    %get3A_12 = arith.constant 0 : index
    %get3A_13 = arith.constant 0 : index
    %get3A_14 = vector.load %arg3[%get3A_12, %get3A_13] : memref<128x128xf32, #tpu.memory_space<vmem>>, vector<128x128xf32>
    %dot_general3A = arith.constant dense<0.000000e+00> : vector<1000x128xf32>
    %dot_general3A_15 = tpu.matmul %get3A_1, %get3A_14, %dot_general3A {dimension_numbers = #tpu.dot_dimension_numbers<[1], [0], [0], [1], [0, 0, 1, 1], [], []>, precision = #tpu.contract_precision<fp32>, transpose_lhs_hint = false} : vector<1000x128xf32>, vector<128x128xf32>, vector<1000x128xf32> -> vector<1000x128xf32>
    %get3A_16 = arith.constant 0 : index
    %get3A_17 = arith.constant 0 : index
    %get3A_18 = vector.load %arg4[%get3A_16, %get3A_17] : memref<128x128xf32, #tpu.memory_space<vmem>>, vector<128x128xf32>
    %dot_general3A_19 = arith.constant dense<0.000000e+00> : vector<1000x128xf32>
    %dot_general3A_20 = tpu.matmul %add3A, %get3A_18, %dot_general3A_19 {dimension_numbers = #tpu.dot_dimension_numbers<[1], [0], [0], [1], [0, 0, 1, 1], [], []>, precision = #tpu.contract_precision<fp32>, transpose_lhs_hint = false} : vector<1000x128xf32>, vector<128x128xf32>, vector<1000x128xf32> -> vector<1000x128xf32>
    %add3A_21 = arith.addf %dot_general3A_15, %dot_general3A_20 : vector<1000x128xf32>
    %get3A_22 = arith.constant 0 : index
    %get3A_23 = arith.constant 0 : index
    %get3A_24 = arith.constant 0 : index
    %get3A_25 = vector.load %arg5[%get3A_22, %get3A_23, %get3A_24] : memref<2x1000x128xf32, #tpu.memory_space<vmem>>, vector<1x1000x128xf32>
    %get3A_26 = vector.shape_cast %get3A_25 : vector<1x1000x128xf32> to vector<1000x128xf32>
    %get3A_27 = arith.constant 1 : index
    %get3A_28 = arith.constant 0 : index
    %get3A_29 = arith.constant 0 : index
    %get3A_30 = vector.load %arg5[%get3A_27, %get3A_28, %get3A_29] : memref<2x1000x128xf32, #tpu.memory_space<vmem>>, vector<1x1000x128xf32>
    %get3A_31 = vector.shape_cast %get3A_30 : vector<1x1000x128xf32> to vector<1000x128xf32>
    %add3A_32 = arith.addf %get3A_26, %get3A_31 : vector<1000x128xf32>
    %get3A_33 = arith.constant 0 : index
    %get3A_34 = arith.constant 0 : index
    %get3A_35 = vector.load %arg6[%get3A_33, %get3A_34] : memref<128x128xf32, #tpu.memory_space<vmem>>, vector<128x128xf32>
    %dot_general3A_36 = arith.constant dense<0.000000e+00> : vector<1000x128xf32>
    %dot_general3A_37 = tpu.matmul %add3A_32, %get3A_35, %dot_general3A_36 {dimension_numbers = #tpu.dot_dimension_numbers<[1], [0], [0], [1], [0, 0, 1, 1], [], []>, precision = #tpu.contract_precision<fp32>, transpose_lhs_hint = false} : vector<1000x128xf32>, vector<128x128xf32>, vector<1000x128xf32> -> vector<1000x128xf32>
    %add3A_38 = arith.addf %add3A_21, %dot_general3A_37 : vector<1000x128xf32>
    %max3A = arith.constant 0.000000e+00 : f32
    %max3A_39 = vector.broadcast %max3A : f32 to vector<1000x128xf32>
    %max3A_40 = arith.maximumf %add3A_38, %max3A_39 : vector<1000x128xf32>
    %swap3A = arith.constant 0 : index
    %swap3A_41 = arith.constant 0 : index
    %swap3A_42 = vector.load %arg7[%swap3A, %swap3A_41] : memref<1000x128xf32, #tpu.memory_space<vmem>>, vector<1000x128xf32>
    tpu.vector_store %arg7[%swap3A, %swap3A_41], %max3A_40 {strides = array<i32>} : memref<1000x128xf32, #tpu.memory_space<vmem>>, vector<1000x128xf32>,
    return
  }
  func.func @transform_0(%arg0: i32) -> (i32, i32) {
    %c0_i32 = arith.constant 0 : i32
    %c0_i32_0 = arith.constant 0 : i32
    return %arg0, %c0_i32 : i32, i32
  }
  func.func @transform_1(%arg0: i32) -> (i32, i32, i32) {
    %c0_i32 = arith.constant 0 : i32
    %c0_i32_0 = arith.constant 0 : i32
    %c0_i32_1 = arith.constant 0 : i32
    return %c0_i32, %arg0, %c0_i32_0 : i32, i32, i32
  }
  func.func @transform_2(%arg0: i32) -> (i32, i32) {
    %c0_i32 = arith.constant 0 : i32
    %c0_i32_0 = arith.constant 0 : i32
    %c0_i32_1 = arith.constant 0 : i32
    return %c0_i32, %c0_i32_0 : i32, i32
  }
  func.func @transform_3(%arg0: i32) -> (i32, i32) {
    %c0_i32 = arith.constant 0 : i32
    %c0_i32_0 = arith.constant 0 : i32
    %c0_i32_1 = arith.constant 0 : i32
    return %c0_i32, %c0_i32_0 : i32, i32
  }
  func.func @transform_4(%arg0: i32) -> (i32, i32, i32) {
    %c0_i32 = arith.constant 0 : i32
    %c0_i32_0 = arith.constant 0 : i32
    %c0_i32_1 = arith.constant 0 : i32
    return %c0_i32, %arg0, %c0_i32_0 : i32, i32, i32
  }
  func.func @transform_5(%arg0: i32) -> (i32, i32) {
    %c0_i32 = arith.constant 0 : i32
    %c0_i32_0 = arith.constant 0 : i32
    %c0_i32_1 = arith.constant 0 : i32
    return %c0_i32, %c0_i32_0 : i32, i32
  }
  func.func @transform_6(%arg0: i32) -> (i32, i32) {
    %c0_i32 = arith.constant 0 : i32
    %c0_i32_0 = arith.constant 0 : i32
    return %arg0, %c0_i32 : i32, i32
  }
}

module attributes {stable_mosaic.version = 14 : i64} {
  func.func @body(%arg0: i32, %arg1: memref<1000x128xf32, #tpu.memory_space<vmem>>, %arg2: memref<2x1000x128xf32, #tpu.memory_space<vmem>>, %arg3: memref<128x128xf32, #tpu.memory_space<vmem>>, %arg4: memref<128x128xf32, #tpu.memory_space<vmem>>, %arg5: memref<1000x128xf32, #tpu.memory_space<vmem>>) attributes {dimension_semantics = [#tpu.dimension_semantics<arbitrary>], iteration_bounds = array<i64: 10>, scalar_prefetch = 0 : i64, scratch_operands = 0 : i64, tpu.core_type = #tpu.core_type<tc>, window_params = [{transform_indices = @transform_0, window_bounds = array<i64: 1000, 128>}, {transform_indices = @transform_1, window_bounds = array<i64: 2, 1000, 128>}, {pipeline_mode = #tpu.pipeline_mode<synchronous>, transform_indices = @transform_2, window_bounds = array<i64: 128, 128>}, {pipeline_mode = #tpu.pipeline_mode<synchronous>, transform_indices = @transform_3, window_bounds = array<i64: 128, 128>}, {transform_indices = @transform_4, window_bounds = array<i64: 1000, 128>}]} {
    %get3A = arith.constant 0 : index
    %get3A_0 = arith.constant 0 : index
    %get3A_1 = vector.load %arg1[%get3A, %get3A_0] : memref<1000x128xf32, #tpu.memory_space<vmem>>, vector<1000x128xf32>
    %get3A_2 = arith.constant 0 : index
    %get3A_3 = arith.constant 0 : index
    %get3A_4 = arith.constant 0 : index
    %get3A_5 = vector.load %arg2[%get3A_2, %get3A_3, %get3A_4] : memref<2x1000x128xf32, #tpu.memory_space<vmem>>, vector<1x1000x128xf32>
    %get3A_6 = vector.shape_cast %get3A_5 : vector<1x1000x128xf32> to vector<1000x128xf32>
    %get3A_7 = arith.constant 1 : index
    %get3A_8 = arith.constant 0 : index
    %get3A_9 = arith.constant 0 : index
    %get3A_10 = vector.load %arg2[%get3A_7, %get3A_8, %get3A_9] : memref<2x1000x128xf32, #tpu.memory_space<vmem>>, vector<1x1000x128xf32>
    %get3A_11 = vector.shape_cast %get3A_10 : vector<1x1000x128xf32> to vector<1000x128xf32>
    %add3A = arith.addf %get3A_6, %get3A_11 : vector<1000x128xf32>
    %get3A_12 = arith.constant 0 : index
    %get3A_13 = arith.constant 0 : index
    %get3A_14 = vector.load %arg3[%get3A_12, %get3A_13] : memref<128x128xf32, #tpu.memory_space<vmem>>, vector<128x128xf32>
    %dot_general3A = arith.constant dense<0.000000e+00> : vector<1000x128xf32>
    %dot_general3A_15 = tpu.matmul %get3A_1, %get3A_14, %dot_general3A {dimension_numbers = #tpu.dot_dimension_numbers<[1], [0], [0], [1], [0, 0, 1, 1], [], []>, precision = #tpu.contract_precision<fp32>, transpose_lhs_hint = false} : vector<1000x128xf32>, vector<128x128xf32>, vector<1000x128xf32> -> vector<1000x128xf32>
    %get3A_16 = arith.constant 0 : index
    %get3A_17 = arith.constant 0 : index
    %get3A_18 = vector.load %arg4[%get3A_16, %get3A_17] : memref<128x128xf32, #tpu.memory_space<vmem>>, vector<128x128xf32>
    %dot_general3A_19 = arith.constant dense<0.000000e+00> : vector<1000x128xf32>
    %dot_general3A_20 = tpu.matmul %add3A, %get3A_18, %dot_general3A_19 {dimension_numbers = #tpu.dot_dimension_numbers<[1], [0], [0], [1], [0, 0, 1, 1], [], []>, precision = #tpu.contract_precision<fp32>, transpose_lhs_hint = false} : vector<1000x128xf32>, vector<128x128xf32>, vector<1000x128xf32> -> vector<1000x128xf32>
    %add3A_21 = arith.addf %dot_general3A_15, %dot_general3A_20 : vector<1000x128xf32>
    %max3A = arith.constant 0.000000e+00 : f32
    %max3A_22 = vector.broadcast %max3A : f32 to vector<1000x128xf32>
    %max3A_23 = arith.maximumf %add3A_21, %max3A_22 : vector<1000x128xf32>
    %swap3A = arith.constant 0 : index
    %swap3A_24 = arith.constant 0 : index
    %swap3A_25 = vector.load %arg5[%swap3A, %swap3A_24] : memref<1000x128xf32, #tpu.memory_space<vmem>>, vector<1000x128xf32>
    tpu.vector_store %arg5[%swap3A, %swap3A_24], %max3A_23 {strides = array<i32>} : memref<1000x128xf32, #tpu.memory_space<vmem>>, vector<1000x128xf32>,
    return
  }
  func.func @transform_0(%arg0: i32) -> (i32, i32) {
    %c0_i32 = arith.constant 0 : i32
    %c0_i32_0 = arith.constant 0 : i32
    return %arg0, %c0_i32 : i32, i32
  }
  func.func @transform_1(%arg0: i32) -> (i32, i32, i32) {
    %c0_i32 = arith.constant 0 : i32
    %c0_i32_0 = arith.constant 0 : i32
    %c0_i32_1 = arith.constant 0 : i32
    return %c0_i32, %arg0, %c0_i32_0 : i32, i32, i32
  }
  func.func @transform_2(%arg0: i32) -> (i32, i32) {
    %c0_i32 = arith.constant 0 : i32
    %c0_i32_0 = arith.constant 0 : i32
    %c0_i32_1 = arith.constant 0 : i32
    return %c0_i32, %c0_i32_0 : i32, i32
  }
  func.func @transform_3(%arg0: i32) -> (i32, i32) {
    %c0_i32 = arith.constant 0 : i32
    %c0_i32_0 = arith.constant 0 : i32
    %c0_i32_1 = arith.constant 0 : i32
    return %c0_i32, %c0_i32_0 : i32, i32
  }
  func.func @transform_4(%arg0: i32) -> (i32, i32) {
    %c0_i32 = arith.constant 0 : i32
    %c0_i32_0 = arith.constant 0 : i32
    return %arg0, %c0_i32 : i32, i32
  }
}

module attributes {stable_mosaic.version = 14 : i64} {
  func.func @body(%arg0: memref<10000xi32, #tpu.memory_space<smem>>, %arg1: memref<10000x128xf32, #tpu.memory_space<vmem>>, %arg2: memref<512x256xf32, #tpu.memory_space<vmem>>, %arg3: memref<512x128xf32, #tpu.memory_space<vmem>>, %arg4: memref<512x128xf32, #tpu.memory_space<vmem>>, %arg5: memref<512x128xf32, #tpu.memory_space<vmem>>) attributes {dimension_semantics = [], scalar_prefetch = 0 : i64, scratch_operands = 3 : i64, tpu.core_type = #tpu.core_type<tc>} {
    %broadcast_in_dim3A = arith.constant 0.000000e+00 : f32
    %broadcast_in_dim3A_0 = vector.broadcast %broadcast_in_dim3A : f32 to vector<512x128xf32>
    %swap3A = arith.constant 0 : index
    %swap3A_1 = arith.constant 0 : index
    %swap3A_2 = vector.load %arg3[%swap3A, %swap3A_1] : memref<512x128xf32, #tpu.memory_space<vmem>>, vector<512x128xf32>
    tpu.vector_store %arg3[%swap3A, %swap3A_1], %broadcast_in_dim3A_0 {strides = array<i32>} : memref<512x128xf32, #tpu.memory_space<vmem>>, vector<512x128xf32>,
    %broadcast_in_dim3A_3 = arith.constant 0xFF800000 : f32
    %broadcast_in_dim3A_4 = vector.broadcast %broadcast_in_dim3A_3 : f32 to vector<512x128xf32>
    %swap3A_5 = arith.constant 0 : index
    %swap3A_6 = arith.constant 0 : index
    %swap3A_7 = vector.load %arg4[%swap3A_5, %swap3A_6] : memref<512x128xf32, #tpu.memory_space<vmem>>, vector<512x128xf32>
    tpu.vector_store %arg4[%swap3A_5, %swap3A_6], %broadcast_in_dim3A_4 {strides = array<i32>} : memref<512x128xf32, #tpu.memory_space<vmem>>, vector<512x128xf32>,
    %broadcast_in_dim3A_8 = arith.constant 0.000000e+00 : f32
    %broadcast_in_dim3A_9 = vector.broadcast %broadcast_in_dim3A_8 : f32 to vector<512x128xf32>
    %swap3A_10 = arith.constant 0 : index
    %swap3A_11 = arith.constant 0 : index
    %swap3A_12 = vector.load %arg5[%swap3A_10, %swap3A_11] : memref<512x128xf32, #tpu.memory_space<vmem>>, vector<512x128xf32>
    tpu.vector_store %arg5[%swap3A_10, %swap3A_11], %broadcast_in_dim3A_9 {strides = array<i32>} : memref<512x128xf32, #tpu.memory_space<vmem>>, vector<512x128xf32>,
    %scan3A = arith.constant 0 : i32
    %scan3A_13 = arith.constant 10000 : i32
    %scan3A_14 = arith.addi %scan3A, %scan3A_13 : i32
    %scan3A_15 = arith.constant 1 : i32
    scf.for %scan3A_39 = %scan3A to %scan3A_14 step %scan3A_15  : i32 {
      %get3A_40 = arith.index_cast %scan3A_39 : i32 to index
      %get3A_41 = memref.load %arg0[%get3A_40] : memref<10000xi32, #tpu.memory_space<smem>>
      %get3A_42 = arith.index_cast %scan3A_39 : i32 to index
      %get3A_43 = arith.constant 0 : index
      %get3A_44 = vector.load %arg1[%get3A_42, %get3A_43] : memref<10000x128xf32, #tpu.memory_space<vmem>>, vector<1x128xf32>
      %get3A_45 = arith.index_cast %get3A_41 : i32 to index
      %get3A_46 = arith.constant 0 : index
      %get3A_47 = vector.load %arg3[%get3A_45, %get3A_46] : memref<512x128xf32, #tpu.memory_space<vmem>>, vector<1x128xf32>
      %add3A = arith.addf %get3A_47, %get3A_44 : vector<1x128xf32>
      %swap3A_48 = arith.index_cast %get3A_41 : i32 to index
      %swap3A_49 = arith.constant 0 : index
      %swap3A_50 = vector.load %arg3[%swap3A_48, %swap3A_49] : memref<512x128xf32, #tpu.memory_space<vmem>>, vector<1x128xf32>
      tpu.vector_store %arg3[%swap3A_48, %swap3A_49], %add3A {strides = array<i32>} : memref<512x128xf32, #tpu.memory_space<vmem>>, vector<1x128xf32>,
      %get3A_51 = arith.index_cast %get3A_41 : i32 to index
      %get3A_52 = arith.constant 0 : index
      %get3A_53 = vector.load %arg4[%get3A_51, %get3A_52] : memref<512x128xf32, #tpu.memory_space<vmem>>, vector<1x128xf32>
      %max3A_54 = arith.maximumf %get3A_53, %get3A_44 : vector<1x128xf32>
      %swap3A_55 = arith.index_cast %get3A_41 : i32 to index
      %swap3A_56 = arith.constant 0 : index
      %swap3A_57 = vector.load %arg4[%swap3A_55, %swap3A_56] : memref<512x128xf32, #tpu.memory_space<vmem>>, vector<1x128xf32>
      tpu.vector_store %arg4[%swap3A_55, %swap3A_56], %max3A_54 {strides = array<i32>} : memref<512x128xf32, #tpu.memory_space<vmem>>, vector<1x128xf32>,
      %get3A_58 = arith.index_cast %get3A_41 : i32 to index
      %get3A_59 = arith.constant 0 : index
      %get3A_60 = vector.load %arg5[%get3A_58, %get3A_59] : memref<512x128xf32, #tpu.memory_space<vmem>>, vector<1x128xf32>
      %add3A_61 = arith.constant 1.000000e+00 : f32
      %add3A_62 = vector.broadcast %add3A_61 : f32 to vector<1x128xf32>
      %add3A_63 = arith.addf %get3A_60, %add3A_62 : vector<1x128xf32>
      %swap3A_64 = arith.index_cast %get3A_41 : i32 to index
      %swap3A_65 = arith.constant 0 : index
      %swap3A_66 = vector.load %arg5[%swap3A_64, %swap3A_65] : memref<512x128xf32, #tpu.memory_space<vmem>>, vector<1x128xf32>
      tpu.vector_store %arg5[%swap3A_64, %swap3A_65], %add3A_63 {strides = array<i32>} : memref<512x128xf32, #tpu.memory_space<vmem>>, vector<1x128xf32>,
    }
    %scan3A_16 = arith.constant 10000 : i32
    %get3A = arith.constant 0 : index
    %get3A_17 = arith.constant 0 : index
    %get3A_18 = vector.load %arg5[%get3A, %get3A_17] : memref<512x128xf32, #tpu.memory_space<vmem>>, vector<512x1xf32>
    %get3A_19 = arith.constant 0 : index
    %get3A_20 = arith.constant 0 : index
    %get3A_21 = vector.load %arg3[%get3A_19, %get3A_20] : memref<512x128xf32, #tpu.memory_space<vmem>>, vector<512x128xf32>
    %max3A = arith.constant 1.000000e+00 : f32
    %max3A_22 = vector.broadcast %max3A : f32 to vector<512x1xf32>
    %max3A_23 = arith.maximumf %get3A_18, %max3A_22 : vector<512x1xf32>
    %div3A = vector.broadcast %max3A_23 : vector<512x1xf32> to vector<512x128xf32>
    %div3A_24 = arith.divf %get3A_21, %div3A : vector<512x128xf32>
    %gt3A = arith.constant 0.000000e+00 : f32
    %gt3A_25 = vector.broadcast %gt3A : f32 to vector<512x1xf32>
    %gt3A_26 = arith.cmpf ogt, %get3A_18, %gt3A_25 : vector<512x1xf32>
    %get3A_27 = arith.constant 0 : index
    %get3A_28 = arith.constant 0 : index
    %get3A_29 = vector.load %arg4[%get3A_27, %get3A_28] : memref<512x128xf32, #tpu.memory_space<vmem>>, vector<512x128xf32>
    %jit3A = arith.constant 0.000000e+00 : f32
    %broadcast_in_dim3A_30 = vector.shape_cast %gt3A_26 : vector<512x1xi1> to vector<512x1xi1>
    %broadcast_in_dim3A_31 = vector.broadcast %broadcast_in_dim3A_30 : vector<512x1xi1> to vector<512x128xi1>
    %broadcast_in_dim3A_32 = vector.broadcast %jit3A : f32 to vector<512x128xf32>
    %select_n3A = arith.select %broadcast_in_dim3A_31, %get3A_29, %broadcast_in_dim3A_32 : vector<512x128xi1>, vector<512x128xf32>
    %swap3A_33 = arith.constant 0 : index
    %swap3A_34 = arith.constant 0 : index
    %swap3A_35 = vector.load %arg2[%swap3A_33, %swap3A_34] : memref<512x256xf32, #tpu.memory_space<vmem>>, vector<512x128xf32>
    tpu.vector_store %arg2[%swap3A_33, %swap3A_34], %div3A_24 {strides = array<i32>} : memref<512x256xf32, #tpu.memory_space<vmem>>, vector<512x128xf32>,
    %swap3A_36 = arith.constant 0 : index
    %swap3A_37 = arith.constant 128 : index
    %swap3A_38 = vector.load %arg2[%swap3A_36, %swap3A_37] : memref<512x256xf32, #tpu.memory_space<vmem>>, vector<512x128xf32>
    tpu.vector_store %arg2[%swap3A_36, %swap3A_37], %select_n3A {strides = array<i32>} : memref<512x256xf32, #tpu.memory_space<vmem>>, vector<512x128xf32>,
    return
  }
}

module attributes {stable_mosaic.version = 14 : i64} {
  func.func @body(%arg0: i32, %arg1: memref<256x256xf32, #tpu.memory_space<vmem>>, %arg2: memref<256x128xf32, #tpu.memory_space<vmem>>, %arg3: memref<256x128xf32, #tpu.memory_space<vmem>>, %arg4: memref<256x128xf32, #tpu.memory_space<vmem>>, %arg5: memref<256xi32, #tpu.memory_space<vmem>>, %arg6: memref<256x1024xf32, #tpu.memory_space<vmem>>, %arg7: memref<128x1024xf32, #tpu.memory_space<vmem>>, %arg8: memref<128x1024xf32, #tpu.memory_space<vmem>>, %arg9: memref<128x1024xf32, #tpu.memory_space<vmem>>, %arg10: memref<16x1024xf32, #tpu.memory_space<vmem>>, %arg11: memref<8x1024xf32, #tpu.memory_space<vmem>>, %arg12: memref<1024xf32, #tpu.memory_space<vmem>>, %arg13: memref<1024xf32, #tpu.memory_space<vmem>>, %arg14: memref<1024x512xf32, #tpu.memory_space<vmem>>, %arg15: memref<512xf32, #tpu.memory_space<vmem>>, %arg16: memref<512xf32, #tpu.memory_space<vmem>>, %arg17: memref<512xf32, #tpu.memory_space<vmem>>, %arg18: memref<8x512xf32, #tpu.memory_space<vmem>>, %arg19: memref<1xf32, #tpu.memory_space<smem>>, %arg20: memref<1x1x256xf32, #tpu.memory_space<vmem>>) attributes {dimension_semantics = [#tpu.dimension_semantics<arbitrary>], iteration_bounds = array<i64: 391>, scalar_prefetch = 0 : i64, scratch_operands = 0 : i64, tpu.core_type = #tpu.core_type<tc>, window_params = [{transform_indices = @transform_0, window_bounds = array<i64: 256, 256>}, {transform_indices = @transform_1, window_bounds = array<i64: 256, 128>}, {transform_indices = @transform_2, window_bounds = array<i64: 256, 128>}, {transform_indices = @transform_3, window_bounds = array<i64: 256, 128>}, {transform_indices = @transform_4, window_bounds = array<i64: 256>}, {pipeline_mode = #tpu.pipeline_mode<synchronous>, transform_indices = @transform_5, window_bounds = array<i64: 256, 1024>}, {pipeline_mode = #tpu.pipeline_mode<synchronous>, transform_indices = @transform_6, window_bounds = array<i64: 128, 1024>}, {pipeline_mode = #tpu.pipeline_mode<synchronous>, transform_indices = @transform_7, window_bounds = array<i64: 128, 1024>}, {pipeline_mode = #tpu.pipeline_mode<synchronous>, transform_indices = @transform_8, window_bounds = array<i64: 128, 1024>}, {pipeline_mode = #tpu.pipeline_mode<synchronous>, transform_indices = @transform_9, window_bounds = array<i64: 16, 1024>}, {pipeline_mode = #tpu.pipeline_mode<synchronous>, transform_indices = @transform_10, window_bounds = array<i64: 8, 1024>}, {pipeline_mode = #tpu.pipeline_mode<synchronous>, transform_indices = @transform_11, window_bounds = array<i64: 1024>}, {pipeline_mode = #tpu.pipeline_mode<synchronous>, transform_indices = @transform_12, window_bounds = array<i64: 1024>}, {pipeline_mode = #tpu.pipeline_mode<synchronous>, transform_indices = @transform_13, window_bounds = array<i64: 1024, 512>}, {pipeline_mode = #tpu.pipeline_mode<synchronous>, transform_indices = @transform_14, window_bounds = array<i64: 512>}, {pipeline_mode = #tpu.pipeline_mode<synchronous>, transform_indices = @transform_15, window_bounds = array<i64: 512>}, {pipeline_mode = #tpu.pipeline_mode<synchronous>, transform_indices = @transform_16, window_bounds = array<i64: 512>}, {pipeline_mode = #tpu.pipeline_mode<synchronous>, transform_indices = @transform_17, window_bounds = array<i64: 8, 512>}, {transform_indices = @transform_18, window_bounds = array<i64: 1>}, {transform_indices = @transform_19, window_bounds = array<i64: 1, 1, 256>}]} {
    %get3A = arith.constant 0 : index
    %get3A_0 = arith.constant 0 : index
    %get3A_1 = vector.load %arg2[%get3A, %get3A_0] : memref<256x128xf32, #tpu.memory_space<vmem>>, vector<256x128xf32>
    %get3A_2 = arith.constant 0 : index
    %get3A_3 = arith.constant 0 : index
    %get3A_4 = vector.load %arg3[%get3A_2, %get3A_3] : memref<256x128xf32, #tpu.memory_space<vmem>>, vector<256x128xf32>
    %add3A = arith.addf %get3A_1, %get3A_4 : vector<256x128xf32>
    %mul3A = arith.mulf %get3A_1, %get3A_4 : vector<256x128xf32>
    %sub3A = arith.subf %add3A, %mul3A : vector<256x128xf32>
    %get3A_5 = arith.constant 0 : index
    %get3A_6 = arith.constant 0 : index
    %get3A_7 = vector.load %arg4[%get3A_5, %get3A_6] : memref<256x128xf32, #tpu.memory_space<vmem>>, vector<256x128xf32>
    %get3A_8 = arith.constant 0 : index
    %get3A_9 = vector.load %arg5[%get3A_8] : memref<256xi32, #tpu.memory_space<vmem>>, vector<256xi32>
    %broadcast_in_dim3A = arith.constant 0.000000e+00 : f32
    %broadcast_in_dim3A_10 = vector.broadcast %broadcast_in_dim3A : f32 to vector<256x16xf32>
    %eq3A = arith.constant 0 : i32
    %eq3A_11 = vector.broadcast %eq3A : i32 to vector<256xi32>
    %eq3A_12 = arith.cmpi eq, %get3A_9, %eq3A_11 : vector<256xi32>
    %convert_element_type3A = arith.extui %eq3A_12 : vector<256xi1> to vector<256xi32>
    %convert_element_type3A_13 = arith.sitofp %convert_element_type3A : vector<256xi32> to vector<256xf32>
    %broadcast_in_dim3A_14 = vector.shape_cast %convert_element_type3A_13 : vector<256xf32> to vector<256x1xf32>
    %slice3A = vector.extract_strided_slice %get3A_7 {offsets = [0, 0], sizes = [256, 16], strides = [1, 1]} : vector<256x128xf32> to vector<256x16xf32>
    %mul3A_15 = vector.broadcast %broadcast_in_dim3A_14 : vector<256x1xf32> to vector<256x16xf32>
    %mul3A_16 = arith.mulf %mul3A_15, %slice3A : vector<256x16xf32>
    %add3A_17 = arith.addf %broadcast_in_dim3A_10, %mul3A_16 : vector<256x16xf32>
    %eq3A_18 = arith.constant 1 : i32
    %eq3A_19 = vector.broadcast %eq3A_18 : i32 to vector<256xi32>
    %eq3A_20 = arith.cmpi eq, %get3A_9, %eq3A_19 : vector<256xi32>
    %convert_element_type3A_21 = arith.extui %eq3A_20 : vector<256xi1> to vector<256xi32>
    %convert_element_type3A_22 = arith.sitofp %convert_element_type3A_21 : vector<256xi32> to vector<256xf32>
    %broadcast_in_dim3A_23 = vector.shape_cast %convert_element_type3A_22 : vector<256xf32> to vector<256x1xf32>
    %slice3A_24 = vector.extract_strided_slice %get3A_7 {offsets = [0, 16], sizes = [256, 16], strides = [1, 1]} : vector<256x128xf32> to vector<256x16xf32>
    %mul3A_25 = vector.broadcast %broadcast_in_dim3A_23 : vector<256x1xf32> to vector<256x16xf32>
    %mul3A_26 = arith.mulf %mul3A_25, %slice3A_24 : vector<256x16xf32>
    %add3A_27 = arith.addf %add3A_17, %mul3A_26 : vector<256x16xf32>
    %eq3A_28 = arith.constant 2 : i32
    %eq3A_29 = vector.broadcast %eq3A_28 : i32 to vector<256xi32>
    %eq3A_30 = arith.cmpi eq, %get3A_9, %eq3A_29 : vector<256xi32>
    %convert_element_type3A_31 = arith.extui %eq3A_30 : vector<256xi1> to vector<256xi32>
    %convert_element_type3A_32 = arith.sitofp %convert_element_type3A_31 : vector<256xi32> to vector<256xf32>
    %broadcast_in_dim3A_33 = vector.shape_cast %convert_element_type3A_32 : vector<256xf32> to vector<256x1xf32>
    %slice3A_34 = vector.extract_strided_slice %get3A_7 {offsets = [0, 32], sizes = [256, 16], strides = [1, 1]} : vector<256x128xf32> to vector<256x16xf32>
    %mul3A_35 = vector.broadcast %broadcast_in_dim3A_33 : vector<256x1xf32> to vector<256x16xf32>
    %mul3A_36 = arith.mulf %mul3A_35, %slice3A_34 : vector<256x16xf32>
    %add3A_37 = arith.addf %add3A_27, %mul3A_36 : vector<256x16xf32>
    %eq3A_38 = arith.constant 3 : i32
    %eq3A_39 = vector.broadcast %eq3A_38 : i32 to vector<256xi32>
    %eq3A_40 = arith.cmpi eq, %get3A_9, %eq3A_39 : vector<256xi32>
    %convert_element_type3A_41 = arith.extui %eq3A_40 : vector<256xi1> to vector<256xi32>
    %convert_element_type3A_42 = arith.sitofp %convert_element_type3A_41 : vector<256xi32> to vector<256xf32>
    %broadcast_in_dim3A_43 = vector.shape_cast %convert_element_type3A_42 : vector<256xf32> to vector<256x1xf32>
    %slice3A_44 = vector.extract_strided_slice %get3A_7 {offsets = [0, 48], sizes = [256, 16], strides = [1, 1]} : vector<256x128xf32> to vector<256x16xf32>
    %mul3A_45 = vector.broadcast %broadcast_in_dim3A_43 : vector<256x1xf32> to vector<256x16xf32>
    %mul3A_46 = arith.mulf %mul3A_45, %slice3A_44 : vector<256x16xf32>
    %add3A_47 = arith.addf %add3A_37, %mul3A_46 : vector<256x16xf32>
    %eq3A_48 = arith.constant 4 : i32
    %eq3A_49 = vector.broadcast %eq3A_48 : i32 to vector<256xi32>
    %eq3A_50 = arith.cmpi eq, %get3A_9, %eq3A_49 : vector<256xi32>
    %convert_element_type3A_51 = arith.extui %eq3A_50 : vector<256xi1> to vector<256xi32>
    %convert_element_type3A_52 = arith.sitofp %convert_element_type3A_51 : vector<256xi32> to vector<256xf32>
    %broadcast_in_dim3A_53 = vector.shape_cast %convert_element_type3A_52 : vector<256xf32> to vector<256x1xf32>
    %slice3A_54 = vector.extract_strided_slice %get3A_7 {offsets = [0, 64], sizes = [256, 16], strides = [1, 1]} : vector<256x128xf32> to vector<256x16xf32>
    %mul3A_55 = vector.broadcast %broadcast_in_dim3A_53 : vector<256x1xf32> to vector<256x16xf32>
    %mul3A_56 = arith.mulf %mul3A_55, %slice3A_54 : vector<256x16xf32>
    %add3A_57 = arith.addf %add3A_47, %mul3A_56 : vector<256x16xf32>
    %eq3A_58 = arith.constant 5 : i32
    %eq3A_59 = vector.broadcast %eq3A_58 : i32 to vector<256xi32>
    %eq3A_60 = arith.cmpi eq, %get3A_9, %eq3A_59 : vector<256xi32>
    %convert_element_type3A_61 = arith.extui %eq3A_60 : vector<256xi1> to vector<256xi32>
    %convert_element_type3A_62 = arith.sitofp %convert_element_type3A_61 : vector<256xi32> to vector<256xf32>
    %broadcast_in_dim3A_63 = vector.shape_cast %convert_element_type3A_62 : vector<256xf32> to vector<256x1xf32>
    %slice3A_64 = vector.extract_strided_slice %get3A_7 {offsets = [0, 80], sizes = [256, 16], strides = [1, 1]} : vector<256x128xf32> to vector<256x16xf32>
    %mul3A_65 = vector.broadcast %broadcast_in_dim3A_63 : vector<256x1xf32> to vector<256x16xf32>
    %mul3A_66 = arith.mulf %mul3A_65, %slice3A_64 : vector<256x16xf32>
    %add3A_67 = arith.addf %add3A_57, %mul3A_66 : vector<256x16xf32>
    %eq3A_68 = arith.constant 6 : i32
    %eq3A_69 = vector.broadcast %eq3A_68 : i32 to vector<256xi32>
    %eq3A_70 = arith.cmpi eq, %get3A_9, %eq3A_69 : vector<256xi32>
    %convert_element_type3A_71 = arith.extui %eq3A_70 : vector<256xi1> to vector<256xi32>
    %convert_element_type3A_72 = arith.sitofp %convert_element_type3A_71 : vector<256xi32> to vector<256xf32>
    %broadcast_in_dim3A_73 = vector.shape_cast %convert_element_type3A_72 : vector<256xf32> to vector<256x1xf32>
    %slice3A_74 = vector.extract_strided_slice %get3A_7 {offsets = [0, 96], sizes = [256, 16], strides = [1, 1]} : vector<256x128xf32> to vector<256x16xf32>
    %mul3A_75 = vector.broadcast %broadcast_in_dim3A_73 : vector<256x1xf32> to vector<256x16xf32>
    %mul3A_76 = arith.mulf %mul3A_75, %slice3A_74 : vector<256x16xf32>
    %add3A_77 = arith.addf %add3A_67, %mul3A_76 : vector<256x16xf32>
    %eq3A_78 = arith.constant 7 : i32
    %eq3A_79 = vector.broadcast %eq3A_78 : i32 to vector<256xi32>
    %eq3A_80 = arith.cmpi eq, %get3A_9, %eq3A_79 : vector<256xi32>
    %convert_element_type3A_81 = arith.extui %eq3A_80 : vector<256xi1> to vector<256xi32>
    %convert_element_type3A_82 = arith.sitofp %convert_element_type3A_81 : vector<256xi32> to vector<256xf32>
    %broadcast_in_dim3A_83 = vector.shape_cast %convert_element_type3A_82 : vector<256xf32> to vector<256x1xf32>
    %slice3A_84 = vector.extract_strided_slice %get3A_7 {offsets = [0, 112], sizes = [256, 16], strides = [1, 1]} : vector<256x128xf32> to vector<256x16xf32>
    %mul3A_85 = vector.broadcast %broadcast_in_dim3A_83 : vector<256x1xf32> to vector<256x16xf32>
    %mul3A_86 = arith.mulf %mul3A_85, %slice3A_84 : vector<256x16xf32>
    %add3A_87 = arith.addf %add3A_77, %mul3A_86 : vector<256x16xf32>
    %get3A_88 = arith.constant 0 : index
    %get3A_89 = arith.constant 0 : index
    %get3A_90 = vector.load %arg1[%get3A_88, %get3A_89] : memref<256x256xf32, #tpu.memory_space<vmem>>, vector<256x256xf32>
    %get3A_91 = arith.constant 0 : index
    %get3A_92 = arith.constant 0 : index
    %get3A_93 = vector.load %arg6[%get3A_91, %get3A_92] : memref<256x1024xf32, #tpu.memory_space<vmem>>, vector<256x1024xf32>
    %dot_general3A = arith.constant dense<0.000000e+00> : vector<256x1024xf32>
    %dot_general3A_94 = tpu.matmul %get3A_90, %get3A_93, %dot_general3A {dimension_numbers = #tpu.dot_dimension_numbers<[1], [0], [0], [1], [0, 0, 1, 1], [], []>, transpose_lhs_hint = false} : vector<256x256xf32>, vector<256x1024xf32>, vector<256x1024xf32> -> vector<256x1024xf32>
    %get3A_95 = arith.constant 0 : index
    %get3A_96 = arith.constant 0 : index
    %get3A_97 = vector.load %arg7[%get3A_95, %get3A_96] : memref<128x1024xf32, #tpu.memory_space<vmem>>, vector<128x1024xf32>
    %dot_general3A_98 = arith.constant dense<0.000000e+00> : vector<256x1024xf32>
    %dot_general3A_99 = tpu.matmul %get3A_1, %get3A_97, %dot_general3A_98 {dimension_numbers = #tpu.dot_dimension_numbers<[1], [0], [0], [1], [0, 0, 1, 1], [], []>, transpose_lhs_hint = false} : vector<256x128xf32>, vector<128x1024xf32>, vector<256x1024xf32> -> vector<256x1024xf32>
    %add3A_100 = arith.addf %dot_general3A_94, %dot_general3A_99 : vector<256x1024xf32>
    %get3A_101 = arith.constant 0 : index
    %get3A_102 = arith.constant 0 : index
    %get3A_103 = vector.load %arg8[%get3A_101, %get3A_102] : memref<128x1024xf32, #tpu.memory_space<vmem>>, vector<128x1024xf32>
    %dot_general3A_104 = arith.constant dense<0.000000e+00> : vector<256x1024xf32>
    %dot_general3A_105 = tpu.matmul %get3A_4, %get3A_103, %dot_general3A_104 {dimension_numbers = #tpu.dot_dimension_numbers<[1], [0], [0], [1], [0, 0, 1, 1], [], []>, transpose_lhs_hint = false} : vector<256x128xf32>, vector<128x1024xf32>, vector<256x1024xf32> -> vector<256x1024xf32>
    %add3A_106 = arith.addf %add3A_100, %dot_general3A_105 : vector<256x1024xf32>
    %get3A_107 = arith.constant 0 : index
    %get3A_108 = arith.constant 0 : index
    %get3A_109 = vector.load %arg9[%get3A_107, %get3A_108] : memref<128x1024xf32, #tpu.memory_space<vmem>>, vector<128x1024xf32>
    %dot_general3A_110 = arith.constant dense<0.000000e+00> : vector<256x1024xf32>
    %dot_general3A_111 = tpu.matmul %sub3A, %get3A_109, %dot_general3A_110 {dimension_numbers = #tpu.dot_dimension_numbers<[1], [0], [0], [1], [0, 0, 1, 1], [], []>, transpose_lhs_hint = false} : vector<256x128xf32>, vector<128x1024xf32>, vector<256x1024xf32> -> vector<256x1024xf32>
    %add3A_112 = arith.addf %add3A_106, %dot_general3A_111 : vector<256x1024xf32>
    %get3A_113 = arith.constant 0 : index
    %get3A_114 = arith.constant 0 : index
    %get3A_115 = vector.load %arg10[%get3A_113, %get3A_114] : memref<16x1024xf32, #tpu.memory_space<vmem>>, vector<16x1024xf32>
    %dot_general3A_116 = arith.constant dense<0.000000e+00> : vector<256x1024xf32>
    %dot_general3A_117 = tpu.matmul %add3A_87, %get3A_115, %dot_general3A_116 {dimension_numbers = #tpu.dot_dimension_numbers<[1], [0], [0], [1], [0, 0, 1, 1], [], []>, transpose_lhs_hint = false} : vector<256x16xf32>, vector<16x1024xf32>, vector<256x1024xf32> -> vector<256x1024xf32>
    %add3A_118 = arith.addf %add3A_112, %dot_general3A_117 : vector<256x1024xf32>
    %get3A_119 = arith.constant 0 : index
    %get3A_120 = arith.constant 0 : index
    %get3A_121 = vector.load %arg11[%get3A_119, %get3A_120] : memref<8x1024xf32, #tpu.memory_space<vmem>>, vector<1x1024xf32>
    %get3A_122 = vector.shape_cast %get3A_121 : vector<1x1024xf32> to vector<1024xf32>
    %broadcast_in_dim3A_123 = vector.shape_cast %get3A_122 : vector<1024xf32> to vector<1x1024xf32>
    %add3A_124 = vector.broadcast %broadcast_in_dim3A_123 : vector<1x1024xf32> to vector<256x1024xf32>
    %add3A_125 = arith.addf %add3A_118, %add3A_124 : vector<256x1024xf32>
    %get3A_126 = arith.constant 0 : index
    %get3A_127 = vector.load %arg12[%get3A_126] : memref<1024xf32, #tpu.memory_space<vmem>>, vector<1024xf32>
    %mul3A_128 = arith.constant 0.999994993 : f32
    %mul3A_129 = vector.broadcast %mul3A_128 : f32 to vector<1024xf32>
    %mul3A_130 = arith.mulf %mul3A_129, %get3A_127 : vector<1024xf32>
    %broadcast_in_dim3A_131 = vector.shape_cast %mul3A_130 : vector<1024xf32> to vector<1x1024xf32>
    %mul3A_132 = vector.broadcast %broadcast_in_dim3A_131 : vector<1x1024xf32> to vector<256x1024xf32>
    %mul3A_133 = arith.mulf %add3A_125, %mul3A_132 : vector<256x1024xf32>
    %get3A_134 = arith.constant 0 : index
    %get3A_135 = vector.load %arg13[%get3A_134] : memref<1024xf32, #tpu.memory_space<vmem>>, vector<1024xf32>
    %broadcast_in_dim3A_136 = vector.shape_cast %get3A_135 : vector<1024xf32> to vector<1x1024xf32>
    %add3A_137 = vector.broadcast %broadcast_in_dim3A_136 : vector<1x1024xf32> to vector<256x1024xf32>
    %add3A_138 = arith.addf %mul3A_133, %add3A_137 : vector<256x1024xf32>
    %max3A = arith.constant 0.000000e+00 : f32
    %max3A_139 = vector.broadcast %max3A : f32 to vector<256x1024xf32>
    %max3A_140 = arith.maximumf %add3A_138, %max3A_139 : vector<256x1024xf32>
    %get3A_141 = arith.constant 0 : index
    %get3A_142 = arith.constant 0 : index
    %get3A_143 = vector.load %arg14[%get3A_141, %get3A_142] : memref<1024x512xf32, #tpu.memory_space<vmem>>, vector<1024x512xf32>
    %dot_general3A_144 = arith.constant dense<0.000000e+00> : vector<256x512xf32>
    %dot_general3A_145 = tpu.matmul %max3A_140, %get3A_143, %dot_general3A_144 {dimension_numbers = #tpu.dot_dimension_numbers<[1], [0], [0], [1], [0, 0, 1, 1], [], []>, transpose_lhs_hint = false} : vector<256x1024xf32>, vector<1024x512xf32>, vector<256x512xf32> -> vector<256x512xf32>
    %get3A_146 = arith.constant 0 : index
    %get3A_147 = vector.load %arg15[%get3A_146] : memref<512xf32, #tpu.memory_space<vmem>>, vector<512xf32>
    %broadcast_in_dim3A_148 = vector.shape_cast %get3A_147 : vector<512xf32> to vector<1x512xf32>
    %add3A_149 = vector.broadcast %broadcast_in_dim3A_148 : vector<1x512xf32> to vector<256x512xf32>
    %add3A_150 = arith.addf %dot_general3A_145, %add3A_149 : vector<256x512xf32>
    %get3A_151 = arith.constant 0 : index
    %get3A_152 = vector.load %arg16[%get3A_151] : memref<512xf32, #tpu.memory_space<vmem>>, vector<512xf32>
    %mul3A_153 = arith.constant 0.999994993 : f32
    %mul3A_154 = vector.broadcast %mul3A_153 : f32 to vector<512xf32>
    %mul3A_155 = arith.mulf %mul3A_154, %get3A_152 : vector<512xf32>
    %broadcast_in_dim3A_156 = vector.shape_cast %mul3A_155 : vector<512xf32> to vector<1x512xf32>
    %mul3A_157 = vector.broadcast %broadcast_in_dim3A_156 : vector<1x512xf32> to vector<256x512xf32>
    %mul3A_158 = arith.mulf %add3A_150, %mul3A_157 : vector<256x512xf32>
    %get3A_159 = arith.constant 0 : index
    %get3A_160 = vector.load %arg17[%get3A_159] : memref<512xf32, #tpu.memory_space<vmem>>, vector<512xf32>
    %broadcast_in_dim3A_161 = vector.shape_cast %get3A_160 : vector<512xf32> to vector<1x512xf32>
    %add3A_162 = vector.broadcast %broadcast_in_dim3A_161 : vector<1x512xf32> to vector<256x512xf32>
    %add3A_163 = arith.addf %mul3A_158, %add3A_162 : vector<256x512xf32>
    %max3A_164 = arith.constant 0.000000e+00 : f32
    %max3A_165 = vector.broadcast %max3A_164 : f32 to vector<256x512xf32>
    %max3A_166 = arith.maximumf %add3A_163, %max3A_165 : vector<256x512xf32>
    %get3A_167 = arith.constant 0 : index
    %get3A_168 = arith.constant 0 : index
    %get3A_169 = vector.load %arg18[%get3A_167, %get3A_168] : memref<8x512xf32, #tpu.memory_space<vmem>>, vector<1x512xf32>
    %get3A_170 = vector.shape_cast %get3A_169 : vector<1x512xf32> to vector<512xf32>
    %broadcast_in_dim3A_171 = vector.shape_cast %get3A_170 : vector<512xf32> to vector<1x512xf32>
    %mul3A_172 = vector.broadcast %broadcast_in_dim3A_171 : vector<1x512xf32> to vector<256x512xf32>
    %mul3A_173 = arith.mulf %max3A_166, %mul3A_172 : vector<256x512xf32>
    %reduce_sum3A = arith.constant dense<0.000000e+00> : vector<256xf32>
    %reduce_sum3A_174 = vector.multi_reduction <add>, %mul3A_173, %reduce_sum3A [1] : vector<256x512xf32> to vector<256xf32>
    %get3A_175 = arith.constant 0 : index
    %get3A_176 = memref.load %arg19[%get3A_175] : memref<1xf32, #tpu.memory_space<smem>>
    %add3A_177 = vector.broadcast %get3A_176 : f32 to vector<256xf32>
    %add3A_178 = arith.addf %reduce_sum3A_174, %add3A_177 : vector<256xf32>
    %swap3A = arith.constant 0 : index
    %swap3A_179 = arith.constant 0 : index
    %swap3A_180 = arith.constant 0 : index
    %swap3A_181 = vector.load %arg20[%swap3A, %swap3A_179, %swap3A_180] : memref<1x1x256xf32, #tpu.memory_space<vmem>>, vector<1x1x256xf32>
    %swap3A_182 = vector.shape_cast %swap3A_181 : vector<1x1x256xf32> to vector<256xf32>
    %swap3A_183 = vector.shape_cast %add3A_178 : vector<256xf32> to vector<1x1x256xf32>
    tpu.vector_store %arg20[%swap3A, %swap3A_179, %swap3A_180], %swap3A_183 {strides = array<i32>} : memref<1x1x256xf32, #tpu.memory_space<vmem>>, vector<1x1x256xf32>,
    return
  }
  func.func @transform_0(%arg0: i32) -> (i32, i32) {
    %c0_i32 = arith.constant 0 : i32
    %c0_i32_0 = arith.constant 0 : i32
    return %arg0, %c0_i32 : i32, i32
  }
  func.func @transform_1(%arg0: i32) -> (i32, i32) {
    %c0_i32 = arith.constant 0 : i32
    %c0_i32_0 = arith.constant 0 : i32
    return %arg0, %c0_i32 : i32, i32
  }
  func.func @transform_2(%arg0: i32) -> (i32, i32) {
    %c0_i32 = arith.constant 0 : i32
    %c0_i32_0 = arith.constant 0 : i32
    return %arg0, %c0_i32 : i32, i32
  }
  func.func @transform_3(%arg0: i32) -> (i32, i32) {
    %c0_i32 = arith.constant 0 : i32
    %c0_i32_0 = arith.constant 0 : i32
    return %arg0, %c0_i32 : i32, i32
  }
  func.func @transform_4(%arg0: i32) -> i32 {
    %c0_i32 = arith.constant 0 : i32
    return %arg0 : i32
  }
  func.func @transform_5(%arg0: i32) -> (i32, i32) {
    %c0_i32 = arith.constant 0 : i32
    %c0_i32_0 = arith.constant 0 : i32
    %c0_i32_1 = arith.constant 0 : i32
    return %c0_i32, %c0_i32_0 : i32, i32
  }
  func.func @transform_6(%arg0: i32) -> (i32, i32) {
    %c0_i32 = arith.constant 0 : i32
    %c0_i32_0 = arith.constant 0 : i32
    %c0_i32_1 = arith.constant 0 : i32
    return %c0_i32, %c0_i32_0 : i32, i32
  }
  func.func @transform_7(%arg0: i32) -> (i32, i32) {
    %c0_i32 = arith.constant 0 : i32
    %c0_i32_0 = arith.constant 0 : i32
    %c0_i32_1 = arith.constant 0 : i32
    return %c0_i32, %c0_i32_0 : i32, i32
  }
  func.func @transform_8(%arg0: i32) -> (i32, i32) {
    %c0_i32 = arith.constant 0 : i32
    %c0_i32_0 = arith.constant 0 : i32
    %c0_i32_1 = arith.constant 0 : i32
    return %c0_i32, %c0_i32_0 : i32, i32
  }
  func.func @transform_9(%arg0: i32) -> (i32, i32) {
    %c0_i32 = arith.constant 0 : i32
    %c0_i32_0 = arith.constant 0 : i32
    %c0_i32_1 = arith.constant 0 : i32
    return %c0_i32, %c0_i32_0 : i32, i32
  }
  func.func @transform_10(%arg0: i32) -> (i32, i32) {
    %c0_i32 = arith.constant 0 : i32
    %c0_i32_0 = arith.constant 0 : i32
    %c0_i32_1 = arith.constant 0 : i32
    return %c0_i32, %c0_i32_0 : i32, i32
  }
  func.func @transform_11(%arg0: i32) -> i32 {
    %c0_i32 = arith.constant 0 : i32
    %c0_i32_0 = arith.constant 0 : i32
    return %c0_i32 : i32
  }
  func.func @transform_12(%arg0: i32) -> i32 {
    %c0_i32 = arith.constant 0 : i32
    %c0_i32_0 = arith.constant 0 : i32
    return %c0_i32 : i32
  }
  func.func @transform_13(%arg0: i32) -> (i32, i32) {
    %c0_i32 = arith.constant 0 : i32
    %c0_i32_0 = arith.constant 0 : i32
    %c0_i32_1 = arith.constant 0 : i32
    return %c0_i32, %c0_i32_0 : i32, i32
  }
  func.func @transform_14(%arg0: i32) -> i32 {
    %c0_i32 = arith.constant 0 : i32
    %c0_i32_0 = arith.constant 0 : i32
    return %c0_i32 : i32
  }
  func.func @transform_15(%arg0: i32) -> i32 {
    %c0_i32 = arith.constant 0 : i32
    %c0_i32_0 = arith.constant 0 : i32
    return %c0_i32 : i32
  }
  func.func @transform_16(%arg0: i32) -> i32 {
    %c0_i32 = arith.constant 0 : i32
    %c0_i32_0 = arith.constant 0 : i32
    return %c0_i32 : i32
  }
  func.func @transform_17(%arg0: i32) -> (i32, i32) {
    %c0_i32 = arith.constant 0 : i32
    %c0_i32_0 = arith.constant 0 : i32
    %c0_i32_1 = arith.constant 0 : i32
    return %c0_i32, %c0_i32_0 : i32, i32
  }
  func.func @transform_18(%arg0: i32) -> i32 {
    %c0_i32 = arith.constant 0 : i32
    %c0_i32_0 = arith.constant 0 : i32
    return %c0_i32 : i32
  }
  func.func @transform_19(%arg0: i32) -> (i32, i32, i32) {
    %c0_i32 = arith.constant 0 : i32
    %c0_i32_0 = arith.constant 0 : i32
    %c0_i32_1 = arith.constant 0 : i32
    return %arg0, %c0_i32, %c0_i32_0 : i32, i32, i32
  }
}

</mosaic_0001>

<sc_bundles>
// kernel: kernel.13.cloned.1.call-start
scs
__scs_entry_jumppad:
0x0: {  	(pc) =	sbr.rel $0x88, $3  }
0x1: {  	(tag) =	ssettag $0x0;
	lr =	simm.s32 $0x1  }
0x2: {  	[smem:$0x3F87] =	sst lr;
	_ =	strace $0xD0000000  }
0x3: {  	_ = 	snop  }
0x4: {  	_ = 	snop  }
0x5: {  	_ = 	snop  }
0x6: {  	_ = 	snop  }
0x7: {  	_ = 	snop  }
__scs_overlays_trampoline_lowered:
0x8: {  	[smem:$0x3F96] =	sst s0  }
0x9: {  	[smem:$0x3F97] =	sst s1  }
0xa: {  	[smem:$0x3F98] =	sst s2  }
0xb: {  	[smem:$0x3F99] =	sst s3  }
0xc: {  	[smem:$0x3F9A] =	sst s4  }
0xd: {  	[smem:$0x3F9B] =	sst s5  }
0xe: {  	[smem:$0x3F9C] =	sst s6  }
0xf: {  	[smem:$0x3F9D] =	sst s7  }
0x10: {  	[smem:$0x3F9E] =	sst s8  }
0x11: {  	[smem:$0x3F9F] =	sst s9;
	s0 =	simm.s32 @!p0 $0x0  }
0x12: {  	s1 =	sld [smem:$0x3F85];
	s0 =	simm.s32 @p0 $0x1  }
0x13: {  	[smem:$0x3FA0] =	sst s0;
	s0 =	simm.s32 @!p1 $0x0  }
0x14: {  	s2 =	sld [smem:$0x3F84];
	s0 =	simm.s32 @p1 $0x1  }
0x15: {  	[smem:$0x3FA1] =	sst s0;
	s0 =	simm.s32 @!p2 $0x0  }
0x16: {  	s3 =	sld [smem:$0x3FDB];
	s0 =	simm.s32 @p2 $0x1  }
0x17: {  	s4 =	simm.s32 $0x1BF5;
	[smem:$0x3FA3] =	sst s0  }
0x18: {  	s0 =	sld [smem:$0x3F86];
	_ =	swait.ge [sflag:s4], $0x0  }
0x19: {  	s7 =	sld [smem:$0x3F87]  }
0x1a: {  	s8 =	sadd.s32 $0xFFFFE003, lr  }
0x1b: {  	s9 =	sadd.s32 $0xFFFFFEF7, lr;
	s5 =	simm.s32 $0xFFFFFFFF;
	p2 =	slt.u32 s8, $0xFFFFF086  }
0x1c: {  	p1 =	slt.u32 s9, $0xF7A;
	s5 =	simm.s32 @!p2 $0x0  }
0x1d: {  	s5 =	simm.s32 @p1 $0x1;
	p0 =	seq.s32 s7, s2  }
0x1e: {  	s7 =	smul.u32 @!p0 $0xF7A, s2;
	p2 =	seq.s32 @!p0 s5, $0x0  }
0x1f: {  	s9 =	smul.u32 $0xF7A, s1;
	s8 =	simm.s32 @!p0 $0x1BF5;
	p2 =	por !p2, p0  }
0x20: {  	[sflag:s8] =	ssyncset.s32 @!p0 $0xFFFFF086;
	s6 =	sadd.s32 @!p0 s3, s7;
	s7 =	simm.s32 @!p0 $0x108  }
0x21: {  	s3 =	sadd.s32 s3, s9;
	s6 =	sadd.s32 @!p0 $0x88, s6;
	s7 =	simm.s32 @p2 $0x1082  }
0x22: {  	[simem:s7], [sflag:s8] =	dma.local @!p0 [hbm:s6], $0xF7A  }
0x23: {  	s9 =	sor.u32 $0xD0000000, s2;
	s6 =	simm.s32 $0x108;
	_ =	swait.ge @!p0 [sflag:s8], $0x0  }
0x24: {  	s3 =	sadd.s32 $0x88, s3;
	s6 =	simm.s32 @!p1 $0x1082;
	[sflag:s4] =	ssyncset.s32 $0xFFFFF086  }
0x25: {  	[simem:s6], [sflag:s4] =	dma.local [hbm:s3], $0xF7A  }
0x26: {  	[smem:$0x3F87] =	sst s1;
	(tag) =	ssettag s2;
	_ =	strace s9  }
0x27: {  	s1 =	sld [smem:$0x3F97]  }
0x28: {  	s2 =	sld [smem:$0x3F98]  }
0x29: {  	s4 =	sld [smem:$0x3F9A]  }
0x2a: {  	p0 =	seq.s32 s5, $0x0;
	s5 =	sld [smem:$0x3F9B]  }
0x2b: {  	s6 =	sld [smem:$0x3F9C]  }
0x2c: {  	s7 =	sld [smem:$0x3F9D]  }
0x2d: {  	s3 =	simm.s32 $0x108;
	s8 =	sld [smem:$0x3F9E]  }
0x2e: {  	s3 =	simm.s32 @!p0 $0x1082;
	s9 =	sld [smem:$0x3F9F]  }
0x2f: {  	lr =	sadd.s32 s0, s3;
	s0 =	sld [smem:$0x3F96]  }
0x30: {  	s3 =	sld [smem:$0x3F99]  }
0x31: {  	[smem:$0x3FA2] =	sst s10  }
0x32: {  	s10 =	sld [smem:$0x3FA0];
	_ =	sdelay $0x3  }
0x33: {  	p0 =	seq.s32 s10, $0x1;
	s10 =	sld [smem:$0x3FA2];
	_ =	sdelay $0x3  }
0x34: {  	[smem:$0x3FA2] =	sst s10  }
0x35: {  	s10 =	sld [smem:$0x3FA1];
	_ =	sdelay $0x3  }
0x36: {  	p1 =	seq.s32 s10, $0x1;
	s10 =	sld [smem:$0x3FA2];
	_ =	sdelay $0x3  }
0x37: {  	[smem:$0x3FA2] =	sst s10  }
0x38: {  	s10 =	sld [smem:$0x3FA3]  }
0x39: {  	_ = 	snop;
	(pc) =	sbr.ind lr, $3  }
0x3a: {  	_ = 	snop  }
0x3b: {  	_ = 	snop  }
0x3c: {  	p2 =	seq.s32 s10, $0x1;
	s10 =	sld [smem:$0x3FA2]  }
0x3d: {  	_ =	shalt  }
0x3e: {  	_ =	shalt  }
0x3f: {  	_ =	shalt  }
0x40: {  	_ =	shalt  }
0x41: {  	_ =	shalt  }
0x42: {  	_ =	shalt  }
0x43: {  	_ =	shalt  }
0x44: {  	_ =	shalt  }
0x45: {  	_ =	shalt  }
0x46: {  	_ =	shalt  }
0x47: {  	_ =	shalt  }
0x48: {  	_ =	shalt  }
0x49: {  	_ =	shalt  }
0x4a: {  	_ =	shalt  }
0x4b: {  	_ =	shalt  }
0x4c: {  	_ =	shalt  }
0x4d: {  	_ =	shalt  }
0x4e: {  	_ =	shalt  }
0x4f: {  	_ =	shalt  }
0x50: {  	_ =	shalt  }
0x51: {  	_ =	shalt  }
0x52: {  	_ =	shalt  }
0x53: {  	_ =	shalt  }
0x54: {  	_ =	shalt  }
0x55: {  	_ =	shalt  }
0x56: {  	_ =	shalt  }
0x57: {  	_ =	shalt  }
0x58: {  	_ =	shalt  }
0x59: {  	_ =	shalt  }
0x5a: {  	_ =	shalt  }
0x5b: {  	_ =	shalt  }
0x5c: {  	_ =	shalt  }
0x5d: {  	_ =	shalt  }
0x5e: {  	_ =	shalt  }
0x5f: {  	_ =	shalt  }
0x60: {  	_ =	shalt  }
0x61: {  	_ =	shalt  }
0x62: {  	_ =	shalt  }
0x63: {  	_ =	shalt  }
0x64: {  	_ =	shalt  }
0x65: {  	_ =	shalt  }
0x66: {  	_ =	shalt  }
0x67: {  	_ =	shalt  }
0x68: {  	_ =	shalt  }
0x69: {  	_ =	shalt  }
0x6a: {  	_ =	shalt  }
0x6b: {  	_ =	shalt  }
0x6c: {  	_ =	shalt  }
0x6d: {  	_ =	shalt  }
0x6e: {  	_ =	shalt  }
0x6f: {  	_ =	shalt  }
0x70: {  	_ =	shalt  }
0x71: {  	_ =	shalt  }
0x72: {  	_ =	shalt  }
0x73: {  	_ =	shalt  }
0x74: {  	_ =	shalt  }
0x75: {  	_ =	shalt  }
0x76: {  	_ =	shalt  }
0x77: {  	_ =	shalt  }
0x78: {  	_ =	shalt  }
0x79: {  	_ =	shalt  }
0x7a: {  	_ =	shalt  }
0x7b: {  	_ =	shalt  }
0x7c: {  	_ =	shalt  }
0x7d: {  	_ =	shalt  }
0x7e: {  	_ =	shalt  }
0x7f: {  	_ =	shalt  }
0x80: {  	_ =	shalt  }
0x81: {  	_ =	shalt  }
0x82: {  	_ =	shalt  }
0x83: {  	_ =	shalt  }
0x84: {  	_ =	shalt  }
0x85: {  	_ =	shalt  }
0x86: {  	_ =	shalt  }
0x87: {  	_ =	shalt  }
.Lfunc_end0:
.L_simem_size_0:
called_computation_lowered:
.L_overlay_start_0:
0x88: {  	s2 =	sld [smem:$0x3FD9]  }
0x89: {  	s3 =	sld [smem:$0x3FFE];
	_ =	sdelay $0x1  }
0x8a: {  	s1 =	srdreg.scid  }
0x8b: {  	s0 =	sand.u32 $0x1, s1  }
0x8c: {  	s17 =	sshll.u32 s0, $0xA;
	s2 =	sadd.s32 s3, s2  }
0x8d: {  	s2 =	sadd.s32 s2, s17  }
0x8e: {  	[smem:$0x3FAE] =	sst s2  }
0x8f: {  	_ = 	snop  }
0x90: {  	(tm) =	ssettm $0x1  }
0x91: {  	s18 =	sld [smem:$0x3FFB];
	_ =	sdelay $0x3  }
0x92: {  	_ =	strace s18  }
0x93: {  	s2 =	sld [smem:$0x3FFC];
	_ =	sdelay $0x3  }
0x94: {  	_ =	strace s2  }
0x95: {  	s2 =	sld [smem:$0x3FFD];
	_ =	sdelay $0x3  }
0x96: {  	_ =	strace s2  }
0x97: {  	_ =	strace $0x8FFFFFFF  }
0x98: {  	s19 =	sld [smem:$0x3FDB];
	_ =	sdelay $0x1  }
0x99: {  	s20 =	simm.s32 $_scs_section_size  }
0x9a: {  	s4 =	simm.s32 $_size__tile_overlayer_lowered;
	s5 =	simm.s32 $_tile_overlayer_lowered  }
0x9b: {  	s6 =	simm.s32 $0x1BFF;
	s21 =	sshll.u32 s5, $0x1;
	s3 =	sadd.s32 s20, s19  }
0x9c: {  	s22 =	simm.s32 $0x0;
	s4 =	sshll.u32 s4, $0x1;
	s5 =	sadd.s32 s21, s3  }
0x9d: {  	[timem:s22], [sflag:s6] =	dma.local [hbm:s5], s4  }
0x9e: {  	_ =	swait.ge [sflag:s6], s4  }
0x9f: {  	s4 =	ssub.s32 $0x0, s4;
	[sflag:s6] =	ssyncset.done $0x0  }
0xa0: {  	[sflag:s6] =	ssyncadd.s32 s4;
	_ =	sdelay $0x1  }
0xa1: {  	s23 =	simm.s32 $0x1B8B  }
0xa2: {  	_ =	swait.ge [sflag:s23], $0x1  }
0xa3: {  	[sflag:s23] =	ssyncset.done $0x0  }
0xa4: {  	[sflag:s23] =	ssyncadd.s32 $0xFFFFFFFF  }
0xa5: {  	s4 =	sld [smem:$0x0]  }
0xa6: {  	s5 =	sand.u32 $0xFFFFFFFE, s1  }
0xa7: {  	p0 =	sne.s32 s1, s5  }
0xa8: {  	s5 =	sshll.u32 @p0 s5, $0xE  }
0xa9: {  	s5 =	sadd.s32 @p0 $0x11B8D, s5;
	s6 =	sshll.u32 @p0 s4, $0x11  }
0xaa: {  	s5 =	sor.u32 @p0 s6, s5  }
0xab: {  	[sflag:s5] =	ssyncadd.remote.s32 @p0 $0x1;
	_ =	sdelay $0x1  }
0xac: {  	s5 =	simm.s32 @p0 $0x1B8D  }
0xad: {  	_ =	swait.eq @p0 [sflag:s5], $0x1  }
0xae: {  	[sflag:s5] =	ssyncadd.s32 @p0 $0xFFFFFFFF  }
0xaf: {  	s6 =	sshll.u32 @!p0 s1, $0xE  }
0xb0: {  	s6 =	sor.u32 @!p0 $0x4000, s6;
	s5 =	simm.s32 @!p0 $0x1B8D  }
0xb1: {  	s4 =	sshll.u32 @!p0 s4, $0x11;
	s6 =	sadd.s32 @!p0 $0x11B8D, s6;
	_ =	swait.eq @!p0 [sflag:s5], $0x1  }
0xb2: {  	s4 =	sor.u32 @!p0 s4, s6;
	[sflag:s5] =	ssyncadd.s32 @!p0 $0xFFFFFFFF  }
0xb3: {  	s25 =	simm.s32 $0x1B8E;
	s24 =	sld [smem:$0x3FFE];
	[sflag:s4] =	ssyncadd.remote.s32 @!p0 $0x1  }
0xb4: {  	s26 =	simm.s32 $execute0_lowered;
	[smem:$0x3FD2] =	sst s25  }
0xb5: {  	s5 =	sshll.u32 s26, $0x1;
	_ =	strace $0x80000049;
	[dreg:$0x1] =	wrdreg $0xFFFFFFFF  }
0xb6: {  	s28 =	simm.s32 $_size_execute0_lowered;
	s3 =	sadd.s32 s3, s5;
	[dreg:$0x0] =	wrdreg $0x0  }
0xb7: {  	s5 =	sshll.u32 s28, $0x1;
	[dreg:$0x2] =	wrdreg s3  }
0xb8: {  	[dreg:$0x3] =	wrdreg s5  }
0xb9: {  	[dreg:$0x4] =	wrdreg $0xC0  }
0xba: {  	_ =	task [dreg:s22], $0x5FFFF  }
0xbb: {  	[dreg:$0x1] =	wrdreg $0xFFFFFFFF  }
0xbc: {  	[dreg:$0x0] =	wrdreg $0x60  }
0xbd: {  	[dreg:$0x2] =	wrdreg s24  }
0xbe: {  	[dreg:$0x3] =	wrdreg $0x41000  }
0xbf: {  	[dreg:$0x4] =	wrdreg $0x9  }
0xc0: {  	_ =	task.clear_ibuf [dreg:s22], $0x5FFFF;
	_ =	strace $0x90000049  }
0xc1: {  	s29 =	simm.s32 $0x9;
	_ =	strace $0x8000004B  }
0xc2: {  	_ =	swait.ge [sflag:s29], $0x1  }
0xc3: {  	[sflag:s29] =	ssyncadd.s32 $0xFFFFFFFF  }
0xc4: {  	_ =	strace $0x9000004B  }
0xc5: {  	_ =	sfence  }
0xc6: {  	s30 =	sld [smem:$0x0];
	_ =	sdelay $0x2  }
0xc7: {  	s31 =	sshll.u32 s1, $0xD;
	s1 =	sshrl.u32 s1, $0x2  }
0xc8: {  	s4 =	sand.u32 $0x4000, s31;
	s1 =	sadd.s32 s1, s30  }
0xc9: {  	s0 =	sor.u32 s4, s0;
	s1 =	sshll.u32 s1, $0x11  }
0xca: {  	s0 =	sor.u32 s1, s0  }
0xcb: {  	s0 =	sadd.s32 $0x8F2B, s0  }
0xcc: {  	[sflag:s0] =	ssyncadd.remote.s32 $0x1  }
0xcd: {  	_ =	sfence.sel $0xFFFF  }
0xce: {  	[dreg:$0x0] =	wrdreg $0xFFFFFFFF;
	(pc) =	sbr.abs _section_cstart, $3  }
0xcf: {  	[dreg:$0x1] =	wrdreg $0xFFFFFFFF  }
0xd0: {  	_ =	task.clear_ibuf [dreg:s22], $0x2FFFF;
	_ =	strace $0x9FFFFFFF  }
0xd1: {  	(tm) =	ssettm $0x7FFFFFFF  }
tec
execute0_lowered:
.L_overlay_start_1:
0x0: {  	(tag) =	ssettag $0x1  }
0x1: {  	s1 =	srdreg.scid  }
0x2: {  	s0 =	stileid.u32;
	s5 =	rddreg [dreg:$0x0]  }
0x3: {  	s2 =	rddreg [dreg:$0x1];
	s3 =	simm.s32 $0x0;
	s17 =	simm.s32 $0x100  }
0x4: {  	s18 =	simm.s32 $0x80;
	s19 =	simm.s32 $0x0;
	s6 =	smul.u32 $0x1388, s0  }
0x5: {  	s4 =	sand.u32 $0x1, s1;
	s1 =	rddreg [dreg:$0x2];
	s8 =	smul.u32 $0x2780, s0  }
0x6: {  	[smem:$0x7FF] =	sst s3;
	s9 =	smul.u32 $0x4F000, s0;
	s10 =	sadd.s32 $0xA88800, s5  }
0x7: {  	s26 =	sshll.u32 s0, $0x1;
	s31 =	smul.u32 $0x13C00, s0;
	s14 =	sadd.s32 $0x128400, s2  }
0x8: {  	p0 =	seq.s32 s0, $0xF;
	s7 =	smul.u32 $0x9C4, s4;
	_ =	strace $0x8000004A  }
0x9: {  	s28 =	ssub.s32 $0x2, s4;
	s30 =	smul.u32 $0x138800, s4;
	s16 =	sshll.u32 @!p0 s0, $0x6  }
0xa: {  	s25 =	sadd.s32 s8, s5;
	s13 =	sshrl.u32 s28, $0x1;
	s29 =	sshrl.u32 s9, $0x2  }
0xb: {  	s6 =	sadd.s32 s7, s6;
	s13 =	ssub.s32 s28, s13;
	s15 =	sadd.s32 s29, s2  }
0xc: {  	s8 =	sadd.s32 s31, s30;
	s9 =	sshrl.u32 s30, $0x3;
	s7 =	sand.u32 $0x3FFE0, s6  }
0xd: {  	s6 =	sshll.u32 s6, $0x6;
	s8 =	sshrl.u32 s8, $0x3;
	s9 =	sadd.s32 s10, s9  }
0xe: {  	s15 =	sshrl.u32 @!p0 s15, $0x3;
	s12 =	sadd.s32 s7, s5;
	s7 =	sor.u32 s4, s26  }
0xf: {  	s6 =	sand.u32 $0xFFF800, s6;
	s4 =	sadd.s32 $0x4F400, s25;
	s7 =	smul.u32 $0x9C4, s7  }
.Ltmp0:
0x10: {  	s8 =	sadd.s32 s10, s8;
	s9 =	sadd.s32 $0x25080, s9;
	(pc) =	sbr.rel .LBB2_1-.Ltmp0, $4  }
0x11: {  	s10 =	smax.u32 s13, $0x1;
	s13 =	sshrl.u32 @p0 s14, $0x3;
	s14 =	sor.u32 @!p0 $0x1C01, s16  }
0x12: {  	s11 =	sadd.s32 s6, s5;
	s6 =	sshrl.u32 s7, $0x5;
	s7 =	sadd.s32 $0x9C4, s7  }
0x13: {  	s16 =	simm.s32 $0x1;
	s5 =	sadd.s32 $0x74480, s5;
	s7 =	sshrl.u32 s7, $0x5  }
0x14: {  	s12 =	sadd.s32 $0x13C00, s12;
	s11 =	sadd.s32 $0x5A6800, s11;
	p1 =	sge.u32 s6, s7  }
.LBB2_4:
0x15: {  	[sflag:s16] =	ssyncadd.s32 $0xFFFFC000  }
.LBB2_5:
0x16: {  	[bflag:$0x0] =	sbarrier.arrive $0xFFFF  }
0x17: {  	[hbm:s9], [sflag:s22] =	dma.local @p0 [spmem:s13], $0x2080  }
0x18: {  	s19 =	sadd.s32 $0x1, s19;
	_ =	swait.ge @p0 [sflag:s21], $0x2080  }
0x19: {  	p2 =	sne.s32 s19, s10;
	[sflag:s21] =	ssyncset.done @p0 $0x0  }
.Ltmp1:
0x1a: {  	[sflag:s21] =	ssyncadd.s32 @p0 $0xFFFFDF80;
	(pc) =	sbr.rel @!p2 .LBB2_6-.Ltmp1, $4  }
0x1b: {  	[hbm:s8], [sflag:s14] =	dma.local @!p0 [spmem:s15], $0x2780  }
0x1c: {  	_ =	swait.ge @!p0 [sflag:s20], $0x2780  }
0x1d: {  	[sflag:s20] =	ssyncset.done @!p0 $0x0  }
0x1e: {  	[sflag:s20] =	ssyncadd.s32 @!p0 $0xFFFFD880  }
.LBB2_1:
0x1f: {  	s22 =	simm.s32 @p0 $0x1FC1;
	s21 =	simm.s32 @p0 $0x1  }
0x20: {  	[spmem:s13], [sflag:s22] =	dma.local @p0 [hbm:s5], $0x2080  }
0x21: {  	_ =	swait.ge @p0 [sflag:s21], $0x2080  }
0x22: {  	[sflag:s21] =	ssyncset.done @p0 $0x0  }
0x23: {  	s20 =	simm.s32 @!p0 $0x1;
	[sflag:s21] =	ssyncadd.s32 @p0 $0xFFFFDF80  }
0x24: {  	[spmem:s15], [sflag:s14] =	dma.local @!p0 [hbm:s4], $0x2780  }
.Ltmp2:
0x25: {  	_ =	swait.ge @!p0 [sflag:s20], $0x2780;
	(pc) =	sbr.rel @p1 .LBB2_5-.Ltmp2, $3  }
0x26: {  	[sflag:s20] =	ssyncset.done @!p0 $0x0  }
0x27: {  	[sflag:s20] =	ssyncadd.s32 @!p0 $0xFFFFD880  }
0x28: {  	[bflag:$0x0] =	sbarrier.arrive $0xFFFF;
	_ =	sdelay $0x1  }
0x29: {  	[tilespmem:s3], [sflag:$0x1] =	stream.linear.gather [hbm4b:s12+s3], $0x100, $0x38;
	[tilespmem:$0x17980] =	vst v63  }
0x2a: {  	_ =	swait.ge [sflag:s16], $0x100  }
0x2b: {  	[sflag:s16] =	ssyncset.done $0x0  }
0x2c: {  	s23 =	sadd.s32 $0x1, s6;
	[sflag:s16] =	ssyncadd.s32 $0xFFFFFF00  }
0x2d: {  	[tilespmem:s17], [sflag:$0x1] =	stream.linear.gather [hbm4b:s11+s3], $0x4000, $0x38;
	[tilespmem:$0x17980] =	vst v63  }
0x2e: {  	p2 =	slt.u32 s23, s7;
	_ =	swait.ge [sflag:s16], $0x4000  }
.Ltmp3:
0x2f: {  	[sflag:s16] =	ssyncset.done $0x0;
	(pc) =	sbr.rel @!p2 .LBB2_4-.Ltmp3, $4  }
0x30: {  	[sflag:s16] =	ssyncadd.s32 $0xFFFFC000  }
0x31: {  	[spmem:s2] =	stream.indirect.scatter.add.f32 [tilespmem:s17], [sflag:$0x1], $0x80, s18, s18, $0xb8;
	[tilespmem:$0x17980] =	vst v63  }
0x32: {  	_ =	swait.ge [sflag:s16], $0x4000  }
0x33: {  	s24 =	sadd.s32 $0x20, s12;
	s25 =	smov.u32 s11;
	[sflag:s16] =	ssyncset.done $0x0  }
.LBB2_3:
0x34: {  	s23 =	sadd.s32 $0x1, s23;
	[sflag:s16] =	ssyncadd.s32 $0xFFFFC000;
	s25 =	sadd.s32 $0x800, s25  }
0x35: {  	[tilespmem:s3], [sflag:$0x1] =	stream.linear.gather [hbm4b:s24+s3], $0x100, $0x38;
	[tilespmem:$0x17980] =	vst v63  }
0x36: {  	p2 =	slt.u32 s23, s7;
	_ =	swait.ge [sflag:s16], $0x100  }
0x37: {  	[sflag:s16] =	ssyncset.done $0x0  }
0x38: {  	[sflag:s16] =	ssyncadd.s32 $0xFFFFFF00  }
0x39: {  	[tilespmem:s17], [sflag:$0x1] =	stream.linear.gather [hbm4b:s25+s3], $0x4000, $0x38;
	[tilespmem:$0x17980] =	vst v63  }
0x3a: {  	_ =	swait.ge [sflag:s16], $0x4000  }
.Ltmp4:
0x3b: {  	[sflag:s16] =	ssyncset.done $0x0;
	(pc) =	sbr.rel @p2 .LBB2_3-.Ltmp4, $4  }
0x3c: {  	[sflag:s16] =	ssyncadd.s32 $0xFFFFC000  }
0x3d: {  	[spmem:s2] =	stream.indirect.scatter.add.f32 [tilespmem:s17], [sflag:$0x1], $0x80, s18, s18, $0xb8;
	[tilespmem:$0x17980] =	vst v63  }
0x3e: {  	_ =	swait.ge [sflag:s16], $0x4000  }
0x3f: {  	s24 =	sadd.s32 $0x20, s24;
	[sflag:s16] =	ssyncset.done $0x0  }
.Ltmp5:
0x40: {  	_ = 	snop;
	(pc) =	sbr.rel .LBB2_4-.Ltmp5, $1  }
0x41: {  	_ =	sdelay $0x3  }
.LBB2_6:
0x42: {  	_ =	sfence.sel $0x180000  }
0x43: {  	[bflag:$0x0] =	sbarrier.arrive $0xFFFF  }
0x44: {  	p0 =	sne.s32 s0, $0x0;
	_ =	strace $0x9000004A  }
0x45: {  	s0 =	sadd.s32 @!p0 $0x100000, s1;
	[bflag:$0x2] =	sbarrier.arrive $0xFFFF  }
0x46: {  	[sflag:s0] =	ssyncadd.tile.s32 @!p0 $0x1;
	_ =	shalt  }
.Lfunc_end2:
_tile_overlayer_lowered:
.L_overlay_start_2:
0x47: {  	(tag) =	ssettag $0x2  }
0x48: {  	s0 =	rddreg [dreg:$0x0];
	s2 =	stileid.u32  }
0x49: {  	s1 =	rddreg [dreg:$0x1];
	p0 =	sne.s32 s2, $0x0  }
0x4a: {  	s3 =	rddreg [dreg:$0x2];
	[bflag:$0x3] =	sbarrier.arrive $0xFFFF;
	s2 =	simm.s32 @!p0 $0x1C01  }
0x4b: {  	[timem:s3], [sflag:s2] =	dma.local @!p0 [hbm:s0], s1  }
0x4c: {  	s0 =	simm.s32 @!p0 $0x1  }
0x4d: {  	_ =	swait.ge @!p0 [sflag:s0], s1  }
0x4e: {  	s1 =	ssub.s32 @!p0 $0x0, s1;
	[sflag:s0] =	ssyncset.done @!p0 $0x0  }
0x4f: {  	[sflag:s0] =	ssyncadd.s32 @!p0 s1  }
0x50: {  	[bflag:$0x3] =	sbarrier.arrive $0xFFFF  }
0x51: {  	_ =	shalt  }

// kernel: kernel.16.cloned.1.call-start
scs
__scs_entry_jumppad:
0x0: {  	(pc) =	sbr.rel $0x88, $3  }
0x1: {  	(tag) =	ssettag $0x0;
	lr =	simm.s32 $0x1  }
0x2: {  	[smem:$0x3F87] =	sst lr;
	_ =	strace $0xD0000000  }
0x3: {  	_ = 	snop  }
0x4: {  	_ = 	snop  }
0x5: {  	_ = 	snop  }
0x6: {  	_ = 	snop  }
0x7: {  	_ = 	snop  }
__scs_overlays_trampoline_lowered:
0x8: {  	[smem:$0x3F96] =	sst s0  }
0x9: {  	[smem:$0x3F97] =	sst s1  }
0xa: {  	[smem:$0x3F98] =	sst s2  }
0xb: {  	[smem:$0x3F99] =	sst s3  }
0xc: {  	[smem:$0x3F9A] =	sst s4  }
0xd: {  	[smem:$0x3F9B] =	sst s5  }
0xe: {  	[smem:$0x3F9C] =	sst s6  }
0xf: {  	[smem:$0x3F9D] =	sst s7  }
0x10: {  	[smem:$0x3F9E] =	sst s8  }
0x11: {  	[smem:$0x3F9F] =	sst s9;
	s0 =	simm.s32 @!p0 $0x0  }
0x12: {  	s1 =	sld [smem:$0x3F85];
	s0 =	simm.s32 @p0 $0x1  }
0x13: {  	[smem:$0x3FA0] =	sst s0;
	s0 =	simm.s32 @!p1 $0x0  }
0x14: {  	s2 =	sld [smem:$0x3F84];
	s0 =	simm.s32 @p1 $0x1  }
0x15: {  	[smem:$0x3FA1] =	sst s0;
	s0 =	simm.s32 @!p2 $0x0  }
0x16: {  	s3 =	sld [smem:$0x3FDB];
	s0 =	simm.s32 @p2 $0x1  }
0x17: {  	s4 =	simm.s32 $0x1BF5;
	[smem:$0x3FA3] =	sst s0  }
0x18: {  	s0 =	sld [smem:$0x3F86];
	_ =	swait.ge [sflag:s4], $0x0  }
0x19: {  	s7 =	sld [smem:$0x3F87]  }
0x1a: {  	s8 =	sadd.s32 $0xFFFFE003, lr  }
0x1b: {  	s9 =	sadd.s32 $0xFFFFFEF7, lr;
	s5 =	simm.s32 $0xFFFFFFFF;
	p2 =	slt.u32 s8, $0xFFFFF086  }
0x1c: {  	p1 =	slt.u32 s9, $0xF7A;
	s5 =	simm.s32 @!p2 $0x0  }
0x1d: {  	s5 =	simm.s32 @p1 $0x1;
	p0 =	seq.s32 s7, s2  }
0x1e: {  	s7 =	smul.u32 @!p0 $0xF7A, s2;
	p2 =	seq.s32 @!p0 s5, $0x0  }
0x1f: {  	s9 =	smul.u32 $0xF7A, s1;
	s8 =	simm.s32 @!p0 $0x1BF5;
	p2 =	por !p2, p0  }
0x20: {  	[sflag:s8] =	ssyncset.s32 @!p0 $0xFFFFF086;
	s6 =	sadd.s32 @!p0 s3, s7;
	s7 =	simm.s32 @!p0 $0x108  }
0x21: {  	s3 =	sadd.s32 s3, s9;
	s6 =	sadd.s32 @!p0 $0x88, s6;
	s7 =	simm.s32 @p2 $0x1082  }
0x22: {  	[simem:s7], [sflag:s8] =	dma.local @!p0 [hbm:s6], $0xF7A  }
0x23: {  	s9 =	sor.u32 $0xD0000000, s2;
	s6 =	simm.s32 $0x108;
	_ =	swait.ge @!p0 [sflag:s8], $0x0  }
0x24: {  	s3 =	sadd.s32 $0x88, s3;
	s6 =	simm.s32 @!p1 $0x1082;
	[sflag:s4] =	ssyncset.s32 $0xFFFFF086  }
0x25: {  	[simem:s6], [sflag:s4] =	dma.local [hbm:s3], $0xF7A  }
0x26: {  	[smem:$0x3F87] =	sst s1;
	(tag) =	ssettag s2;
	_ =	strace s9  }
0x27: {  	s1 =	sld [smem:$0x3F97]  }
0x28: {  	s2 =	sld [smem:$0x3F98]  }
0x29: {  	s4 =	sld [smem:$0x3F9A]  }
0x2a: {  	p0 =	seq.s32 s5, $0x0;
	s5 =	sld [smem:$0x3F9B]  }
0x2b: {  	s6 =	sld [smem:$0x3F9C]  }
0x2c: {  	s7 =	sld [smem:$0x3F9D]  }
0x2d: {  	s3 =	simm.s32 $0x108;
	s8 =	sld [smem:$0x3F9E]  }
0x2e: {  	s3 =	simm.s32 @!p0 $0x1082;
	s9 =	sld [smem:$0x3F9F]  }
0x2f: {  	lr =	sadd.s32 s0, s3;
	s0 =	sld [smem:$0x3F96]  }
0x30: {  	s3 =	sld [smem:$0x3F99]  }
0x31: {  	[smem:$0x3FA2] =	sst s10  }
0x32: {  	s10 =	sld [smem:$0x3FA0];
	_ =	sdelay $0x3  }
0x33: {  	p0 =	seq.s32 s10, $0x1;
	s10 =	sld [smem:$0x3FA2];
	_ =	sdelay $0x3  }
0x34: {  	[smem:$0x3FA2] =	sst s10  }
0x35: {  	s10 =	sld [smem:$0x3FA1];
	_ =	sdelay $0x3  }
0x36: {  	p1 =	seq.s32 s10, $0x1;
	s10 =	sld [smem:$0x3FA2];
	_ =	sdelay $0x3  }
0x37: {  	[smem:$0x3FA2] =	sst s10  }
0x38: {  	s10 =	sld [smem:$0x3FA3]  }
0x39: {  	_ = 	snop;
	(pc) =	sbr.ind lr, $3  }
0x3a: {  	_ = 	snop  }
0x3b: {  	_ = 	snop  }
0x3c: {  	p2 =	seq.s32 s10, $0x1;
	s10 =	sld [smem:$0x3FA2]  }
0x3d: {  	_ =	shalt  }
0x3e: {  	_ =	shalt  }
0x3f: {  	_ =	shalt  }
0x40: {  	_ =	shalt  }
0x41: {  	_ =	shalt  }
0x42: {  	_ =	shalt  }
0x43: {  	_ =	shalt  }
0x44: {  	_ =	shalt  }
0x45: {  	_ =	shalt  }
0x46: {  	_ =	shalt  }
0x47: {  	_ =	shalt  }
0x48: {  	_ =	shalt  }
0x49: {  	_ =	shalt  }
0x4a: {  	_ =	shalt  }
0x4b: {  	_ =	shalt  }
0x4c: {  	_ =	shalt  }
0x4d: {  	_ =	shalt  }
0x4e: {  	_ =	shalt  }
0x4f: {  	_ =	shalt  }
0x50: {  	_ =	shalt  }
0x51: {  	_ =	shalt  }
0x52: {  	_ =	shalt  }
0x53: {  	_ =	shalt  }
0x54: {  	_ =	shalt  }
0x55: {  	_ =	shalt  }
0x56: {  	_ =	shalt  }
0x57: {  	_ =	shalt  }
0x58: {  	_ =	shalt  }
0x59: {  	_ =	shalt  }
0x5a: {  	_ =	shalt  }
0x5b: {  	_ =	shalt  }
0x5c: {  	_ =	shalt  }
0x5d: {  	_ =	shalt  }
0x5e: {  	_ =	shalt  }
0x5f: {  	_ =	shalt  }
0x60: {  	_ =	shalt  }
0x61: {  	_ =	shalt  }
0x62: {  	_ =	shalt  }
0x63: {  	_ =	shalt  }
0x64: {  	_ =	shalt  }
0x65: {  	_ =	shalt  }
0x66: {  	_ =	shalt  }
0x67: {  	_ =	shalt  }
0x68: {  	_ =	shalt  }
0x69: {  	_ =	shalt  }
0x6a: {  	_ =	shalt  }
0x6b: {  	_ =	shalt  }
0x6c: {  	_ =	shalt  }
0x6d: {  	_ =	shalt  }
0x6e: {  	_ =	shalt  }
0x6f: {  	_ =	shalt  }
0x70: {  	_ =	shalt  }
0x71: {  	_ =	shalt  }
0x72: {  	_ =	shalt  }
0x73: {  	_ =	shalt  }
0x74: {  	_ =	shalt  }
0x75: {  	_ =	shalt  }
0x76: {  	_ =	shalt  }
0x77: {  	_ =	shalt  }
0x78: {  	_ =	shalt  }
0x79: {  	_ =	shalt  }
0x7a: {  	_ =	shalt  }
0x7b: {  	_ =	shalt  }
0x7c: {  	_ =	shalt  }
0x7d: {  	_ =	shalt  }
0x7e: {  	_ =	shalt  }
0x7f: {  	_ =	shalt  }
0x80: {  	_ =	shalt  }
0x81: {  	_ =	shalt  }
0x82: {  	_ =	shalt  }
0x83: {  	_ =	shalt  }
0x84: {  	_ =	shalt  }
0x85: {  	_ =	shalt  }
0x86: {  	_ =	shalt  }
0x87: {  	_ =	shalt  }
.Lfunc_end0:
.L_simem_size_0:
called_computation.1_lowered:
.L_overlay_start_0:
0x88: {  	s2 =	sld [smem:$0x3FD9]  }
0x89: {  	s3 =	sld [smem:$0x3FFE];
	_ =	sdelay $0x1  }
0x8a: {  	s1 =	srdreg.scid  }
0x8b: {  	s0 =	sand.u32 $0x1, s1  }
0x8c: {  	s16 =	sshll.u32 s0, $0xA;
	s2 =	sadd.s32 s3, s2  }
0x8d: {  	s2 =	sadd.s32 s2, s16  }
0x8e: {  	[smem:$0x3FAE] =	sst s2  }
0x8f: {  	_ = 	snop  }
0x90: {  	(tm) =	ssettm $0x1  }
0x91: {  	s17 =	sld [smem:$0x3FFB];
	_ =	sdelay $0x3  }
0x92: {  	_ =	strace s17  }
0x93: {  	s2 =	sld [smem:$0x3FFC];
	_ =	sdelay $0x3  }
0x94: {  	_ =	strace s2  }
0x95: {  	s2 =	sld [smem:$0x3FFD];
	_ =	sdelay $0x3  }
0x96: {  	_ =	strace s2  }
0x97: {  	_ =	strace $0x8FFFFFFF  }
0x98: {  	s18 =	sld [smem:$0x3FDB];
	_ =	sdelay $0x1  }
0x99: {  	s19 =	simm.s32 $_scs_section_size  }
0x9a: {  	s4 =	simm.s32 $_size__tile_overlayer_lowered;
	s5 =	simm.s32 $_tile_overlayer_lowered  }
0x9b: {  	s22 =	simm.s32 $0x1BFF;
	s21 =	sshll.u32 s5, $0x1;
	s2 =	sadd.s32 s19, s18  }
0x9c: {  	s6 =	simm.s32 $0x0;
	s20 =	sshll.u32 s4, $0x1;
	s4 =	sadd.s32 s21, s2  }
0x9d: {  	[timem:s6], [sflag:s22] =	dma.local [hbm:s4], s20  }
0x9e: {  	_ =	swait.ge [sflag:s22], s20  }
0x9f: {  	s3 =	ssub.s32 $0x0, s20;
	[sflag:s22] =	ssyncset.done $0x0  }
0xa0: {  	[sflag:s22] =	ssyncadd.s32 s3;
	_ =	sdelay $0x1  }
0xa1: {  	s23 =	simm.s32 $0x1B8B  }
0xa2: {  	_ =	swait.ge [sflag:s23], $0x1  }
0xa3: {  	[sflag:s23] =	ssyncset.done $0x0  }
0xa4: {  	s25 =	simm.s32 $0x1B8E;
	s24 =	sld [smem:$0x3FFE];
	[sflag:s23] =	ssyncadd.s32 $0xFFFFFFFF  }
0xa5: {  	s26 =	simm.s32 $execute0_lowered;
	[smem:$0x3FD2] =	sst s25  }
0xa6: {  	s4 =	sshll.u32 s26, $0x1;
	_ =	strace $0x80000046;
	[dreg:$0x1] =	wrdreg $0xFFFFFFFF  }
0xa7: {  	s28 =	simm.s32 $_size_execute0_lowered;
	s2 =	sadd.s32 s2, s4;
	[dreg:$0x0] =	wrdreg $0x0  }
0xa8: {  	s4 =	sshll.u32 s28, $0x1;
	[dreg:$0x2] =	wrdreg s2  }
0xa9: {  	[dreg:$0x3] =	wrdreg s4  }
0xaa: {  	[dreg:$0x4] =	wrdreg $0xC0  }
0xab: {  	_ =	task [dreg:s6], $0x5FFFF  }
0xac: {  	[dreg:$0x1] =	wrdreg $0xFFFFFFFF  }
0xad: {  	[dreg:$0x0] =	wrdreg $0x60  }
0xae: {  	[dreg:$0x2] =	wrdreg s24  }
0xaf: {  	[dreg:$0x3] =	wrdreg $0x41000  }
0xb0: {  	[dreg:$0x4] =	wrdreg $0xA  }
0xb1: {  	_ =	task.clear_ibuf [dreg:s6], $0x5FFFF;
	_ =	strace $0x90000046  }
0xb2: {  	s29 =	simm.s32 $0xA;
	_ =	strace $0x80000048  }
0xb3: {  	_ =	swait.ge [sflag:s29], $0x1  }
0xb4: {  	[sflag:s29] =	ssyncadd.s32 $0xFFFFFFFF  }
0xb5: {  	_ =	strace $0x90000048  }
0xb6: {  	_ =	sfence  }
0xb7: {  	s30 =	sld [smem:$0x0];
	_ =	sdelay $0x2  }
0xb8: {  	s31 =	sshll.u32 s1, $0xD;
	s1 =	sshrl.u32 s1, $0x2  }
0xb9: {  	s3 =	sand.u32 $0x4000, s31;
	s1 =	sadd.s32 s1, s30  }
0xba: {  	s0 =	sor.u32 s3, s0;
	s1 =	sshll.u32 s1, $0x11  }
0xbb: {  	s0 =	sor.u32 s1, s0  }
0xbc: {  	s0 =	sadd.s32 $0x8F2B, s0  }
0xbd: {  	[sflag:s0] =	ssyncadd.remote.s32 $0x1  }
0xbe: {  	_ =	sfence.sel $0xFFFF  }
0xbf: {  	[dreg:$0x0] =	wrdreg $0xFFFFFFFF;
	(pc) =	sbr.abs _section_cstart, $3  }
0xc0: {  	[dreg:$0x1] =	wrdreg $0xFFFFFFFF  }
0xc1: {  	_ =	task.clear_ibuf [dreg:s6], $0x2FFFF;
	_ =	strace $0x9FFFFFFF  }
0xc2: {  	(tm) =	ssettm $0x7FFFFFFF  }
0xc3: {  	_ =	shalt  }
tec
execute0_lowered:
.L_overlay_start_1:
0x0: {  	(tag) =	ssettag $0x1  }
0x1: {  	s1 =	srdreg.scid;
	s6 =	rddreg [dreg:$0x0]  }
0x2: {  	s0 =	stileid.u32;
	s2 =	rddreg [dreg:$0x1]  }
0x3: {  	s3 =	simm.s32 $0x0;
	s17 =	simm.s32 $0x80;
	s18 =	simm.s32 $0x100  }
0x4: {  	s19 =	simm.s32 $0x1;
	s20 =	simm.s32 $0x0;
	s4 =	smul.u32 $0x1388, s0  }
0x5: {  	s5 =	sand.u32 $0x1, s1;
	s1 =	rddreg [dreg:$0x2];
	s8 =	smul.u32 $0x2780, s0  }
0x6: {  	[smem:$0x7FF] =	sst s3;
	s28 =	sshll.u32 s0, $0x1;
	s10 =	smul.u32 $0x4F000, s0  }
0x7: {  	s11 =	sadd.s32 $0x76600, s6;
	s31 =	smul.u32 $0x13C00, s0;
	s14 =	sadd.s32 $0x128400, s2  }
0x8: {  	p0 =	seq.s32 s0, $0xF;
	s7 =	smul.u32 $0x9C4, s5;
	_ =	strace $0x80000047  }
0x9: {  	s9 =	ssub.s32 $0x2, s5;
	s30 =	smul.u32 $0x138800, s5;
	s16 =	sshll.u32 @!p0 s0, $0x6  }
0xa: {  	s26 =	sadd.s32 s8, s6;
	s8 =	sor.u32 s5, s28;
	s13 =	sshrl.u32 s9, $0x1  }
0xb: {  	s29 =	sshrl.u32 s10, $0x2;
	s7 =	sadd.s32 s7, s4;
	s4 =	sadd.s32 $0x27600, s6  }
0xc: {  	s8 =	smul.u32 $0x9C4, s8;
	s13 =	ssub.s32 s9, s13;
	s15 =	sadd.s32 s29, s2  }
0xd: {  	s5 =	sadd.s32 $0x4F400, s26;
	s9 =	sadd.s32 s31, s30;
	s10 =	sshrl.u32 s30, $0x3  }
0xe: {  	s7 =	sand.u32 $0x3FFE0, s7;
	s9 =	sshrl.u32 s9, $0x3;
	s10 =	sadd.s32 s11, s10  }
.Ltmp0:
0xf: {  	s15 =	sshrl.u32 @!p0 s15, $0x3;
	s12 =	sadd.s32 s7, s6;
	(pc) =	sbr.rel .LBB2_1-.Ltmp0, $4  }
0x10: {  	s6 =	sadd.s32 $0x74480, s6;
	s7 =	sshrl.u32 s8, $0x5;
	s8 =	sadd.s32 $0x9C4, s8  }
0x11: {  	s9 =	sadd.s32 s11, s9;
	s10 =	sadd.s32 $0x25080, s10;
	s11 =	smax.u32 s13, $0x1  }
0x12: {  	s13 =	sshrl.u32 @p0 s14, $0x3;
	s14 =	sor.u32 @!p0 $0x1C02, s16;
	s8 =	sshrl.u32 s8, $0x5  }
0x13: {  	s16 =	simm.s32 $0x2;
	s12 =	sadd.s32 $0x13C00, s12;
	p1 =	sge.u32 s7, s8  }
.LBB2_4:
0x14: {  	[sflag:s16] =	ssyncadd.s32 $0xFFFFC000  }
.LBB2_5:
0x15: {  	[bflag:$0x0] =	sbarrier.arrive $0xFFFF  }
0x16: {  	[hbm:s10], [sflag:s23] =	dma.local @p0 [spmem:s13], $0x2080  }
0x17: {  	s20 =	sadd.s32 $0x1, s20;
	_ =	swait.ge @p0 [sflag:s22], $0x2080  }
0x18: {  	p2 =	sne.s32 s20, s11;
	[sflag:s22] =	ssyncset.done @p0 $0x0  }
.Ltmp1:
0x19: {  	[sflag:s22] =	ssyncadd.s32 @p0 $0xFFFFDF80;
	(pc) =	sbr.rel @!p2 .LBB2_6-.Ltmp1, $4  }
0x1a: {  	[hbm:s9], [sflag:s14] =	dma.local @!p0 [spmem:s15], $0x2780  }
0x1b: {  	_ =	swait.ge @!p0 [sflag:s21], $0x2780  }
0x1c: {  	[sflag:s21] =	ssyncset.done @!p0 $0x0  }
0x1d: {  	[sflag:s21] =	ssyncadd.s32 @!p0 $0xFFFFD880  }
.LBB2_1:
0x1e: {  	s23 =	simm.s32 @p0 $0x1FC2;
	s22 =	simm.s32 @p0 $0x2  }
0x1f: {  	[spmem:s13], [sflag:s23] =	dma.local @p0 [hbm:s6], $0x2080  }
0x20: {  	_ =	swait.ge @p0 [sflag:s22], $0x2080  }
0x21: {  	[sflag:s22] =	ssyncset.done @p0 $0x0  }
0x22: {  	s21 =	simm.s32 @!p0 $0x2;
	[sflag:s22] =	ssyncadd.s32 @p0 $0xFFFFDF80  }
0x23: {  	[spmem:s15], [sflag:s14] =	dma.local @!p0 [hbm:s5], $0x2780  }
.Ltmp2:
0x24: {  	_ =	swait.ge @!p0 [sflag:s21], $0x2780;
	(pc) =	sbr.rel @p1 .LBB2_5-.Ltmp2, $3  }
0x25: {  	[sflag:s21] =	ssyncset.done @!p0 $0x0  }
0x26: {  	[sflag:s21] =	ssyncadd.s32 @!p0 $0xFFFFD880  }
0x27: {  	[bflag:$0x0] =	sbarrier.arrive $0xFFFF;
	_ =	sdelay $0x1  }
0x28: {  	[tilespmem:s3], [sflag:$0x2] =	stream.linear.gather [hbm4b:s12+s3], $0x100, $0x38;
	[tilespmem:$0x17980] =	vst v63  }
0x29: {  	_ =	swait.ge [sflag:s16], $0x100  }
0x2a: {  	[sflag:s16] =	ssyncset.done $0x0  }
0x2b: {  	s24 =	sadd.s32 $0x1, s7;
	[sflag:s16] =	ssyncadd.s32 $0xFFFFFF00  }
0x2c: {  	[tilespmem:s18], [sflag:$0x1] =	stream.indirect.gather [hbm4b:s4+s17], $0x80, s3, s17, $0xb8;
	[tilespmem:$0x17980] =	vst v63  }
0x2d: {  	p2 =	slt.u32 s24, s8;
	_ =	swait.ge [sflag:s19], $0x4000  }
.Ltmp3:
0x2e: {  	[sflag:s19] =	ssyncset.done $0x0;
	(pc) =	sbr.rel @!p2 .LBB2_4-.Ltmp3, $4  }
0x2f: {  	[sflag:s19] =	ssyncadd.s32 $0xFFFFC000  }
0x30: {  	[spmem:s2] =	stream.indirect.scatter.add.f32 [tilespmem:s18], [sflag:$0x2], $0x80, s17, s17, $0xb8;
	[tilespmem:$0x17980] =	vst v63  }
0x31: {  	_ =	swait.ge [sflag:s16], $0x4000  }
0x32: {  	s25 =	smov.u32 s12;
	[sflag:s16] =	ssyncset.done $0x0  }
.LBB2_3:
0x33: {  	s24 =	sadd.s32 $0x1, s24;
	[sflag:s16] =	ssyncadd.s32 $0xFFFFC000;
	s25 =	sadd.s32 $0x20, s25  }
0x34: {  	[tilespmem:s3], [sflag:$0x2] =	stream.linear.gather [hbm4b:s25+s3], $0x100, $0x38;
	[tilespmem:$0x17980] =	vst v63  }
0x35: {  	p2 =	slt.u32 s24, s8;
	_ =	swait.ge [sflag:s16], $0x100  }
0x36: {  	[sflag:s16] =	ssyncset.done $0x0  }
0x37: {  	[sflag:s16] =	ssyncadd.s32 $0xFFFFFF00  }
0x38: {  	[tilespmem:s18], [sflag:$0x1] =	stream.indirect.gather [hbm4b:s4+s17], $0x80, s3, s17, $0xb8;
	[tilespmem:$0x17980] =	vst v63  }
0x39: {  	_ =	swait.ge [sflag:s19], $0x4000  }
.Ltmp4:
0x3a: {  	[sflag:s19] =	ssyncset.done $0x0;
	(pc) =	sbr.rel @p2 .LBB2_3-.Ltmp4, $4  }
0x3b: {  	[sflag:s19] =	ssyncadd.s32 $0xFFFFC000  }
0x3c: {  	[spmem:s2] =	stream.indirect.scatter.add.f32 [tilespmem:s18], [sflag:$0x2], $0x80, s17, s17, $0xb8;
	[tilespmem:$0x17980] =	vst v63  }
0x3d: {  	_ =	swait.ge [sflag:s16], $0x4000  }
0x3e: {  	[sflag:s16] =	ssyncset.done $0x0  }
.Ltmp5:
0x3f: {  	_ = 	snop;
	(pc) =	sbr.rel .LBB2_4-.Ltmp5, $1  }
0x40: {  	_ =	sdelay $0x3  }
.LBB2_6:
0x41: {  	_ =	sfence.sel $0x180000  }
0x42: {  	[bflag:$0x0] =	sbarrier.arrive $0xFFFF  }
0x43: {  	p0 =	sne.s32 s0, $0x0;
	_ =	strace $0x90000047  }
0x44: {  	s0 =	sadd.s32 @!p0 $0x100000, s1;
	[bflag:$0x2] =	sbarrier.arrive $0xFFFF  }
0x45: {  	[sflag:s0] =	ssyncadd.tile.s32 @!p0 $0x1;
	_ =	shalt  }
.Lfunc_end2:
_tile_overlayer_lowered:
.L_overlay_start_2:
0x46: {  	(tag) =	ssettag $0x2  }
0x47: {  	s0 =	rddreg [dreg:$0x0];
	s2 =	stileid.u32  }
0x48: {  	s1 =	rddreg [dreg:$0x1];
	p0 =	sne.s32 s2, $0x0  }
0x49: {  	s3 =	rddreg [dreg:$0x2];
	[bflag:$0x3] =	sbarrier.arrive $0xFFFF;
	s2 =	simm.s32 @!p0 $0x1C02  }
0x4a: {  	[timem:s3], [sflag:s2] =	dma.local @!p0 [hbm:s0], s1  }
0x4b: {  	s0 =	simm.s32 @!p0 $0x2  }
0x4c: {  	_ =	swait.ge @!p0 [sflag:s0], s1  }
0x4d: {  	s1 =	ssub.s32 @!p0 $0x0, s1;
	[sflag:s0] =	ssyncset.done @!p0 $0x0  }
0x4e: {  	[sflag:s0] =	ssyncadd.s32 @!p0 s1  }
0x4f: {  	[bflag:$0x3] =	sbarrier.arrive $0xFFFF  }
0x50: {  	_ =	shalt  }

// kernel: kernel.19.cloned.1.call-start
scs
__scs_entry_jumppad:
0x0: {  	(pc) =	sbr.rel $0x88, $3  }
0x1: {  	(tag) =	ssettag $0x0;
	lr =	simm.s32 $0x1  }
0x2: {  	[smem:$0x3F87] =	sst lr;
	_ =	strace $0xD0000000  }
0x3: {  	_ = 	snop  }
0x4: {  	_ = 	snop  }
0x5: {  	_ = 	snop  }
0x6: {  	_ = 	snop  }
0x7: {  	_ = 	snop  }
__scs_overlays_trampoline_lowered:
0x8: {  	[smem:$0x3F96] =	sst s0  }
0x9: {  	[smem:$0x3F97] =	sst s1  }
0xa: {  	[smem:$0x3F98] =	sst s2  }
0xb: {  	[smem:$0x3F99] =	sst s3  }
0xc: {  	[smem:$0x3F9A] =	sst s4  }
0xd: {  	[smem:$0x3F9B] =	sst s5  }
0xe: {  	[smem:$0x3F9C] =	sst s6  }
0xf: {  	[smem:$0x3F9D] =	sst s7  }
0x10: {  	[smem:$0x3F9E] =	sst s8  }
0x11: {  	[smem:$0x3F9F] =	sst s9;
	s0 =	simm.s32 @!p0 $0x0  }
0x12: {  	s1 =	sld [smem:$0x3F85];
	s0 =	simm.s32 @p0 $0x1  }
0x13: {  	[smem:$0x3FA0] =	sst s0;
	s0 =	simm.s32 @!p1 $0x0  }
0x14: {  	s2 =	sld [smem:$0x3F84];
	s0 =	simm.s32 @p1 $0x1  }
0x15: {  	[smem:$0x3FA1] =	sst s0;
	s0 =	simm.s32 @!p2 $0x0  }
0x16: {  	s3 =	sld [smem:$0x3FDB];
	s0 =	simm.s32 @p2 $0x1  }
0x17: {  	s4 =	simm.s32 $0x1BF5;
	[smem:$0x3FA3] =	sst s0  }
0x18: {  	s0 =	sld [smem:$0x3F86];
	_ =	swait.ge [sflag:s4], $0x0  }
0x19: {  	s7 =	sld [smem:$0x3F87]  }
0x1a: {  	s8 =	sadd.s32 $0xFFFFE003, lr  }
0x1b: {  	s9 =	sadd.s32 $0xFFFFFEF7, lr;
	s5 =	simm.s32 $0xFFFFFFFF;
	p2 =	slt.u32 s8, $0xFFFFF086  }
0x1c: {  	p1 =	slt.u32 s9, $0xF7A;
	s5 =	simm.s32 @!p2 $0x0  }
0x1d: {  	s5 =	simm.s32 @p1 $0x1;
	p0 =	seq.s32 s7, s2  }
0x1e: {  	s7 =	smul.u32 @!p0 $0xF7A, s2;
	p2 =	seq.s32 @!p0 s5, $0x0  }
0x1f: {  	s9 =	smul.u32 $0xF7A, s1;
	s8 =	simm.s32 @!p0 $0x1BF5;
	p2 =	por !p2, p0  }
0x20: {  	[sflag:s8] =	ssyncset.s32 @!p0 $0xFFFFF086;
	s6 =	sadd.s32 @!p0 s3, s7;
	s7 =	simm.s32 @!p0 $0x108  }
0x21: {  	s3 =	sadd.s32 s3, s9;
	s6 =	sadd.s32 @!p0 $0x88, s6;
	s7 =	simm.s32 @p2 $0x1082  }
0x22: {  	[simem:s7], [sflag:s8] =	dma.local @!p0 [hbm:s6], $0xF7A  }
0x23: {  	s9 =	sor.u32 $0xD0000000, s2;
	s6 =	simm.s32 $0x108;
	_ =	swait.ge @!p0 [sflag:s8], $0x0  }
0x24: {  	s3 =	sadd.s32 $0x88, s3;
	s6 =	simm.s32 @!p1 $0x1082;
	[sflag:s4] =	ssyncset.s32 $0xFFFFF086  }
0x25: {  	[simem:s6], [sflag:s4] =	dma.local [hbm:s3], $0xF7A  }
0x26: {  	[smem:$0x3F87] =	sst s1;
	(tag) =	ssettag s2;
	_ =	strace s9  }
0x27: {  	s1 =	sld [smem:$0x3F97]  }
0x28: {  	s2 =	sld [smem:$0x3F98]  }
0x29: {  	s4 =	sld [smem:$0x3F9A]  }
0x2a: {  	p0 =	seq.s32 s5, $0x0;
	s5 =	sld [smem:$0x3F9B]  }
0x2b: {  	s6 =	sld [smem:$0x3F9C]  }
0x2c: {  	s7 =	sld [smem:$0x3F9D]  }
0x2d: {  	s3 =	simm.s32 $0x108;
	s8 =	sld [smem:$0x3F9E]  }
0x2e: {  	s3 =	simm.s32 @!p0 $0x1082;
	s9 =	sld [smem:$0x3F9F]  }
0x2f: {  	lr =	sadd.s32 s0, s3;
	s0 =	sld [smem:$0x3F96]  }
0x30: {  	s3 =	sld [smem:$0x3F99]  }
0x31: {  	[smem:$0x3FA2] =	sst s10  }
0x32: {  	s10 =	sld [smem:$0x3FA0];
	_ =	sdelay $0x3  }
0x33: {  	p0 =	seq.s32 s10, $0x1;
	s10 =	sld [smem:$0x3FA2];
	_ =	sdelay $0x3  }
0x34: {  	[smem:$0x3FA2] =	sst s10  }
0x35: {  	s10 =	sld [smem:$0x3FA1];
	_ =	sdelay $0x3  }
0x36: {  	p1 =	seq.s32 s10, $0x1;
	s10 =	sld [smem:$0x3FA2];
	_ =	sdelay $0x3  }
0x37: {  	[smem:$0x3FA2] =	sst s10  }
0x38: {  	s10 =	sld [smem:$0x3FA3]  }
0x39: {  	_ = 	snop;
	(pc) =	sbr.ind lr, $3  }
0x3a: {  	_ = 	snop  }
0x3b: {  	_ = 	snop  }
0x3c: {  	p2 =	seq.s32 s10, $0x1;
	s10 =	sld [smem:$0x3FA2]  }
0x3d: {  	_ =	shalt  }
0x3e: {  	_ =	shalt  }
0x3f: {  	_ =	shalt  }
0x40: {  	_ =	shalt  }
0x41: {  	_ =	shalt  }
0x42: {  	_ =	shalt  }
0x43: {  	_ =	shalt  }
0x44: {  	_ =	shalt  }
0x45: {  	_ =	shalt  }
0x46: {  	_ =	shalt  }
0x47: {  	_ =	shalt  }
0x48: {  	_ =	shalt  }
0x49: {  	_ =	shalt  }
0x4a: {  	_ =	shalt  }
0x4b: {  	_ =	shalt  }
0x4c: {  	_ =	shalt  }
0x4d: {  	_ =	shalt  }
0x4e: {  	_ =	shalt  }
0x4f: {  	_ =	shalt  }
0x50: {  	_ =	shalt  }
0x51: {  	_ =	shalt  }
0x52: {  	_ =	shalt  }
0x53: {  	_ =	shalt  }
0x54: {  	_ =	shalt  }
0x55: {  	_ =	shalt  }
0x56: {  	_ =	shalt  }
0x57: {  	_ =	shalt  }
0x58: {  	_ =	shalt  }
0x59: {  	_ =	shalt  }
0x5a: {  	_ =	shalt  }
0x5b: {  	_ =	shalt  }
0x5c: {  	_ =	shalt  }
0x5d: {  	_ =	shalt  }
0x5e: {  	_ =	shalt  }
0x5f: {  	_ =	shalt  }
0x60: {  	_ =	shalt  }
0x61: {  	_ =	shalt  }
0x62: {  	_ =	shalt  }
0x63: {  	_ =	shalt  }
0x64: {  	_ =	shalt  }
0x65: {  	_ =	shalt  }
0x66: {  	_ =	shalt  }
0x67: {  	_ =	shalt  }
0x68: {  	_ =	shalt  }
0x69: {  	_ =	shalt  }
0x6a: {  	_ =	shalt  }
0x6b: {  	_ =	shalt  }
0x6c: {  	_ =	shalt  }
0x6d: {  	_ =	shalt  }
0x6e: {  	_ =	shalt  }
0x6f: {  	_ =	shalt  }
0x70: {  	_ =	shalt  }
0x71: {  	_ =	shalt  }
0x72: {  	_ =	shalt  }
0x73: {  	_ =	shalt  }
0x74: {  	_ =	shalt  }
0x75: {  	_ =	shalt  }
0x76: {  	_ =	shalt  }
0x77: {  	_ =	shalt  }
0x78: {  	_ =	shalt  }
0x79: {  	_ =	shalt  }
0x7a: {  	_ =	shalt  }
0x7b: {  	_ =	shalt  }
0x7c: {  	_ =	shalt  }
0x7d: {  	_ =	shalt  }
0x7e: {  	_ =	shalt  }
0x7f: {  	_ =	shalt  }
0x80: {  	_ =	shalt  }
0x81: {  	_ =	shalt  }
0x82: {  	_ =	shalt  }
0x83: {  	_ =	shalt  }
0x84: {  	_ =	shalt  }
0x85: {  	_ =	shalt  }
0x86: {  	_ =	shalt  }
0x87: {  	_ =	shalt  }
.Lfunc_end0:
.L_simem_size_0:
called_computation.2_lowered:
.L_overlay_start_0:
0x88: {  	s2 =	sld [smem:$0x3FD9]  }
0x89: {  	s3 =	sld [smem:$0x3FFE];
	_ =	sdelay $0x1  }
0x8a: {  	s1 =	srdreg.scid  }
0x8b: {  	s0 =	sand.u32 $0x1, s1  }
0x8c: {  	s16 =	sshll.u32 s0, $0xA;
	s2 =	sadd.s32 s3, s2  }
0x8d: {  	s2 =	sadd.s32 s2, s16  }
0x8e: {  	[smem:$0x3FAE] =	sst s2  }
0x8f: {  	_ = 	snop  }
0x90: {  	(tm) =	ssettm $0x1  }
0x91: {  	s17 =	sld [smem:$0x3FFB];
	_ =	sdelay $0x3  }
0x92: {  	_ =	strace s17  }
0x93: {  	s2 =	sld [smem:$0x3FFC];
	_ =	sdelay $0x3  }
0x94: {  	_ =	strace s2  }
0x95: {  	s2 =	sld [smem:$0x3FFD];
	_ =	sdelay $0x3  }
0x96: {  	_ =	strace s2  }
0x97: {  	_ =	strace $0x8FFFFFFF  }
0x98: {  	s18 =	sld [smem:$0x3FDB];
	_ =	sdelay $0x1  }
0x99: {  	s19 =	simm.s32 $_scs_section_size  }
0x9a: {  	s4 =	simm.s32 $_size__tile_overlayer_lowered;
	s5 =	simm.s32 $_tile_overlayer_lowered  }
0x9b: {  	s22 =	simm.s32 $0x1BFF;
	s21 =	sshll.u32 s5, $0x1;
	s2 =	sadd.s32 s19, s18  }
0x9c: {  	s6 =	simm.s32 $0x0;
	s20 =	sshll.u32 s4, $0x1;
	s4 =	sadd.s32 s21, s2  }
0x9d: {  	[timem:s6], [sflag:s22] =	dma.local [hbm:s4], s20  }
0x9e: {  	_ =	swait.ge [sflag:s22], s20  }
0x9f: {  	s3 =	ssub.s32 $0x0, s20;
	[sflag:s22] =	ssyncset.done $0x0  }
0xa0: {  	[sflag:s22] =	ssyncadd.s32 s3;
	_ =	sdelay $0x1  }
0xa1: {  	s23 =	simm.s32 $0x1B8B  }
0xa2: {  	_ =	swait.ge [sflag:s23], $0x1  }
0xa3: {  	[sflag:s23] =	ssyncset.done $0x0  }
0xa4: {  	s25 =	simm.s32 $0x1B8E;
	s24 =	sld [smem:$0x3FFE];
	[sflag:s23] =	ssyncadd.s32 $0xFFFFFFFF  }
0xa5: {  	s26 =	simm.s32 $execute0_lowered;
	[smem:$0x3FD2] =	sst s25  }
0xa6: {  	s4 =	sshll.u32 s26, $0x1;
	_ =	strace $0x8000004C;
	[dreg:$0x1] =	wrdreg $0xFFFFFFFF  }
0xa7: {  	s28 =	simm.s32 $_size_execute0_lowered;
	s2 =	sadd.s32 s2, s4;
	[dreg:$0x0] =	wrdreg $0x0  }
0xa8: {  	s4 =	sshll.u32 s28, $0x1;
	[dreg:$0x2] =	wrdreg s2  }
0xa9: {  	[dreg:$0x3] =	wrdreg s4  }
0xaa: {  	[dreg:$0x4] =	wrdreg $0xC0  }
0xab: {  	_ =	task [dreg:s6], $0x5FFFF  }
0xac: {  	[dreg:$0x1] =	wrdreg $0xFFFFFFFF  }
0xad: {  	[dreg:$0x0] =	wrdreg $0x60  }
0xae: {  	[dreg:$0x2] =	wrdreg s24  }
0xaf: {  	[dreg:$0x3] =	wrdreg $0x41000  }
0xb0: {  	[dreg:$0x4] =	wrdreg $0x9  }
0xb1: {  	_ =	task.clear_ibuf [dreg:s6], $0x5FFFF;
	_ =	strace $0x9000004C  }
0xb2: {  	s29 =	simm.s32 $0x9;
	_ =	strace $0x8000004E  }
0xb3: {  	_ =	swait.ge [sflag:s29], $0x1  }
0xb4: {  	[sflag:s29] =	ssyncadd.s32 $0xFFFFFFFF  }
0xb5: {  	_ =	strace $0x9000004E  }
0xb6: {  	_ =	sfence  }
0xb7: {  	s30 =	sld [smem:$0x0];
	_ =	sdelay $0x2  }
0xb8: {  	s31 =	sshll.u32 s1, $0xD;
	s1 =	sshrl.u32 s1, $0x2  }
0xb9: {  	s3 =	sand.u32 $0x4000, s31;
	s1 =	sadd.s32 s1, s30  }
0xba: {  	s0 =	sor.u32 s3, s0;
	s1 =	sshll.u32 s1, $0x11  }
0xbb: {  	s0 =	sor.u32 s1, s0  }
0xbc: {  	s0 =	sadd.s32 $0x8F2B, s0  }
0xbd: {  	[sflag:s0] =	ssyncadd.remote.s32 $0x1  }
0xbe: {  	_ =	sfence.sel $0xFFFF  }
0xbf: {  	[dreg:$0x0] =	wrdreg $0xFFFFFFFF;
	(pc) =	sbr.abs _section_cstart, $3  }
0xc0: {  	[dreg:$0x1] =	wrdreg $0xFFFFFFFF  }
0xc1: {  	_ =	task.clear_ibuf [dreg:s6], $0x2FFFF;
	_ =	strace $0x9FFFFFFF  }
0xc2: {  	(tm) =	ssettm $0x7FFFFFFF  }
0xc3: {  	_ =	shalt  }
tec
execute0_lowered:
.L_overlay_start_1:
0x0: {  	(tag) =	ssettag $0x1  }
0x1: {  	s1 =	srdreg.scid;
	s6 =	rddreg [dreg:$0x0]  }
0x2: {  	s0 =	stileid.u32;
	s2 =	rddreg [dreg:$0x1]  }
0x3: {  	s3 =	simm.s32 $0x0;
	s17 =	simm.s32 $0x80;
	s18 =	simm.s32 $0x100  }
0x4: {  	s19 =	simm.s32 $0x1;
	s20 =	simm.s32 $0x0;
	s4 =	smul.u32 $0x1388, s0  }
0x5: {  	s5 =	sand.u32 $0x1, s1;
	s1 =	rddreg [dreg:$0x2];
	s8 =	smul.u32 $0x2780, s0  }
0x6: {  	[smem:$0x7FF] =	sst s3;
	s28 =	sshll.u32 s0, $0x1;
	s10 =	smul.u32 $0x4F000, s0  }
0x7: {  	s11 =	sadd.s32 $0x76600, s6;
	s31 =	smul.u32 $0x13C00, s0;
	s14 =	sadd.s32 $0x128400, s2  }
0x8: {  	p0 =	seq.s32 s0, $0xF;
	s7 =	smul.u32 $0x9C4, s5;
	_ =	strace $0x8000004D  }
0x9: {  	s9 =	ssub.s32 $0x2, s5;
	s30 =	smul.u32 $0x138800, s5;
	s16 =	sshll.u32 @!p0 s0, $0x6  }
0xa: {  	s26 =	sadd.s32 s8, s6;
	s8 =	sor.u32 s5, s28;
	s13 =	sshrl.u32 s9, $0x1  }
0xb: {  	s29 =	sshrl.u32 s10, $0x2;
	s7 =	sadd.s32 s7, s4;
	s4 =	sadd.s32 $0x27600, s6  }
0xc: {  	s8 =	smul.u32 $0x9C4, s8;
	s13 =	ssub.s32 s9, s13;
	s15 =	sadd.s32 s29, s2  }
0xd: {  	s5 =	sadd.s32 $0x4F400, s26;
	s9 =	sadd.s32 s31, s30;
	s10 =	sshrl.u32 s30, $0x3  }
0xe: {  	s7 =	sand.u32 $0x3FFE0, s7;
	s9 =	sshrl.u32 s9, $0x3;
	s10 =	sadd.s32 s11, s10  }
.Ltmp0:
0xf: {  	s15 =	sshrl.u32 @!p0 s15, $0x3;
	s12 =	sadd.s32 s7, s6;
	(pc) =	sbr.rel .LBB2_1-.Ltmp0, $4  }
0x10: {  	s6 =	sadd.s32 $0x74480, s6;
	s7 =	sshrl.u32 s8, $0x5;
	s8 =	sadd.s32 $0x9C4, s8  }
0x11: {  	s9 =	sadd.s32 s11, s9;
	s10 =	sadd.s32 $0x25080, s10;
	s11 =	smax.u32 s13, $0x1  }
0x12: {  	s13 =	sshrl.u32 @p0 s14, $0x3;
	s14 =	sor.u32 @!p0 $0x1C02, s16;
	s8 =	sshrl.u32 s8, $0x5  }
0x13: {  	s16 =	simm.s32 $0x2;
	s12 =	sadd.s32 $0x13C00, s12;
	p1 =	sge.u32 s7, s8  }
.LBB2_4:
0x14: {  	[sflag:s16] =	ssyncadd.s32 $0xFFFFC000  }
.LBB2_5:
0x15: {  	[bflag:$0x0] =	sbarrier.arrive $0xFFFF  }
0x16: {  	[hbm:s10], [sflag:s23] =	dma.local @p0 [spmem:s13], $0x2080  }
0x17: {  	s20 =	sadd.s32 $0x1, s20;
	_ =	swait.ge @p0 [sflag:s22], $0x2080  }
0x18: {  	p2 =	sne.s32 s20, s11;
	[sflag:s22] =	ssyncset.done @p0 $0x0  }
.Ltmp1:
0x19: {  	[sflag:s22] =	ssyncadd.s32 @p0 $0xFFFFDF80;
	(pc) =	sbr.rel @!p2 .LBB2_6-.Ltmp1, $4  }
0x1a: {  	[hbm:s9], [sflag:s14] =	dma.local @!p0 [spmem:s15], $0x2780  }
0x1b: {  	_ =	swait.ge @!p0 [sflag:s21], $0x2780  }
0x1c: {  	[sflag:s21] =	ssyncset.done @!p0 $0x0  }
0x1d: {  	[sflag:s21] =	ssyncadd.s32 @!p0 $0xFFFFD880  }
.LBB2_1:
0x1e: {  	s23 =	simm.s32 @p0 $0x1FC2;
	s22 =	simm.s32 @p0 $0x2  }
0x1f: {  	[spmem:s13], [sflag:s23] =	dma.local @p0 [hbm:s6], $0x2080  }
0x20: {  	_ =	swait.ge @p0 [sflag:s22], $0x2080  }
0x21: {  	[sflag:s22] =	ssyncset.done @p0 $0x0  }
0x22: {  	s21 =	simm.s32 @!p0 $0x2;
	[sflag:s22] =	ssyncadd.s32 @p0 $0xFFFFDF80  }
0x23: {  	[spmem:s15], [sflag:s14] =	dma.local @!p0 [hbm:s5], $0x2780  }
.Ltmp2:
0x24: {  	_ =	swait.ge @!p0 [sflag:s21], $0x2780;
	(pc) =	sbr.rel @p1 .LBB2_5-.Ltmp2, $3  }
0x25: {  	[sflag:s21] =	ssyncset.done @!p0 $0x0  }
0x26: {  	[sflag:s21] =	ssyncadd.s32 @!p0 $0xFFFFD880  }
0x27: {  	[bflag:$0x0] =	sbarrier.arrive $0xFFFF;
	_ =	sdelay $0x1  }
0x28: {  	[tilespmem:s3], [sflag:$0x2] =	stream.linear.gather [hbm4b:s12+s3], $0x100, $0x38;
	[tilespmem:$0x17980] =	vst v63  }
0x29: {  	_ =	swait.ge [sflag:s16], $0x100  }
0x2a: {  	[sflag:s16] =	ssyncset.done $0x0  }
0x2b: {  	s24 =	sadd.s32 $0x1, s7;
	[sflag:s16] =	ssyncadd.s32 $0xFFFFFF00  }
0x2c: {  	[tilespmem:s18], [sflag:$0x1] =	stream.indirect.gather [hbm4b:s4+s17], $0x80, s3, s17, $0xb8;
	[tilespmem:$0x17980] =	vst v63  }
0x2d: {  	p2 =	slt.u32 s24, s8;
	_ =	swait.ge [sflag:s19], $0x4000  }
.Ltmp3:
0x2e: {  	[sflag:s19] =	ssyncset.done $0x0;
	(pc) =	sbr.rel @!p2 .LBB2_4-.Ltmp3, $4  }
0x2f: {  	[sflag:s19] =	ssyncadd.s32 $0xFFFFC000  }
0x30: {  	[spmem:s2] =	stream.indirect.scatter.add.f32 [tilespmem:s18], [sflag:$0x2], $0x80, s17, s17, $0xb8;
	[tilespmem:$0x17980] =	vst v63  }
0x31: {  	_ =	swait.ge [sflag:s16], $0x4000  }
0x32: {  	s25 =	smov.u32 s12;
	[sflag:s16] =	ssyncset.done $0x0  }
.LBB2_3:
0x33: {  	s24 =	sadd.s32 $0x1, s24;
	[sflag:s16] =	ssyncadd.s32 $0xFFFFC000;
	s25 =	sadd.s32 $0x20, s25  }
0x34: {  	[tilespmem:s3], [sflag:$0x2] =	stream.linear.gather [hbm4b:s25+s3], $0x100, $0x38;
	[tilespmem:$0x17980] =	vst v63  }
0x35: {  	p2 =	slt.u32 s24, s8;
	_ =	swait.ge [sflag:s16], $0x100  }
0x36: {  	[sflag:s16] =	ssyncset.done $0x0  }
0x37: {  	[sflag:s16] =	ssyncadd.s32 $0xFFFFFF00  }
0x38: {  	[tilespmem:s18], [sflag:$0x1] =	stream.indirect.gather [hbm4b:s4+s17], $0x80, s3, s17, $0xb8;
	[tilespmem:$0x17980] =	vst v63  }
0x39: {  	_ =	swait.ge [sflag:s19], $0x4000  }
.Ltmp4:
0x3a: {  	[sflag:s19] =	ssyncset.done $0x0;
	(pc) =	sbr.rel @p2 .LBB2_3-.Ltmp4, $4  }
0x3b: {  	[sflag:s19] =	ssyncadd.s32 $0xFFFFC000  }
0x3c: {  	[spmem:s2] =	stream.indirect.scatter.add.f32 [tilespmem:s18], [sflag:$0x2], $0x80, s17, s17, $0xb8;
	[tilespmem:$0x17980] =	vst v63  }
0x3d: {  	_ =	swait.ge [sflag:s16], $0x4000  }
0x3e: {  	[sflag:s16] =	ssyncset.done $0x0  }
.Ltmp5:
0x3f: {  	_ = 	snop;
	(pc) =	sbr.rel .LBB2_4-.Ltmp5, $1  }
0x40: {  	_ =	sdelay $0x3  }
.LBB2_6:
0x41: {  	_ =	sfence.sel $0x180000  }
0x42: {  	[bflag:$0x0] =	sbarrier.arrive $0xFFFF  }
0x43: {  	p0 =	sne.s32 s0, $0x0;
	_ =	strace $0x9000004D  }
0x44: {  	s0 =	sadd.s32 @!p0 $0x100000, s1;
	[bflag:$0x2] =	sbarrier.arrive $0xFFFF  }
0x45: {  	[sflag:s0] =	ssyncadd.tile.s32 @!p0 $0x1;
	_ =	shalt  }
.Lfunc_end2:
_tile_overlayer_lowered:
.L_overlay_start_2:
0x46: {  	(tag) =	ssettag $0x2  }
0x47: {  	s0 =	rddreg [dreg:$0x0];
	s2 =	stileid.u32  }
0x48: {  	s1 =	rddreg [dreg:$0x1];
	p0 =	sne.s32 s2, $0x0  }
0x49: {  	s3 =	rddreg [dreg:$0x2];
	[bflag:$0x3] =	sbarrier.arrive $0xFFFF;
	s2 =	simm.s32 @!p0 $0x1C02  }
0x4a: {  	[timem:s3], [sflag:s2] =	dma.local @!p0 [hbm:s0], s1  }
0x4b: {  	s0 =	simm.s32 @!p0 $0x2  }
0x4c: {  	_ =	swait.ge @!p0 [sflag:s0], s1  }
0x4d: {  	s1 =	ssub.s32 @!p0 $0x0, s1;
	[sflag:s0] =	ssyncset.done @!p0 $0x0  }
0x4e: {  	[sflag:s0] =	ssyncadd.s32 @!p0 s1  }
0x4f: {  	[bflag:$0x3] =	sbarrier.arrive $0xFFFF  }
0x50: {  	_ =	shalt  }

// kernel: kernel.22.cloned.1.call-start
scs
__scs_entry_jumppad:
0x0: {  	(pc) =	sbr.rel $0x88, $3  }
0x1: {  	(tag) =	ssettag $0x0;
	lr =	simm.s32 $0x1  }
0x2: {  	[smem:$0x3F87] =	sst lr;
	_ =	strace $0xD0000000  }
0x3: {  	_ = 	snop  }
0x4: {  	_ = 	snop  }
0x5: {  	_ = 	snop  }
0x6: {  	_ = 	snop  }
0x7: {  	_ = 	snop  }
__scs_overlays_trampoline_lowered:
0x8: {  	[smem:$0x3F96] =	sst s0  }
0x9: {  	[smem:$0x3F97] =	sst s1  }
0xa: {  	[smem:$0x3F98] =	sst s2  }
0xb: {  	[smem:$0x3F99] =	sst s3  }
0xc: {  	[smem:$0x3F9A] =	sst s4  }
0xd: {  	[smem:$0x3F9B] =	sst s5  }
0xe: {  	[smem:$0x3F9C] =	sst s6  }
0xf: {  	[smem:$0x3F9D] =	sst s7  }
0x10: {  	[smem:$0x3F9E] =	sst s8  }
0x11: {  	[smem:$0x3F9F] =	sst s9;
	s0 =	simm.s32 @!p0 $0x0  }
0x12: {  	s1 =	sld [smem:$0x3F85];
	s0 =	simm.s32 @p0 $0x1  }
0x13: {  	[smem:$0x3FA0] =	sst s0;
	s0 =	simm.s32 @!p1 $0x0  }
0x14: {  	s2 =	sld [smem:$0x3F84];
	s0 =	simm.s32 @p1 $0x1  }
0x15: {  	[smem:$0x3FA1] =	sst s0;
	s0 =	simm.s32 @!p2 $0x0  }
0x16: {  	s3 =	sld [smem:$0x3FDB];
	s0 =	simm.s32 @p2 $0x1  }
0x17: {  	s4 =	simm.s32 $0x1BF5;
	[smem:$0x3FA3] =	sst s0  }
0x18: {  	s0 =	sld [smem:$0x3F86];
	_ =	swait.ge [sflag:s4], $0x0  }
0x19: {  	s7 =	sld [smem:$0x3F87]  }
0x1a: {  	s8 =	sadd.s32 $0xFFFFE003, lr  }
0x1b: {  	s9 =	sadd.s32 $0xFFFFFEF7, lr;
	s5 =	simm.s32 $0xFFFFFFFF;
	p2 =	slt.u32 s8, $0xFFFFF086  }
0x1c: {  	p1 =	slt.u32 s9, $0xF7A;
	s5 =	simm.s32 @!p2 $0x0  }
0x1d: {  	s5 =	simm.s32 @p1 $0x1;
	p0 =	seq.s32 s7, s2  }
0x1e: {  	s7 =	smul.u32 @!p0 $0xF7A, s2;
	p2 =	seq.s32 @!p0 s5, $0x0  }
0x1f: {  	s9 =	smul.u32 $0xF7A, s1;
	s8 =	simm.s32 @!p0 $0x1BF5;
	p2 =	por !p2, p0  }
0x20: {  	[sflag:s8] =	ssyncset.s32 @!p0 $0xFFFFF086;
	s6 =	sadd.s32 @!p0 s3, s7;
	s7 =	simm.s32 @!p0 $0x108  }
0x21: {  	s3 =	sadd.s32 s3, s9;
	s6 =	sadd.s32 @!p0 $0x88, s6;
	s7 =	simm.s32 @p2 $0x1082  }
0x22: {  	[simem:s7], [sflag:s8] =	dma.local @!p0 [hbm:s6], $0xF7A  }
0x23: {  	s9 =	sor.u32 $0xD0000000, s2;
	s6 =	simm.s32 $0x108;
	_ =	swait.ge @!p0 [sflag:s8], $0x0  }
0x24: {  	s3 =	sadd.s32 $0x88, s3;
	s6 =	simm.s32 @!p1 $0x1082;
	[sflag:s4] =	ssyncset.s32 $0xFFFFF086  }
0x25: {  	[simem:s6], [sflag:s4] =	dma.local [hbm:s3], $0xF7A  }
0x26: {  	[smem:$0x3F87] =	sst s1;
	(tag) =	ssettag s2;
	_ =	strace s9  }
0x27: {  	s1 =	sld [smem:$0x3F97]  }
0x28: {  	s2 =	sld [smem:$0x3F98]  }
0x29: {  	s4 =	sld [smem:$0x3F9A]  }
0x2a: {  	p0 =	seq.s32 s5, $0x0;
	s5 =	sld [smem:$0x3F9B]  }
0x2b: {  	s6 =	sld [smem:$0x3F9C]  }
0x2c: {  	s7 =	sld [smem:$0x3F9D]  }
0x2d: {  	s3 =	simm.s32 $0x108;
	s8 =	sld [smem:$0x3F9E]  }
0x2e: {  	s3 =	simm.s32 @!p0 $0x1082;
	s9 =	sld [smem:$0x3F9F]  }
0x2f: {  	lr =	sadd.s32 s0, s3;
	s0 =	sld [smem:$0x3F96]  }
0x30: {  	s3 =	sld [smem:$0x3F99]  }
0x31: {  	[smem:$0x3FA2] =	sst s10  }
0x32: {  	s10 =	sld [smem:$0x3FA0];
	_ =	sdelay $0x3  }
0x33: {  	p0 =	seq.s32 s10, $0x1;
	s10 =	sld [smem:$0x3FA2];
	_ =	sdelay $0x3  }
0x34: {  	[smem:$0x3FA2] =	sst s10  }
0x35: {  	s10 =	sld [smem:$0x3FA1];
	_ =	sdelay $0x3  }
0x36: {  	p1 =	seq.s32 s10, $0x1;
	s10 =	sld [smem:$0x3FA2];
	_ =	sdelay $0x3  }
0x37: {  	[smem:$0x3FA2] =	sst s10  }
0x38: {  	s10 =	sld [smem:$0x3FA3]  }
0x39: {  	_ = 	snop;
	(pc) =	sbr.ind lr, $3  }
0x3a: {  	_ = 	snop  }
0x3b: {  	_ = 	snop  }
0x3c: {  	p2 =	seq.s32 s10, $0x1;
	s10 =	sld [smem:$0x3FA2]  }
0x3d: {  	_ =	shalt  }
0x3e: {  	_ =	shalt  }
0x3f: {  	_ =	shalt  }
0x40: {  	_ =	shalt  }
0x41: {  	_ =	shalt  }
0x42: {  	_ =	shalt  }
0x43: {  	_ =	shalt  }
0x44: {  	_ =	shalt  }
0x45: {  	_ =	shalt  }
0x46: {  	_ =	shalt  }
0x47: {  	_ =	shalt  }
0x48: {  	_ =	shalt  }
0x49: {  	_ =	shalt  }
0x4a: {  	_ =	shalt  }
0x4b: {  	_ =	shalt  }
0x4c: {  	_ =	shalt  }
0x4d: {  	_ =	shalt  }
0x4e: {  	_ =	shalt  }
0x4f: {  	_ =	shalt  }
0x50: {  	_ =	shalt  }
0x51: {  	_ =	shalt  }
0x52: {  	_ =	shalt  }
0x53: {  	_ =	shalt  }
0x54: {  	_ =	shalt  }
0x55: {  	_ =	shalt  }
0x56: {  	_ =	shalt  }
0x57: {  	_ =	shalt  }
0x58: {  	_ =	shalt  }
0x59: {  	_ =	shalt  }
0x5a: {  	_ =	shalt  }
0x5b: {  	_ =	shalt  }
0x5c: {  	_ =	shalt  }
0x5d: {  	_ =	shalt  }
0x5e: {  	_ =	shalt  }
0x5f: {  	_ =	shalt  }
0x60: {  	_ =	shalt  }
0x61: {  	_ =	shalt  }
0x62: {  	_ =	shalt  }
0x63: {  	_ =	shalt  }
0x64: {  	_ =	shalt  }
0x65: {  	_ =	shalt  }
0x66: {  	_ =	shalt  }
0x67: {  	_ =	shalt  }
0x68: {  	_ =	shalt  }
0x69: {  	_ =	shalt  }
0x6a: {  	_ =	shalt  }
0x6b: {  	_ =	shalt  }
0x6c: {  	_ =	shalt  }
0x6d: {  	_ =	shalt  }
0x6e: {  	_ =	shalt  }
0x6f: {  	_ =	shalt  }
0x70: {  	_ =	shalt  }
0x71: {  	_ =	shalt  }
0x72: {  	_ =	shalt  }
0x73: {  	_ =	shalt  }
0x74: {  	_ =	shalt  }
0x75: {  	_ =	shalt  }
0x76: {  	_ =	shalt  }
0x77: {  	_ =	shalt  }
0x78: {  	_ =	shalt  }
0x79: {  	_ =	shalt  }
0x7a: {  	_ =	shalt  }
0x7b: {  	_ =	shalt  }
0x7c: {  	_ =	shalt  }
0x7d: {  	_ =	shalt  }
0x7e: {  	_ =	shalt  }
0x7f: {  	_ =	shalt  }
0x80: {  	_ =	shalt  }
0x81: {  	_ =	shalt  }
0x82: {  	_ =	shalt  }
0x83: {  	_ =	shalt  }
0x84: {  	_ =	shalt  }
0x85: {  	_ =	shalt  }
0x86: {  	_ =	shalt  }
0x87: {  	_ =	shalt  }
.Lfunc_end0:
.L_simem_size_0:
called_computation.3_lowered:
.L_overlay_start_0:
0x88: {  	s2 =	sld [smem:$0x3FD9]  }
0x89: {  	s3 =	sld [smem:$0x3FFE];
	_ =	sdelay $0x1  }
0x8a: {  	s1 =	srdreg.scid  }
0x8b: {  	s0 =	sand.u32 $0x1, s1  }
0x8c: {  	s16 =	sshll.u32 s0, $0xA;
	s2 =	sadd.s32 s3, s2  }
0x8d: {  	s2 =	sadd.s32 s2, s16  }
0x8e: {  	[smem:$0x3FAE] =	sst s2  }
0x8f: {  	_ = 	snop  }
0x90: {  	(tm) =	ssettm $0x1  }
0x91: {  	s17 =	sld [smem:$0x3FFB];
	_ =	sdelay $0x3  }
0x92: {  	_ =	strace s17  }
0x93: {  	s2 =	sld [smem:$0x3FFC];
	_ =	sdelay $0x3  }
0x94: {  	_ =	strace s2  }
0x95: {  	s2 =	sld [smem:$0x3FFD];
	_ =	sdelay $0x3  }
0x96: {  	_ =	strace s2  }
0x97: {  	_ =	strace $0x8FFFFFFF  }
0x98: {  	s18 =	sld [smem:$0x3FDB];
	_ =	sdelay $0x1  }
0x99: {  	s19 =	simm.s32 $_scs_section_size  }
0x9a: {  	s4 =	simm.s32 $_size__tile_overlayer_lowered;
	s5 =	simm.s32 $_tile_overlayer_lowered  }
0x9b: {  	s22 =	simm.s32 $0x1BFF;
	s21 =	sshll.u32 s5, $0x1;
	s2 =	sadd.s32 s19, s18  }
0x9c: {  	s6 =	simm.s32 $0x0;
	s20 =	sshll.u32 s4, $0x1;
	s4 =	sadd.s32 s21, s2  }
0x9d: {  	[timem:s6], [sflag:s22] =	dma.local [hbm:s4], s20  }
0x9e: {  	_ =	swait.ge [sflag:s22], s20  }
0x9f: {  	s3 =	ssub.s32 $0x0, s20;
	[sflag:s22] =	ssyncset.done $0x0  }
0xa0: {  	[sflag:s22] =	ssyncadd.s32 s3;
	_ =	sdelay $0x1  }
0xa1: {  	s23 =	simm.s32 $0x1B8B  }
0xa2: {  	_ =	swait.ge [sflag:s23], $0x1  }
0xa3: {  	[sflag:s23] =	ssyncset.done $0x0  }
0xa4: {  	s25 =	simm.s32 $0x1B8E;
	s24 =	sld [smem:$0x3FFE];
	[sflag:s23] =	ssyncadd.s32 $0xFFFFFFFF  }
0xa5: {  	s26 =	simm.s32 $execute0_lowered;
	[smem:$0x3FD2] =	sst s25  }
0xa6: {  	s4 =	sshll.u32 s26, $0x1;
	_ =	strace $0x8000004F;
	[dreg:$0x1] =	wrdreg $0xFFFFFFFF  }
0xa7: {  	s28 =	simm.s32 $_size_execute0_lowered;
	s2 =	sadd.s32 s2, s4;
	[dreg:$0x0] =	wrdreg $0x0  }
0xa8: {  	s4 =	sshll.u32 s28, $0x1;
	[dreg:$0x2] =	wrdreg s2  }
0xa9: {  	[dreg:$0x3] =	wrdreg s4  }
0xaa: {  	[dreg:$0x4] =	wrdreg $0xC0  }
0xab: {  	_ =	task [dreg:s6], $0x5FFFF  }
0xac: {  	[dreg:$0x1] =	wrdreg $0xFFFFFFFF  }
0xad: {  	[dreg:$0x0] =	wrdreg $0x60  }
0xae: {  	[dreg:$0x2] =	wrdreg s24  }
0xaf: {  	[dreg:$0x3] =	wrdreg $0x41000  }
0xb0: {  	[dreg:$0x4] =	wrdreg $0x9  }
0xb1: {  	_ =	task.clear_ibuf [dreg:s6], $0x5FFFF;
	_ =	strace $0x9000004F  }
0xb2: {  	s29 =	simm.s32 $0x9;
	_ =	strace $0x80000051  }
0xb3: {  	_ =	swait.ge [sflag:s29], $0x1  }
0xb4: {  	[sflag:s29] =	ssyncadd.s32 $0xFFFFFFFF  }
0xb5: {  	_ =	strace $0x90000051  }
0xb6: {  	_ =	sfence  }
0xb7: {  	s30 =	sld [smem:$0x0];
	_ =	sdelay $0x2  }
0xb8: {  	s31 =	sshll.u32 s1, $0xD;
	s1 =	sshrl.u32 s1, $0x2  }
0xb9: {  	s3 =	sand.u32 $0x4000, s31;
	s1 =	sadd.s32 s1, s30  }
0xba: {  	s0 =	sor.u32 s3, s0;
	s1 =	sshll.u32 s1, $0x11  }
0xbb: {  	s0 =	sor.u32 s1, s0  }
0xbc: {  	s0 =	sadd.s32 $0x8F2B, s0  }
0xbd: {  	[sflag:s0] =	ssyncadd.remote.s32 $0x1  }
0xbe: {  	_ =	sfence.sel $0xFFFF  }
0xbf: {  	[dreg:$0x0] =	wrdreg $0xFFFFFFFF;
	(pc) =	sbr.abs _section_cstart, $3  }
0xc0: {  	[dreg:$0x1] =	wrdreg $0xFFFFFFFF  }
0xc1: {  	_ =	task.clear_ibuf [dreg:s6], $0x2FFFF;
	_ =	strace $0x9FFFFFFF  }
0xc2: {  	(tm) =	ssettm $0x7FFFFFFF  }
0xc3: {  	_ =	shalt  }
tec
execute0_lowered:
.L_overlay_start_1:
0x0: {  	(tag) =	ssettag $0x1  }
0x1: {  	s1 =	srdreg.scid;
	s6 =	rddreg [dreg:$0x0]  }
0x2: {  	s0 =	stileid.u32;
	s2 =	rddreg [dreg:$0x1]  }
0x3: {  	s3 =	simm.s32 $0x0;
	s17 =	simm.s32 $0x80;
	s18 =	simm.s32 $0x100  }
0x4: {  	s19 =	simm.s32 $0x1;
	s20 =	simm.s32 $0x0;
	s4 =	smul.u32 $0x1388, s0  }
0x5: {  	s5 =	sand.u32 $0x1, s1;
	s1 =	rddreg [dreg:$0x2];
	s8 =	smul.u32 $0x2780, s0  }
0x6: {  	[smem:$0x7FF] =	sst s3;
	s28 =	sshll.u32 s0, $0x1;
	s10 =	smul.u32 $0x4F000, s0  }
0x7: {  	s11 =	sadd.s32 $0x76600, s6;
	s31 =	smul.u32 $0x13C00, s0;
	s14 =	sadd.s32 $0x128400, s2  }
0x8: {  	p0 =	seq.s32 s0, $0xF;
	s7 =	smul.u32 $0x9C4, s5;
	_ =	strace $0x80000050  }
0x9: {  	s9 =	ssub.s32 $0x2, s5;
	s30 =	smul.u32 $0x138800, s5;
	s16 =	sshll.u32 @!p0 s0, $0x6  }
0xa: {  	s26 =	sadd.s32 s8, s6;
	s8 =	sor.u32 s5, s28;
	s13 =	sshrl.u32 s9, $0x1  }
0xb: {  	s29 =	sshrl.u32 s10, $0x2;
	s7 =	sadd.s32 s7, s4;
	s4 =	sadd.s32 $0x27600, s6  }
0xc: {  	s8 =	smul.u32 $0x9C4, s8;
	s13 =	ssub.s32 s9, s13;
	s15 =	sadd.s32 s29, s2  }
0xd: {  	s5 =	sadd.s32 $0x4F400, s26;
	s9 =	sadd.s32 s31, s30;
	s10 =	sshrl.u32 s30, $0x3  }
0xe: {  	s7 =	sand.u32 $0x3FFE0, s7;
	s9 =	sshrl.u32 s9, $0x3;
	s10 =	sadd.s32 s11, s10  }
.Ltmp0:
0xf: {  	s15 =	sshrl.u32 @!p0 s15, $0x3;
	s12 =	sadd.s32 s7, s6;
	(pc) =	sbr.rel .LBB2_1-.Ltmp0, $4  }
0x10: {  	s6 =	sadd.s32 $0x74480, s6;
	s7 =	sshrl.u32 s8, $0x5;
	s8 =	sadd.s32 $0x9C4, s8  }
0x11: {  	s9 =	sadd.s32 s11, s9;
	s10 =	sadd.s32 $0x25080, s10;
	s11 =	smax.u32 s13, $0x1  }
0x12: {  	s13 =	sshrl.u32 @p0 s14, $0x3;
	s14 =	sor.u32 @!p0 $0x1C02, s16;
	s8 =	sshrl.u32 s8, $0x5  }
0x13: {  	s16 =	simm.s32 $0x2;
	s12 =	sadd.s32 $0x13C00, s12;
	p1 =	sge.u32 s7, s8  }
.LBB2_4:
0x14: {  	[sflag:s16] =	ssyncadd.s32 $0xFFFFC000  }
.LBB2_5:
0x15: {  	[bflag:$0x0] =	sbarrier.arrive $0xFFFF  }
0x16: {  	[hbm:s10], [sflag:s23] =	dma.local @p0 [spmem:s13], $0x2080  }
0x17: {  	s20 =	sadd.s32 $0x1, s20;
	_ =	swait.ge @p0 [sflag:s22], $0x2080  }
0x18: {  	p2 =	sne.s32 s20, s11;
	[sflag:s22] =	ssyncset.done @p0 $0x0  }
.Ltmp1:
0x19: {  	[sflag:s22] =	ssyncadd.s32 @p0 $0xFFFFDF80;
	(pc) =	sbr.rel @!p2 .LBB2_6-.Ltmp1, $4  }
0x1a: {  	[hbm:s9], [sflag:s14] =	dma.local @!p0 [spmem:s15], $0x2780  }
0x1b: {  	_ =	swait.ge @!p0 [sflag:s21], $0x2780  }
0x1c: {  	[sflag:s21] =	ssyncset.done @!p0 $0x0  }
0x1d: {  	[sflag:s21] =	ssyncadd.s32 @!p0 $0xFFFFD880  }
.LBB2_1:
0x1e: {  	s23 =	simm.s32 @p0 $0x1FC2;
	s22 =	simm.s32 @p0 $0x2  }
0x1f: {  	[spmem:s13], [sflag:s23] =	dma.local @p0 [hbm:s6], $0x2080  }
0x20: {  	_ =	swait.ge @p0 [sflag:s22], $0x2080  }
0x21: {  	[sflag:s22] =	ssyncset.done @p0 $0x0  }
0x22: {  	s21 =	simm.s32 @!p0 $0x2;
	[sflag:s22] =	ssyncadd.s32 @p0 $0xFFFFDF80  }
0x23: {  	[spmem:s15], [sflag:s14] =	dma.local @!p0 [hbm:s5], $0x2780  }
.Ltmp2:
0x24: {  	_ =	swait.ge @!p0 [sflag:s21], $0x2780;
	(pc) =	sbr.rel @p1 .LBB2_5-.Ltmp2, $3  }
0x25: {  	[sflag:s21] =	ssyncset.done @!p0 $0x0  }
0x26: {  	[sflag:s21] =	ssyncadd.s32 @!p0 $0xFFFFD880  }
0x27: {  	[bflag:$0x0] =	sbarrier.arrive $0xFFFF;
	_ =	sdelay $0x1  }
0x28: {  	[tilespmem:s3], [sflag:$0x2] =	stream.linear.gather [hbm4b:s12+s3], $0x100, $0x38;
	[tilespmem:$0x17980] =	vst v63  }
0x29: {  	_ =	swait.ge [sflag:s16], $0x100  }
0x2a: {  	[sflag:s16] =	ssyncset.done $0x0  }
0x2b: {  	s24 =	sadd.s32 $0x1, s7;
	[sflag:s16] =	ssyncadd.s32 $0xFFFFFF00  }
0x2c: {  	[tilespmem:s18], [sflag:$0x1] =	stream.indirect.gather [hbm4b:s4+s17], $0x80, s3, s17, $0xb8;
	[tilespmem:$0x17980] =	vst v63  }
0x2d: {  	p2 =	slt.u32 s24, s8;
	_ =	swait.ge [sflag:s19], $0x4000  }
.Ltmp3:
0x2e: {  	[sflag:s19] =	ssyncset.done $0x0;
	(pc) =	sbr.rel @!p2 .LBB2_4-.Ltmp3, $4  }
0x2f: {  	[sflag:s19] =	ssyncadd.s32 $0xFFFFC000  }
0x30: {  	[spmem:s2] =	stream.indirect.scatter.add.f32 [tilespmem:s18], [sflag:$0x2], $0x80, s17, s17, $0xb8;
	[tilespmem:$0x17980] =	vst v63  }
0x31: {  	_ =	swait.ge [sflag:s16], $0x4000  }
0x32: {  	s25 =	smov.u32 s12;
	[sflag:s16] =	ssyncset.done $0x0  }
.LBB2_3:
0x33: {  	s24 =	sadd.s32 $0x1, s24;
	[sflag:s16] =	ssyncadd.s32 $0xFFFFC000;
	s25 =	sadd.s32 $0x20, s25  }
0x34: {  	[tilespmem:s3], [sflag:$0x2] =	stream.linear.gather [hbm4b:s25+s3], $0x100, $0x38;
	[tilespmem:$0x17980] =	vst v63  }
0x35: {  	p2 =	slt.u32 s24, s8;
	_ =	swait.ge [sflag:s16], $0x100  }
0x36: {  	[sflag:s16] =	ssyncset.done $0x0  }
0x37: {  	[sflag:s16] =	ssyncadd.s32 $0xFFFFFF00  }
0x38: {  	[tilespmem:s18], [sflag:$0x1] =	stream.indirect.gather [hbm4b:s4+s17], $0x80, s3, s17, $0xb8;
	[tilespmem:$0x17980] =	vst v63  }
0x39: {  	_ =	swait.ge [sflag:s19], $0x4000  }
.Ltmp4:
0x3a: {  	[sflag:s19] =	ssyncset.done $0x0;
	(pc) =	sbr.rel @p2 .LBB2_3-.Ltmp4, $4  }
0x3b: {  	[sflag:s19] =	ssyncadd.s32 $0xFFFFC000  }
0x3c: {  	[spmem:s2] =	stream.indirect.scatter.add.f32 [tilespmem:s18], [sflag:$0x2], $0x80, s17, s17, $0xb8;
	[tilespmem:$0x17980] =	vst v63  }
0x3d: {  	_ =	swait.ge [sflag:s16], $0x4000  }
0x3e: {  	[sflag:s16] =	ssyncset.done $0x0  }
.Ltmp5:
0x3f: {  	_ = 	snop;
	(pc) =	sbr.rel .LBB2_4-.Ltmp5, $1  }
0x40: {  	_ =	sdelay $0x3  }
.LBB2_6:
0x41: {  	_ =	sfence.sel $0x180000  }
0x42: {  	[bflag:$0x0] =	sbarrier.arrive $0xFFFF  }
0x43: {  	p0 =	sne.s32 s0, $0x0;
	_ =	strace $0x90000050  }
0x44: {  	s0 =	sadd.s32 @!p0 $0x100000, s1;
	[bflag:$0x2] =	sbarrier.arrive $0xFFFF  }
0x45: {  	[sflag:s0] =	ssyncadd.tile.s32 @!p0 $0x1;
	_ =	shalt  }
.Lfunc_end2:
_tile_overlayer_lowered:
.L_overlay_start_2:
0x46: {  	(tag) =	ssettag $0x2  }
0x47: {  	s0 =	rddreg [dreg:$0x0];
	s2 =	stileid.u32  }
0x48: {  	s1 =	rddreg [dreg:$0x1];
	p0 =	sne.s32 s2, $0x0  }
0x49: {  	s3 =	rddreg [dreg:$0x2];
	[bflag:$0x3] =	sbarrier.arrive $0xFFFF;
	s2 =	simm.s32 @!p0 $0x1C02  }
0x4a: {  	[timem:s3], [sflag:s2] =	dma.local @!p0 [hbm:s0], s1  }
0x4b: {  	s0 =	simm.s32 @!p0 $0x2  }
0x4c: {  	_ =	swait.ge @!p0 [sflag:s0], s1  }
0x4d: {  	s1 =	ssub.s32 @!p0 $0x0, s1;
	[sflag:s0] =	ssyncset.done @!p0 $0x0  }
0x4e: {  	[sflag:s0] =	ssyncadd.s32 @!p0 s1  }
0x4f: {  	[bflag:$0x3] =	sbarrier.arrive $0xFFFF  }
0x50: {  	_ =	shalt  }

// kernel: kernel.25.cloned.1.call-start
scs
__scs_entry_jumppad:
0x0: {  	(pc) =	sbr.rel $0x88, $3  }
0x1: {  	(tag) =	ssettag $0x0;
	lr =	simm.s32 $0x1  }
0x2: {  	[smem:$0x3F87] =	sst lr;
	_ =	strace $0xD0000000  }
0x3: {  	_ = 	snop  }
0x4: {  	_ = 	snop  }
0x5: {  	_ = 	snop  }
0x6: {  	_ = 	snop  }
0x7: {  	_ = 	snop  }
__scs_overlays_trampoline_lowered:
0x8: {  	[smem:$0x3F96] =	sst s0  }
0x9: {  	[smem:$0x3F97] =	sst s1  }
0xa: {  	[smem:$0x3F98] =	sst s2  }
0xb: {  	[smem:$0x3F99] =	sst s3  }
0xc: {  	[smem:$0x3F9A] =	sst s4  }
0xd: {  	[smem:$0x3F9B] =	sst s5  }
0xe: {  	[smem:$0x3F9C] =	sst s6  }
0xf: {  	[smem:$0x3F9D] =	sst s7  }
0x10: {  	[smem:$0x3F9E] =	sst s8  }
0x11: {  	[smem:$0x3F9F] =	sst s9;
	s0 =	simm.s32 @!p0 $0x0  }
0x12: {  	s1 =	sld [smem:$0x3F85];
	s0 =	simm.s32 @p0 $0x1  }
0x13: {  	[smem:$0x3FA0] =	sst s0;
	s0 =	simm.s32 @!p1 $0x0  }
0x14: {  	s2 =	sld [smem:$0x3F84];
	s0 =	simm.s32 @p1 $0x1  }
0x15: {  	[smem:$0x3FA1] =	sst s0;
	s0 =	simm.s32 @!p2 $0x0  }
0x16: {  	s3 =	sld [smem:$0x3FDB];
	s0 =	simm.s32 @p2 $0x1  }
0x17: {  	s4 =	simm.s32 $0x1BF5;
	[smem:$0x3FA3] =	sst s0  }
0x18: {  	s0 =	sld [smem:$0x3F86];
	_ =	swait.ge [sflag:s4], $0x0  }
0x19: {  	s7 =	sld [smem:$0x3F87]  }
0x1a: {  	s8 =	sadd.s32 $0xFFFFE003, lr  }
0x1b: {  	s9 =	sadd.s32 $0xFFFFFEF7, lr;
	s5 =	simm.s32 $0xFFFFFFFF;
	p2 =	slt.u32 s8, $0xFFFFF086  }
0x1c: {  	p1 =	slt.u32 s9, $0xF7A;
	s5 =	simm.s32 @!p2 $0x0  }
0x1d: {  	s5 =	simm.s32 @p1 $0x1;
	p0 =	seq.s32 s7, s2  }
0x1e: {  	s7 =	smul.u32 @!p0 $0xF7A, s2;
	p2 =	seq.s32 @!p0 s5, $0x0  }
0x1f: {  	s9 =	smul.u32 $0xF7A, s1;
	s8 =	simm.s32 @!p0 $0x1BF5;
	p2 =	por !p2, p0  }
0x20: {  	[sflag:s8] =	ssyncset.s32 @!p0 $0xFFFFF086;
	s6 =	sadd.s32 @!p0 s3, s7;
	s7 =	simm.s32 @!p0 $0x108  }
0x21: {  	s3 =	sadd.s32 s3, s9;
	s6 =	sadd.s32 @!p0 $0x88, s6;
	s7 =	simm.s32 @p2 $0x1082  }
0x22: {  	[simem:s7], [sflag:s8] =	dma.local @!p0 [hbm:s6], $0xF7A  }
0x23: {  	s9 =	sor.u32 $0xD0000000, s2;
	s6 =	simm.s32 $0x108;
	_ =	swait.ge @!p0 [sflag:s8], $0x0  }
0x24: {  	s3 =	sadd.s32 $0x88, s3;
	s6 =	simm.s32 @!p1 $0x1082;
	[sflag:s4] =	ssyncset.s32 $0xFFFFF086  }
0x25: {  	[simem:s6], [sflag:s4] =	dma.local [hbm:s3], $0xF7A  }
0x26: {  	[smem:$0x3F87] =	sst s1;
	(tag) =	ssettag s2;
	_ =	strace s9  }
0x27: {  	s1 =	sld [smem:$0x3F97]  }
0x28: {  	s2 =	sld [smem:$0x3F98]  }
0x29: {  	s4 =	sld [smem:$0x3F9A]  }
0x2a: {  	p0 =	seq.s32 s5, $0x0;
	s5 =	sld [smem:$0x3F9B]  }
0x2b: {  	s6 =	sld [smem:$0x3F9C]  }
0x2c: {  	s7 =	sld [smem:$0x3F9D]  }
0x2d: {  	s3 =	simm.s32 $0x108;
	s8 =	sld [smem:$0x3F9E]  }
0x2e: {  	s3 =	simm.s32 @!p0 $0x1082;
	s9 =	sld [smem:$0x3F9F]  }
0x2f: {  	lr =	sadd.s32 s0, s3;
	s0 =	sld [smem:$0x3F96]  }
0x30: {  	s3 =	sld [smem:$0x3F99]  }
0x31: {  	[smem:$0x3FA2] =	sst s10  }
0x32: {  	s10 =	sld [smem:$0x3FA0];
	_ =	sdelay $0x3  }
0x33: {  	p0 =	seq.s32 s10, $0x1;
	s10 =	sld [smem:$0x3FA2];
	_ =	sdelay $0x3  }
0x34: {  	[smem:$0x3FA2] =	sst s10  }
0x35: {  	s10 =	sld [smem:$0x3FA1];
	_ =	sdelay $0x3  }
0x36: {  	p1 =	seq.s32 s10, $0x1;
	s10 =	sld [smem:$0x3FA2];
	_ =	sdelay $0x3  }
0x37: {  	[smem:$0x3FA2] =	sst s10  }
0x38: {  	s10 =	sld [smem:$0x3FA3]  }
0x39: {  	_ = 	snop;
	(pc) =	sbr.ind lr, $3  }
0x3a: {  	_ = 	snop  }
0x3b: {  	_ = 	snop  }
0x3c: {  	p2 =	seq.s32 s10, $0x1;
	s10 =	sld [smem:$0x3FA2]  }
0x3d: {  	_ =	shalt  }
0x3e: {  	_ =	shalt  }
0x3f: {  	_ =	shalt  }
0x40: {  	_ =	shalt  }
0x41: {  	_ =	shalt  }
0x42: {  	_ =	shalt  }
0x43: {  	_ =	shalt  }
0x44: {  	_ =	shalt  }
0x45: {  	_ =	shalt  }
0x46: {  	_ =	shalt  }
0x47: {  	_ =	shalt  }
0x48: {  	_ =	shalt  }
0x49: {  	_ =	shalt  }
0x4a: {  	_ =	shalt  }
0x4b: {  	_ =	shalt  }
0x4c: {  	_ =	shalt  }
0x4d: {  	_ =	shalt  }
0x4e: {  	_ =	shalt  }
0x4f: {  	_ =	shalt  }
0x50: {  	_ =	shalt  }
0x51: {  	_ =	shalt  }
0x52: {  	_ =	shalt  }
0x53: {  	_ =	shalt  }
0x54: {  	_ =	shalt  }
0x55: {  	_ =	shalt  }
0x56: {  	_ =	shalt  }
0x57: {  	_ =	shalt  }
0x58: {  	_ =	shalt  }
0x59: {  	_ =	shalt  }
0x5a: {  	_ =	shalt  }
0x5b: {  	_ =	shalt  }
0x5c: {  	_ =	shalt  }
0x5d: {  	_ =	shalt  }
0x5e: {  	_ =	shalt  }
0x5f: {  	_ =	shalt  }
0x60: {  	_ =	shalt  }
0x61: {  	_ =	shalt  }
0x62: {  	_ =	shalt  }
0x63: {  	_ =	shalt  }
0x64: {  	_ =	shalt  }
0x65: {  	_ =	shalt  }
0x66: {  	_ =	shalt  }
0x67: {  	_ =	shalt  }
0x68: {  	_ =	shalt  }
0x69: {  	_ =	shalt  }
0x6a: {  	_ =	shalt  }
0x6b: {  	_ =	shalt  }
0x6c: {  	_ =	shalt  }
0x6d: {  	_ =	shalt  }
0x6e: {  	_ =	shalt  }
0x6f: {  	_ =	shalt  }
0x70: {  	_ =	shalt  }
0x71: {  	_ =	shalt  }
0x72: {  	_ =	shalt  }
0x73: {  	_ =	shalt  }
0x74: {  	_ =	shalt  }
0x75: {  	_ =	shalt  }
0x76: {  	_ =	shalt  }
0x77: {  	_ =	shalt  }
0x78: {  	_ =	shalt  }
0x79: {  	_ =	shalt  }
0x7a: {  	_ =	shalt  }
0x7b: {  	_ =	shalt  }
0x7c: {  	_ =	shalt  }
0x7d: {  	_ =	shalt  }
0x7e: {  	_ =	shalt  }
0x7f: {  	_ =	shalt  }
0x80: {  	_ =	shalt  }
0x81: {  	_ =	shalt  }
0x82: {  	_ =	shalt  }
0x83: {  	_ =	shalt  }
0x84: {  	_ =	shalt  }
0x85: {  	_ =	shalt  }
0x86: {  	_ =	shalt  }
0x87: {  	_ =	shalt  }
.Lfunc_end0:
.L_simem_size_0:
called_computation.4_lowered:
.L_overlay_start_0:
0x88: {  	s2 =	sld [smem:$0x3FD9]  }
0x89: {  	s3 =	sld [smem:$0x3FFE];
	_ =	sdelay $0x1  }
0x8a: {  	s1 =	srdreg.scid  }
0x8b: {  	s0 =	sand.u32 $0x1, s1  }
0x8c: {  	s16 =	sshll.u32 s0, $0xA;
	s2 =	sadd.s32 s3, s2  }
0x8d: {  	s2 =	sadd.s32 s2, s16  }
0x8e: {  	[smem:$0x3FAE] =	sst s2  }
0x8f: {  	_ = 	snop  }
0x90: {  	(tm) =	ssettm $0x1  }
0x91: {  	s17 =	sld [smem:$0x3FFB];
	_ =	sdelay $0x3  }
0x92: {  	_ =	strace s17  }
0x93: {  	s2 =	sld [smem:$0x3FFC];
	_ =	sdelay $0x3  }
0x94: {  	_ =	strace s2  }
0x95: {  	s2 =	sld [smem:$0x3FFD];
	_ =	sdelay $0x3  }
0x96: {  	_ =	strace s2  }
0x97: {  	_ =	strace $0x8FFFFFFF  }
0x98: {  	s18 =	sld [smem:$0x3FDB];
	_ =	sdelay $0x1  }
0x99: {  	s19 =	simm.s32 $_scs_section_size  }
0x9a: {  	s4 =	simm.s32 $_size__tile_overlayer_lowered;
	s5 =	simm.s32 $_tile_overlayer_lowered  }
0x9b: {  	s22 =	simm.s32 $0x1BFF;
	s21 =	sshll.u32 s5, $0x1;
	s2 =	sadd.s32 s19, s18  }
0x9c: {  	s6 =	simm.s32 $0x0;
	s20 =	sshll.u32 s4, $0x1;
	s4 =	sadd.s32 s21, s2  }
0x9d: {  	[timem:s6], [sflag:s22] =	dma.local [hbm:s4], s20  }
0x9e: {  	_ =	swait.ge [sflag:s22], s20  }
0x9f: {  	s3 =	ssub.s32 $0x0, s20;
	[sflag:s22] =	ssyncset.done $0x0  }
0xa0: {  	[sflag:s22] =	ssyncadd.s32 s3;
	_ =	sdelay $0x1  }
0xa1: {  	s23 =	simm.s32 $0x1B8B  }
0xa2: {  	_ =	swait.ge [sflag:s23], $0x1  }
0xa3: {  	[sflag:s23] =	ssyncset.done $0x0  }
0xa4: {  	s25 =	simm.s32 $0x1B8E;
	s24 =	sld [smem:$0x3FFE];
	[sflag:s23] =	ssyncadd.s32 $0xFFFFFFFF  }
0xa5: {  	s26 =	simm.s32 $execute0_lowered;
	[smem:$0x3FD2] =	sst s25  }
0xa6: {  	s4 =	sshll.u32 s26, $0x1;
	_ =	strace $0x80000052;
	[dreg:$0x1] =	wrdreg $0xFFFFFFFF  }
0xa7: {  	s28 =	simm.s32 $_size_execute0_lowered;
	s2 =	sadd.s32 s2, s4;
	[dreg:$0x0] =	wrdreg $0x0  }
0xa8: {  	s4 =	sshll.u32 s28, $0x1;
	[dreg:$0x2] =	wrdreg s2  }
0xa9: {  	[dreg:$0x3] =	wrdreg s4  }
0xaa: {  	[dreg:$0x4] =	wrdreg $0xC0  }
0xab: {  	_ =	task [dreg:s6], $0x5FFFF  }
0xac: {  	[dreg:$0x1] =	wrdreg $0xFFFFFFFF  }
0xad: {  	[dreg:$0x0] =	wrdreg $0x60  }
0xae: {  	[dreg:$0x2] =	wrdreg s24  }
0xaf: {  	[dreg:$0x3] =	wrdreg $0x9  }
0xb0: {  	_ =	task.clear_ibuf [dreg:s6], $0x4FFFF;
	_ =	strace $0x90000052  }
0xb1: {  	s29 =	simm.s32 $0x9;
	_ =	strace $0x80000054  }
0xb2: {  	_ =	swait.ge [sflag:s29], $0x1  }
0xb3: {  	[sflag:s29] =	ssyncadd.s32 $0xFFFFFFFF  }
0xb4: {  	_ =	strace $0x90000054  }
0xb5: {  	_ =	sfence  }
0xb6: {  	s30 =	sld [smem:$0x0];
	_ =	sdelay $0x2  }
0xb7: {  	s31 =	sshll.u32 s1, $0xD;
	s1 =	sshrl.u32 s1, $0x2  }
0xb8: {  	s3 =	sand.u32 $0x4000, s31;
	s1 =	sadd.s32 s1, s30  }
0xb9: {  	s0 =	sor.u32 s3, s0;
	s1 =	sshll.u32 s1, $0x11  }
0xba: {  	s0 =	sor.u32 s1, s0  }
0xbb: {  	s0 =	sadd.s32 $0x8F2B, s0  }
0xbc: {  	[sflag:s0] =	ssyncadd.remote.s32 $0x1  }
0xbd: {  	_ =	sfence.sel $0xFFFF  }
0xbe: {  	[dreg:$0x0] =	wrdreg $0xFFFFFFFF;
	(pc) =	sbr.abs _section_cstart, $3  }
0xbf: {  	[dreg:$0x1] =	wrdreg $0xFFFFFFFF  }
0xc0: {  	_ =	task.clear_ibuf [dreg:s6], $0x2FFFF;
	_ =	strace $0x9FFFFFFF  }
0xc1: {  	(tm) =	ssettm $0x7FFFFFFF  }
tec
execute0_lowered:
.L_overlay_start_1:
0x0: {  	(tag) =	ssettag $0x1  }
0x1: {  	s0 =	srdreg.scid;
	s1 =	stileid.u32  }
0x2: {  	s0 =	sand.u32 $0x1, s0;
	s1 =	sshll.u32 s1, $0x1  }
0x3: {  	s1 =	sor.u32 s0, s1  }
0x4: {  	s3 =	smul.u32 $0x30E, s1;
	_ =	sdelay $0x1  }
0x5: {  	s4 =	sadd.s32 $0x30E, s3  }
0x6: {  	s6 =	sshrl.u32 s3, $0x5;
	s5 =	sshrl.u32 s4, $0x5  }
0x7: {  	p0 =	sle.u32 s5, s6  }
.Ltmp0:
0x8: {  	_ = 	snop;
	(pc) =	sbr.rel @p0 .LBB2_5-.Ltmp0, $4  }
0x9: {  	_ = 	snop  }
0xa: {  	s2 =	simm.s32 $0x0  }
0xb: {  	[smem:$0x7FF] =	sst s2  }
0xc: {  	s1 =	rddreg [dreg:$0x0];
	_ =	strace $0x80000053  }
0xd: {  	s7 =	sadd.s32 $0x5A6800, s1;
	s3 =	sadd.s32 $0x3AE00, s1;
	s4 =	sadd.s32 $0x13C00, s1  }
0xe: {  	s13 =	sadd.s32 $0xC4800, s1;
	s8 =	sadd.s32 $0xD0C00, s1;
	s9 =	sadd.s32 $0x3DEC00, s1  }
0xf: {  	s0 =	ssub.s32 $0x2, s0;
	s10 =	sadd.s32 $0x642C00, s1;
	s14 =	sadd.s32 $0x7C9C00, s1  }
0x10: {  	s15 =	sshll.u32 s6, $0xB;
	s16 =	ssub.s32 s5, s6;
	s20 =	sshll.u32 s6, $0xC  }
0x11: {  	s21 =	sshll.u32 s6, $0x6;
	s22 =	simm.s32 $0xA00;
	s23 =	simm.s32 $0x1200  }
0x12: {  	s12 =	simm.s32 $0x2;
	s24 =	simm.s32 $0x1A00;
	[dreg:$0x2] =	wrdreg s7  }
0x13: {  	s25 =	simm.s32 $0x2200;
	s26 =	simm.s32 $0x2A00;
	[dreg:$0xa] =	wrdreg s16  }
0x14: {  	s31 =	simm.s32 $0x3200;
	s28 =	simm.s32 $0x10200;
	[dreg:$0x3] =	wrdreg s22  }
0x15: {  	s29 =	simm.s32 $0x1;
	s30 =	simm.s32 $0x0;
	[dreg:$0x4] =	wrdreg s23  }
0x16: {  	s11 =	sshrl.u32 s0, $0x1;
	s17 =	sadd.s32 s15, s14;
	[dreg:$0x5] =	wrdreg s24  }
0x17: {  	s18 =	sadd.s32 s15, s10;
	s19 =	sadd.s32 s15, s9;
	[dreg:$0x6] =	wrdreg s25  }
0x18: {  	s1 =	sadd.s32 s20, s8;
	s14 =	simm.s32 $0x8200;
	[dreg:$0x7] =	wrdreg s26  }
0x19: {  	s15 =	simm.s32 $0xC200;
	s16 =	simm.s32 $0x200;
	[dreg:$0x8] =	wrdreg s31  }
0x1a: {  	s20 =	simm.s32 $0x5200;
	s22 =	simm.s32 $0x6200;
	s23 =	simm.s32 $0x6A00  }
0x1b: {  	s24 =	simm.s32 $0x7200;
	s25 =	simm.s32 $0x7A00;
	[dreg:$0xb] =	wrdreg s17  }
0x1c: {  	s26 =	simm.s32 $0x180;
	s0 =	ssub.s32 s0, s11;
	[dreg:$0xc] =	wrdreg s18  }
0x1d: {  	v2 =	vlaneseq.u32;
	[dreg:$0xd] =	wrdreg s19;
	s11 =	sadd.s32 s21, s13;
	s13 =	simm.s32 $0x80  }
0x1e: {  	vm0 =	vmmov $0xffff;
	v1 =	vshrl.u32 v2, $0x3;
	s17 =	simm.s32 $0x3A00;
	s18 =	simm.s32 $0x4200;
	s0 =	smax.u32 s0, $0x1  }
0x1f: {  	v0 =	vand.u32 $0x7, v2;
	v2 =	vor.u32 $0x8, v2;
	s19 =	simm.s32 $0x4A00;
	s21 =	simm.s32 $0x5A00;
	v1 =	vmul.u32 $0x8, v1;
	[dreg:$0x9] =	wrdreg s0  }
.LBB2_2:
0x20: {  	s9 =	rddreg [dreg:$0xd]  }
0x21: {  	s8 =	rddreg [dreg:$0xc]  }
0x22: {  	s7 =	rddreg [dreg:$0xb]  }
0x23: {  	s31 =	smov.u32 s11;
	s10 =	smov.u32 s1;
	s6 =	rddreg [dreg:$0xa]  }
.LBB2_3:
0x24: {  	[tilespmem:s2], [sflag:$0x2] =	stream.linear.gather [hbm4b:s31+s2], $0x200, $0x38;
	[tilespmem:$0x14200] =	vst v63  }
0x25: {  	_ =	swait.ge [sflag:s12], $0x200  }
0x26: {  	[sflag:s12] =	ssyncset.done $0x0  }
0x27: {  	[sflag:s12] =	ssyncadd.s32 $0xFFFFFE00  }
0x28: {  	[tilespmem:s14], [sflag:$0x1] =	stream.indirect.gather [hbm4b:s4+s13], $0x80, s2, s13, $0xb8;
	[tilespmem:$0x14200] =	vst v63  }
0x29: {  	_ = 	snop  }
0x2a: {  	[tilespmem:s15], [sflag:$0x1] =	stream.indirect.gather [hbm4b:s4+s13], $0x80, s13, s13, $0xb8;
	[tilespmem:$0x14200] =	vst v63  }
0x2b: {  	v3 =	vld [tilespmem:$0x100];
	_ =	sdelay $0x4  }
0x2c: {  	v4 =	vshll.u32 v3, $0x1  }
0x2d: {  	v3 =	vand.u32 $0x7, v3;
	v4 =	vand.u32 $0xFFFFFFF0, v4  }
0x2e: {  	v3 =	vor.u32 v3, v4  }
0x2f: {  	v4 =	vperm.xlane v3, v0;
	_ =	sdelay $0x1  }
0x30: {  	v3 =	vperm.xlane v3, v2;
	v4 =	vadd.s32 v1, v4;
	_ =	sdelay $0x1  }
0x31: {  	v3 =	vadd.s32 v1, v3;
	_ =	sdelay $0x2  }
0x32: {  	[tilespmem:s16], [sflag:$0x1] =	stream.indirect_vreg.gather [hbm4b:s3+s2], $0x80, v4, vm0, $0xb8;
	[tilespmem:$0x14200] =	vst v63  }
0x33: {  	s5 =	rddreg [dreg:$0x3]  }
0x34: {  	[tilespmem:s5], [sflag:$0x1] =	stream.indirect_vreg.gather [hbm4b:s3+s2], $0x80, v3, vm0, $0xb8;
	[tilespmem:$0x14200] =	vst v63  }
0x35: {  	v3 =	vld [tilespmem:$0x110];
	_ =	sdelay $0x4  }
0x36: {  	v57 =	vshll.u32 v3, $0x1  }
0x37: {  	v3 =	vand.u32 $0x7, v3;
	v4 =	vand.u32 $0xFFFFFFF0, v57  }
0x38: {  	v3 =	vor.u32 v3, v4  }
0x39: {  	v4 =	vperm.xlane v3, v0;
	_ =	sdelay $0x1  }
0x3a: {  	v3 =	vperm.xlane v3, v2;
	v4 =	vadd.s32 v1, v4;
	_ =	sdelay $0x1  }
0x3b: {  	v3 =	vadd.s32 v1, v3;
	_ =	sdelay $0x1  }
0x3c: {  	s5 =	rddreg [dreg:$0x4]  }
0x3d: {  	[tilespmem:s5], [sflag:$0x1] =	stream.indirect_vreg.gather [hbm4b:s3+s2], $0x80, v4, vm0, $0xb8;
	[tilespmem:$0x14200] =	vst v63  }
0x3e: {  	s0 =	rddreg [dreg:$0x5]  }
0x3f: {  	[tilespmem:s0], [sflag:$0x1] =	stream.indirect_vreg.gather [hbm4b:s3+s2], $0x80, v3, vm0, $0xb8;
	[tilespmem:$0x14200] =	vst v63  }
0x40: {  	v3 =	vld [tilespmem:$0x120];
	_ =	sdelay $0x4  }
0x41: {  	v58 =	vshll.u32 v3, $0x1  }
0x42: {  	v3 =	vand.u32 $0x7, v3;
	v4 =	vand.u32 $0xFFFFFFF0, v58  }
0x43: {  	v3 =	vor.u32 v3, v4  }
0x44: {  	v4 =	vperm.xlane v3, v0;
	_ =	sdelay $0x1  }
0x45: {  	v3 =	vperm.xlane v3, v2;
	v4 =	vadd.s32 v1, v4;
	_ =	sdelay $0x1  }
0x46: {  	v3 =	vadd.s32 v1, v3;
	_ =	sdelay $0x1  }
0x47: {  	s0 =	rddreg [dreg:$0x6]  }
0x48: {  	[tilespmem:s0], [sflag:$0x1] =	stream.indirect_vreg.gather [hbm4b:s3+s2], $0x80, v4, vm0, $0xb8;
	[tilespmem:$0x14200] =	vst v63  }
0x49: {  	s5 =	rddreg [dreg:$0x7]  }
0x4a: {  	[tilespmem:s5], [sflag:$0x1] =	stream.indirect_vreg.gather [hbm4b:s3+s2], $0x80, v3, vm0, $0xb8;
	[tilespmem:$0x14200] =	vst v63  }
0x4b: {  	v3 =	vld [tilespmem:$0x130];
	_ =	sdelay $0x4  }
0x4c: {  	v59 =	vshll.u32 v3, $0x1  }
0x4d: {  	v3 =	vand.u32 $0x7, v3;
	v4 =	vand.u32 $0xFFFFFFF0, v59  }
0x4e: {  	v3 =	vor.u32 v3, v4  }
0x4f: {  	v4 =	vperm.xlane v3, v0;
	_ =	sdelay $0x1  }
0x50: {  	v3 =	vperm.xlane v3, v2;
	v4 =	vadd.s32 v1, v4;
	_ =	sdelay $0x1  }
0x51: {  	v3 =	vadd.s32 v1, v3;
	_ =	sdelay $0x1  }
0x52: {  	s5 =	rddreg [dreg:$0x8]  }
0x53: {  	[tilespmem:s5], [sflag:$0x1] =	stream.indirect_vreg.gather [hbm4b:s3+s2], $0x80, v4, vm0, $0xb8;
	[tilespmem:$0x14200] =	vst v63  }
0x54: {  	_ = 	snop  }
0x55: {  	[tilespmem:s17], [sflag:$0x1] =	stream.indirect_vreg.gather [hbm4b:s3+s2], $0x80, v3, vm0, $0xb8;
	[tilespmem:$0x14200] =	vst v63  }
0x56: {  	v3 =	vld [tilespmem:$0x140];
	_ =	sdelay $0x4  }
0x57: {  	v60 =	vshll.u32 v3, $0x1  }
0x58: {  	v3 =	vand.u32 $0x7, v3;
	v4 =	vand.u32 $0xFFFFFFF0, v60  }
0x59: {  	v3 =	vor.u32 v3, v4  }
0x5a: {  	v4 =	vperm.xlane v3, v0;
	_ =	sdelay $0x1  }
0x5b: {  	v3 =	vperm.xlane v3, v2;
	v4 =	vadd.s32 v1, v4;
	_ =	sdelay $0x1  }
0x5c: {  	v3 =	vadd.s32 v1, v3;
	_ =	sdelay $0x2  }
0x5d: {  	[tilespmem:s18], [sflag:$0x1] =	stream.indirect_vreg.gather [hbm4b:s3+s2], $0x80, v4, vm0, $0xb8;
	[tilespmem:$0x14200] =	vst v63  }
0x5e: {  	_ = 	snop  }
0x5f: {  	[tilespmem:s19], [sflag:$0x1] =	stream.indirect_vreg.gather [hbm4b:s3+s2], $0x80, v3, vm0, $0xb8;
	[tilespmem:$0x14200] =	vst v63  }
0x60: {  	v3 =	vld [tilespmem:$0x150];
	_ =	sdelay $0x4  }
0x61: {  	v61 =	vshll.u32 v3, $0x1  }
0x62: {  	v3 =	vand.u32 $0x7, v3;
	v4 =	vand.u32 $0xFFFFFFF0, v61  }
0x63: {  	v3 =	vor.u32 v3, v4  }
0x64: {  	v4 =	vperm.xlane v3, v0;
	_ =	sdelay $0x1  }
0x65: {  	v3 =	vperm.xlane v3, v2;
	v4 =	vadd.s32 v1, v4;
	_ =	sdelay $0x1  }
0x66: {  	v3 =	vadd.s32 v1, v3;
	_ =	sdelay $0x2  }
0x67: {  	[tilespmem:s20], [sflag:$0x1] =	stream.indirect_vreg.gather [hbm4b:s3+s2], $0x80, v4, vm0, $0xb8;
	[tilespmem:$0x14200] =	vst v63  }
0x68: {  	_ = 	snop  }
0x69: {  	[tilespmem:s21], [sflag:$0x1] =	stream.indirect_vreg.gather [hbm4b:s3+s2], $0x80, v3, vm0, $0xb8;
	[tilespmem:$0x14200] =	vst v63  }
0x6a: {  	v3 =	vld [tilespmem:$0x160];
	_ =	sdelay $0x4  }
0x6b: {  	v62 =	vshll.u32 v3, $0x1  }
0x6c: {  	v3 =	vand.u32 $0x7, v3;
	v4 =	vand.u32 $0xFFFFFFF0, v62  }
0x6d: {  	v3 =	vor.u32 v3, v4  }
0x6e: {  	v4 =	vperm.xlane v3, v0;
	_ =	sdelay $0x1  }
0x6f: {  	v3 =	vperm.xlane v3, v2;
	v4 =	vadd.s32 v1, v4;
	_ =	sdelay $0x1  }
0x70: {  	v3 =	vadd.s32 v1, v3;
	_ =	sdelay $0x2  }
0x71: {  	[tilespmem:s22], [sflag:$0x1] =	stream.indirect_vreg.gather [hbm4b:s3+s2], $0x80, v4, vm0, $0xb8;
	[tilespmem:$0x14200] =	vst v63  }
0x72: {  	_ = 	snop  }
0x73: {  	[tilespmem:s23], [sflag:$0x1] =	stream.indirect_vreg.gather [hbm4b:s3+s2], $0x80, v3, vm0, $0xb8;
	[tilespmem:$0x14200] =	vst v63  }
0x74: {  	v3 =	vld [tilespmem:$0x170];
	_ =	sdelay $0x4  }
0x75: {  	v63 =	vshll.u32 v3, $0x1  }
0x76: {  	v3 =	vand.u32 $0x7, v3;
	v4 =	vand.u32 $0xFFFFFFF0, v63  }
0x77: {  	v3 =	vor.u32 v3, v4  }
0x78: {  	v4 =	vperm.xlane v3, v0;
	_ =	sdelay $0x1  }
0x79: {  	v3 =	vperm.xlane v3, v2;
	v4 =	vadd.s32 v1, v4;
	_ =	sdelay $0x1  }
0x7a: {  	v3 =	vadd.s32 v1, v3;
	_ =	sdelay $0x2  }
0x7b: {  	[tilespmem:s24], [sflag:$0x1] =	stream.indirect_vreg.gather [hbm4b:s3+s2], $0x80, v4, vm0, $0xb8;
	[tilespmem:$0x14200] =	vst v63  }
0x7c: {  	_ = 	snop  }
0x7d: {  	[tilespmem:s25], [sflag:$0x1] =	stream.indirect_vreg.gather [hbm4b:s3+s2], $0x80, v3, vm0, $0xb8;
	[tilespmem:$0x14200] =	vst v63  }
0x7e: {  	s5 =	rddreg [dreg:$0x2]  }
0x7f: {  	[tilespmem:s28], [sflag:$0x1] =	stream.indirect.gather [hbm4b:s5+s13], $0x80, s26, s13, $0xb8;
	[tilespmem:$0x14200] =	vst v63  }
0x80: {  	_ =	swait.ge [sflag:s29], $0x4000  }
0x81: {  	[sflag:s29] =	ssyncset.done $0x0  }
0x82: {  	[sflag:s29] =	ssyncadd.s32 $0xFFFFC000  }
0x83: {  	_ =	swait.ge [sflag:s29], $0x4000  }
0x84: {  	[sflag:s29] =	ssyncset.done $0x0  }
0x85: {  	[sflag:s29] =	ssyncadd.s32 $0xFFFFC000  }
0x86: {  	_ =	swait.ge [sflag:s29], $0x8000  }
0x87: {  	[sflag:s29] =	ssyncset.done $0x0  }
0x88: {  	[sflag:s29] =	ssyncadd.s32 $0xFFFF8000  }
0x89: {  	_ =	swait.ge [sflag:s29], $0x4000  }
0x8a: {  	[sflag:s29] =	ssyncset.done $0x0  }
0x8b: {  	[sflag:s29] =	ssyncadd.s32 $0xFFFFC000  }
0x8c: {  	[hbm4b:s10+s2] =	stream.linear.scatter [tilespmem:s16], [sflag:$0x2], $0x8000, $0x38;
	[tilespmem:$0x14200] =	vst v63  }
0x8d: {  	_ =	swait.ge [sflag:s12], $0x8000  }
0x8e: {  	[sflag:s12] =	ssyncset.done $0x0  }
0x8f: {  	[sflag:s12] =	ssyncadd.s32 $0xFFFF8000  }
0x90: {  	[hbm4b:s9+s2] =	stream.linear.scatter [tilespmem:s14], [sflag:$0x2], $0x4000, $0x38;
	[tilespmem:$0x14200] =	vst v63  }
0x91: {  	_ =	swait.ge [sflag:s12], $0x4000  }
0x92: {  	[sflag:s12] =	ssyncset.done $0x0  }
0x93: {  	[sflag:s12] =	ssyncadd.s32 $0xFFFFC000  }
0x94: {  	[hbm4b:s8+s2] =	stream.linear.scatter [tilespmem:s15], [sflag:$0x2], $0x4000, $0x38;
	[tilespmem:$0x14200] =	vst v63  }
0x95: {  	_ =	swait.ge [sflag:s12], $0x4000  }
0x96: {  	p0 =	sne.s32 s6, $0x1;
	[sflag:s12] =	ssyncset.done $0x0  }
.Ltmp1:
0x97: {  	[sflag:s12] =	ssyncadd.s32 $0xFFFFC000;
	(pc) =	sbr.rel @p0 .LBB2_3-.Ltmp1, $4  }
0x98: {  	[hbm4b:s7+s2] =	stream.linear.scatter [tilespmem:s28], [sflag:$0x2], $0x4000, $0x38;
	[tilespmem:$0x14200] =	vst v63  }
0x99: {  	s31 =	sadd.s32 $0x40, s31;
	s6 =	sadd.s32 $0xFFFFFFFF, s6;
	_ =	swait.ge [sflag:s12], $0x4000  }
0x9a: {  	s10 =	sadd.s32 $0x1000, s10;
	s9 =	sadd.s32 $0x800, s9;
	[sflag:s12] =	ssyncset.done $0x0  }
0x9b: {  	s8 =	sadd.s32 $0x800, s8;
	s7 =	sadd.s32 $0x800, s7;
	[sflag:s12] =	ssyncadd.s32 $0xFFFFC000  }
0x9c: {  	s30 =	sadd.s32 $0x1, s30;
	s0 =	rddreg [dreg:$0x9]  }
0x9d: {  	p0 =	sne.s32 s30, s0  }
.Ltmp2:
0x9e: {  	_ = 	snop;
	(pc) =	sbr.rel @p0 .LBB2_2-.Ltmp2, $1  }
0x9f: {  	_ =	sdelay $0x3  }
.LBB2_5:
0xa0: {  	_ =	sfence.sel $0x180000  }
0xa1: {  	[bflag:$0x0] =	sbarrier.arrive $0xFFFF  }
0xa2: {  	_ =	strace $0x90000053  }
0xa3: {  	s0 =	stileid.u32;
	[bflag:$0x2] =	sbarrier.arrive $0xFFFF  }
0xa4: {  	p0 =	sne.s32 s0, $0x0;
	s0 =	rddreg [dreg:$0x1]  }
0xa5: {  	s0 =	sadd.s32 @!p0 $0x100000, s0  }
0xa6: {  	[sflag:s0] =	ssyncadd.tile.s32 @!p0 $0x1;
	_ =	shalt  }
.Lfunc_end2:
_tile_overlayer_lowered:
.L_overlay_start_2:
0xa7: {  	(tag) =	ssettag $0x2  }
0xa8: {  	s0 =	rddreg [dreg:$0x0];
	s2 =	stileid.u32  }
0xa9: {  	s1 =	rddreg [dreg:$0x1];
	p0 =	sne.s32 s2, $0x0  }
0xaa: {  	s3 =	rddreg [dreg:$0x2];
	[bflag:$0x3] =	sbarrier.arrive $0xFFFF;
	s2 =	simm.s32 @!p0 $0x1C02  }
0xab: {  	[timem:s3], [sflag:s2] =	dma.local @!p0 [hbm:s0], s1  }
0xac: {  	s0 =	simm.s32 @!p0 $0x2  }
0xad: {  	_ =	swait.ge @!p0 [sflag:s0], s1  }
0xae: {  	s1 =	ssub.s32 @!p0 $0x0, s1;
	[sflag:s0] =	ssyncset.done @!p0 $0x0  }
0xaf: {  	[sflag:s0] =	ssyncadd.s32 @!p0 s1  }
0xb0: {  	[bflag:$0x3] =	sbarrier.arrive $0xFFFF  }
0xb1: {  	_ =	shalt  }

</sc_bundles>
